<compile_context>
chip_gen: v7x
topology: tpu7x:2x2x1
jax: 0.10.2.dev20260603
libtpu: 0.0.44.dev20260713+nightly
codegen_flags: <defaults>
</compile_context>

<pallas_src>
import jax
import jax.numpy as jnp
from jax import lax
from jax.experimental import pallas as pl
from jax.experimental.pallas import tpu as pltpu
from jax.experimental.pallas import tpu_sc as plsc

N_CORES = 2
N_SUBCORES = 16
N_WORKERS = N_CORES * N_SUBCORES
LANES = 16

BATCH = 16384
DIM = 128
B_W = BATCH // N_WORKERS
CHUNK = 128
SIZES = (32, 96, 128, 128, 96, 32)
OFFS = (0, 32, 128, 256, 384, 480)
N_CHUNKS = len(SIZES)
SLICES = DIM // LANES
TPAD = 24


def _sc_body(h_hbm, r_hbm, t_hbm, ent_hbm, rel_hbm, out_hbm,
             h_idx, r_idx, t_idx,
             hb0, rb0, tb0, hb1, rb1, tb1,
             out_v, tr, sem0, sem1, sem2):
    sid = lax.axis_index("s")
    wid = sid * N_CORES + lax.axis_index("c")
    base = pl.multiple_of(wid * B_W, B_W)

    bufs = ((hb0, rb0, tb0, sem0), (hb1, rb1, tb1, sem1))

    def start(c):
        hb, rb, tb, sem = bufs[c % 2]
        lo, n = OFFS[c], SIZES[c]
        return (
            pltpu.async_copy(ent_hbm.at[h_idx.at[pl.ds(lo, n)]],
                             hb.at[pl.ds(0, n)], sem),
            pltpu.async_copy(rel_hbm.at[r_idx.at[pl.ds(lo, n)]],
                             rb.at[pl.ds(0, n)], sem),
            pltpu.async_copy(ent_hbm.at[t_idx.at[pl.ds(lo, n)]],
                             tb.at[pl.ds(0, n)], sem),
        )

    hb_0, rb_0, tb_0, gsem0 = bufs[0]
    n0 = SIZES[0]
    isem = sem1
    di0 = pltpu.async_copy(h_hbm.at[pl.ds(base, B_W)], h_idx, isem)
    di1 = pltpu.async_copy(r_hbm.at[pl.ds(base, B_W)], r_idx, isem)
    di2 = pltpu.async_copy(t_hbm.at[pl.ds(base, B_W)], t_idx, isem)
    di0.wait()
    g0 = pltpu.async_copy(ent_hbm.at[h_idx.at[pl.ds(0, n0)]],
                          hb_0.at[pl.ds(0, n0)], gsem0)
    di1.wait()
    g1 = pltpu.async_copy(rel_hbm.at[r_idx.at[pl.ds(0, n0)]],
                          rb_0.at[pl.ds(0, n0)], gsem0)
    di2.wait()
    g2 = pltpu.async_copy(ent_hbm.at[t_idx.at[pl.ds(0, n0)]],
                          tb_0.at[pl.ds(0, n0)], gsem0)

    iota = lax.iota(jnp.int32, LANES)

    def compute(c):
        hb, rb, tb, _ = bufs[c % 2]
        lo = OFFS[c]

        def group(g, carry):
            row0 = pl.multiple_of(g * LANES, LANES)

            def one_row(j, carry2):
                row = row0 + j
                acc = jnp.zeros((LANES,), jnp.float32)
                for s in range(SLICES):
                    sl = pl.ds(s * LANES, LANES)
                    acc = acc + jnp.abs(hb[row, sl] + rb[row, sl] - tb[row, sl])
                tr[pl.ds(j * TPAD, LANES)] = acc
                return carry2

            lax.fori_loop(0, LANES, one_row, 0)
            tot = plsc.load_gather(tr, [iota * TPAD])
            for i in range(1, LANES):
                tot = tot + plsc.load_gather(tr, [iota * TPAD + i])
            out_v[pl.ds(lo + row0, LANES)] = -tot
            return carry

        lax.fori_loop(0, SIZES[c] // LANES, group, 0)

    descs = [(g0, g1, g2)]
    osem = sem2
    odescs = []
    for c in range(N_CHUNKS):
        if c + 1 < N_CHUNKS:
            descs.append(start(c + 1))
        for d in descs[c]:
            d.wait()
        compute(c)
        odescs.append(pltpu.async_copy(
            out_v.at[pl.ds(OFFS[c], SIZES[c])],
            out_hbm.at[pl.ds(base + OFFS[c], SIZES[c])], osem))
    for d in odescs:
        d.wait()


def _make_kernel():
    mesh = plsc.VectorSubcoreMesh(core_axis_name="c", subcore_axis_name="s",
                                  num_cores=N_CORES, num_subcores=N_SUBCORES)
    return pl.kernel(
        _sc_body,
        out_type=jax.ShapeDtypeStruct((BATCH,), jnp.float32),
        mesh=mesh,
        compiler_params=pltpu.CompilerParams(needs_layout_passes=False),
        scratch_types=(
            [pltpu.VMEM((B_W,), jnp.int32)] * 3
            + [pltpu.VMEM((CHUNK, DIM), jnp.float32)] * 6
            + [pltpu.VMEM((B_W,), jnp.float32),
               pltpu.VMEM((LANES * TPAD,), jnp.float32)]
            + [pltpu.SemaphoreType.DMA] * 3
        ),
    )


@jax.jit
def kernel(h, r, t, entity_embedding, relation_embedding):
    fn = _make_kernel()
    return fn(h.astype(jnp.int32), r.astype(jnp.int32), t.astype(jnp.int32),
              entity_embedding, relation_embedding)

# --- scband reference (transcript-rebuilt; emitter-appended) ---
"""Pipeline reference for scband-trans-e-26860725469685 (READ-ONLY COPY).

The authoritative reference and input builder live on the scoring server;
editing this copy changes nothing except your own understanding.
"""

import jax, jax.numpy as jnp
import numpy as np
import math

N_ENTITY = 100000
N_RELATION = 1000
DIM = 128
BATCH = 16384
P_NORM = 1


def setup_inputs(seed: int = 0) -> dict:
    key = jax.random.key(seed)
    k1, k2, k3, k4, k5 = jax.random.split(key, 5)
    init_range = 6.0 / math.sqrt(DIM)
    entity_embedding = jax.random.uniform(k1, (N_ENTITY, DIM), dtype=jnp.float32, minval=-init_range, maxval=init_range)
    relation_embedding = jax.random.uniform(k2, (N_RELATION, DIM), dtype=jnp.float32, minval=-init_range, maxval=init_range)
    h = jax.random.randint(k3, (BATCH,), 0, N_ENTITY, dtype=jnp.int64 if jax.config.jax_enable_x64 else jnp.int32)
    r = jax.random.randint(k4, (BATCH,), 0, N_RELATION, dtype=jnp.int64 if jax.config.jax_enable_x64 else jnp.int32)
    t = jax.random.randint(k5, (BATCH,), 0, N_ENTITY, dtype=jnp.int64 if jax.config.jax_enable_x64 else jnp.int32)
    return {"h": h, "r": r, "t": t, "entity_embedding": entity_embedding, "relation_embedding": relation_embedding}


def reference(h, r, t, entity_embedding, relation_embedding):
    # mode == 'hrt': plain lookups, squeeze is a no-op for 1-D index batches
    head = jnp.take(entity_embedding, h, axis=0)
    relation = jnp.take(relation_embedding, r, axis=0)
    tail = jnp.take(entity_embedding, t, axis=0)
    score = head + relation - tail
    # torch.norm(score, p=1, dim=-1)
    score = jnp.sum(jnp.abs(score), axis=-1)
    return -score

if __name__ == "__main__":
    import jax
    _d = setup_inputs()
    print(jax.jit(kernel)(*tuple(_d.values())))

</pallas_src>

<mosaic_0001>
#map = affine_map<(d0, d1) -> (0)>
#map1 = affine_map<(d0, d1) -> (0, 0)>
module attributes {stable_mosaic.version = 14 : i64} {
  func.func @_sc_body(%arg0: i32, %arg1: i32, %arg2: memref<16384xi32, #tpu.memory_space<hbm>>, %arg3: memref<16384xi32, #tpu.memory_space<hbm>>, %arg4: memref<16384xi32, #tpu.memory_space<hbm>>, %arg5: memref<100000x128xf32, #tpu.memory_space<hbm>>, %arg6: memref<1000x128xf32, #tpu.memory_space<hbm>>, %arg7: memref<16384xf32, #tpu.memory_space<hbm>>, %arg8: memref<512xi32, #tpu.memory_space<vmem>>, %arg9: memref<512xi32, #tpu.memory_space<vmem>>, %arg10: memref<512xi32, #tpu.memory_space<vmem>>, %arg11: memref<128x128xf32, #tpu.memory_space<vmem>>, %arg12: memref<128x128xf32, #tpu.memory_space<vmem>>, %arg13: memref<128x128xf32, #tpu.memory_space<vmem>>, %arg14: memref<128x128xf32, #tpu.memory_space<vmem>>, %arg15: memref<128x128xf32, #tpu.memory_space<vmem>>, %arg16: memref<128x128xf32, #tpu.memory_space<vmem>>, %arg17: memref<512xf32, #tpu.memory_space<vmem>>, %arg18: memref<384xf32, #tpu.memory_space<vmem>>, %arg19: memref<!tpu.dma_semaphore, #tpu.memory_space<semaphore_mem>>, %arg20: memref<!tpu.dma_semaphore, #tpu.memory_space<semaphore_mem>>, %arg21: memref<!tpu.dma_semaphore, #tpu.memory_space<semaphore_mem>>) attributes {dimension_semantics = [#tpu.dimension_semantics<core_parallel>, #tpu.dimension_semantics<subcore_parallel>], iteration_bounds = array<i64: 2, 16>, scalar_prefetch = 0 : i64, scratch_operands = 14 : i64, tpu.core_type = #tpu.core_type<sc_vector_subcore>, window_params = [{transform_indices = #map}, {transform_indices = #map}, {transform_indices = #map}, {transform_indices = #map1}, {transform_indices = #map1}, {transform_indices = #map}]} {
    %mul3A = arith.constant 2 : i32
    %mul3A_0 = arith.muli %arg1, %mul3A : i32
    %add3A = arith.addi %mul3A_0, %arg0 : i32
    %mul3A_1 = arith.constant 512 : i32
    %mul3A_2 = arith.muli %add3A, %mul3A_1 : i32
    %multiple_of3A = tpu.assume_multiple %mul3A_2, 512 : i32
    %dma_start3A = tpu.memref_slice %arg2[%multiple_of3A] : memref<16384xi32, #tpu.memory_space<hbm>> -> memref<512xi32, #tpu.memory_space<hbm>>
    %dma_start3A_3 = tpu.memref_slice %arg2[%multiple_of3A] : memref<16384xi32, #tpu.memory_space<hbm>> -> memref<512xi32, #tpu.memory_space<hbm>>
    tpu.enqueue_dma source(%dma_start3A_3 : memref<512xi32, #tpu.memory_space<hbm>>) target(%arg8 : memref<512xi32, #tpu.memory_space<vmem>>) target_semaphore(%arg20 : memref<!tpu.dma_semaphore, #tpu.memory_space<semaphore_mem>>)
    %dma_start3A_4 = tpu.memref_slice %arg3[%multiple_of3A] : memref<16384xi32, #tpu.memory_space<hbm>> -> memref<512xi32, #tpu.memory_space<hbm>>
    %dma_start3A_5 = tpu.memref_slice %arg3[%multiple_of3A] : memref<16384xi32, #tpu.memory_space<hbm>> -> memref<512xi32, #tpu.memory_space<hbm>>
    tpu.enqueue_dma source(%dma_start3A_5 : memref<512xi32, #tpu.memory_space<hbm>>) target(%arg9 : memref<512xi32, #tpu.memory_space<vmem>>) target_semaphore(%arg20 : memref<!tpu.dma_semaphore, #tpu.memory_space<semaphore_mem>>)
    %dma_start3A_6 = tpu.memref_slice %arg4[%multiple_of3A] : memref<16384xi32, #tpu.memory_space<hbm>> -> memref<512xi32, #tpu.memory_space<hbm>>
    %dma_start3A_7 = tpu.memref_slice %arg4[%multiple_of3A] : memref<16384xi32, #tpu.memory_space<hbm>> -> memref<512xi32, #tpu.memory_space<hbm>>
    tpu.enqueue_dma source(%dma_start3A_7 : memref<512xi32, #tpu.memory_space<hbm>>) target(%arg10 : memref<512xi32, #tpu.memory_space<vmem>>) target_semaphore(%arg20 : memref<!tpu.dma_semaphore, #tpu.memory_space<semaphore_mem>>)
    %dma_wait3A = tpu.memref_slice %arg2[%multiple_of3A] : memref<16384xi32, #tpu.memory_space<hbm>> -> memref<512xi32, #tpu.memory_space<hbm>>
    %dma_wait3A_8 = tpu.memref_slice %arg2[%multiple_of3A] : memref<16384xi32, #tpu.memory_space<hbm>> -> memref<512xi32, #tpu.memory_space<hbm>>
    tpu.wait_dma2 semaphore(%arg20 : memref<!tpu.dma_semaphore, #tpu.memory_space<semaphore_mem>>) src(%dma_wait3A_8 : memref<512xi32, #tpu.memory_space<hbm>>) dst(%arg8 : memref<512xi32, #tpu.memory_space<vmem>>)
    %dma_start3A_9 = arith.constant 0 : i32
    %dma_start3A_10 = arith.constant 0 : i32
    %dma_start3A_11 = tpu.memref_slice %arg11[%dma_start3A_9, %dma_start3A_10] : memref<128x128xf32, #tpu.memory_space<vmem>> -> memref<32x128xf32, #tpu.memory_space<vmem>>
    %dma_start3A_12 = arith.constant 0 : i32
    %dma_start3A_13 = tpu.memref_slice %arg8[%dma_start3A_12] : memref<512xi32, #tpu.memory_space<vmem>> -> memref<32xi32, #tpu.memory_space<vmem>>
    %dma_start3A_14 = arith.constant 0 : i32
    %dma_start3A_15 = arith.constant 0 : i32
    %dma_start3A_16 = tpu.memref_slice %arg5[%dma_start3A_14, %dma_start3A_15] : memref<100000x128xf32, #tpu.memory_space<hbm>> -> memref<100000x128xf32, #tpu.memory_space<hbm>>
    tpu.enqueue_indirect_dma source(%dma_start3A_16 : memref<100000x128xf32, #tpu.memory_space<hbm>>) target(%dma_start3A_11 : memref<32x128xf32, #tpu.memory_space<vmem>>) offsets(%dma_start3A_13 : memref<32xi32, #tpu.memory_space<vmem>>) semaphore(%arg19 : memref<!tpu.dma_semaphore, #tpu.memory_space<semaphore_mem>>)
    %dma_wait3A_17 = tpu.memref_slice %arg3[%multiple_of3A] : memref<16384xi32, #tpu.memory_space<hbm>> -> memref<512xi32, #tpu.memory_space<hbm>>
    %dma_wait3A_18 = tpu.memref_slice %arg3[%multiple_of3A] : memref<16384xi32, #tpu.memory_space<hbm>> -> memref<512xi32, #tpu.memory_space<hbm>>
    tpu.wait_dma2 semaphore(%arg20 : memref<!tpu.dma_semaphore, #tpu.memory_space<semaphore_mem>>) src(%dma_wait3A_18 : memref<512xi32, #tpu.memory_space<hbm>>) dst(%arg9 : memref<512xi32, #tpu.memory_space<vmem>>)
    %dma_start3A_19 = arith.constant 0 : i32
    %dma_start3A_20 = arith.constant 0 : i32
    %dma_start3A_21 = tpu.memref_slice %arg12[%dma_start3A_19, %dma_start3A_20] : memref<128x128xf32, #tpu.memory_space<vmem>> -> memref<32x128xf32, #tpu.memory_space<vmem>>
    %dma_start3A_22 = arith.constant 0 : i32
    %dma_start3A_23 = tpu.memref_slice %arg9[%dma_start3A_22] : memref<512xi32, #tpu.memory_space<vmem>> -> memref<32xi32, #tpu.memory_space<vmem>>
    %dma_start3A_24 = arith.constant 0 : i32
    %dma_start3A_25 = arith.constant 0 : i32
    %dma_start3A_26 = tpu.memref_slice %arg6[%dma_start3A_24, %dma_start3A_25] : memref<1000x128xf32, #tpu.memory_space<hbm>> -> memref<1000x128xf32, #tpu.memory_space<hbm>>
    tpu.enqueue_indirect_dma source(%dma_start3A_26 : memref<1000x128xf32, #tpu.memory_space<hbm>>) target(%dma_start3A_21 : memref<32x128xf32, #tpu.memory_space<vmem>>) offsets(%dma_start3A_23 : memref<32xi32, #tpu.memory_space<vmem>>) semaphore(%arg19 : memref<!tpu.dma_semaphore, #tpu.memory_space<semaphore_mem>>)
    %dma_wait3A_27 = tpu.memref_slice %arg4[%multiple_of3A] : memref<16384xi32, #tpu.memory_space<hbm>> -> memref<512xi32, #tpu.memory_space<hbm>>
    %dma_wait3A_28 = tpu.memref_slice %arg4[%multiple_of3A] : memref<16384xi32, #tpu.memory_space<hbm>> -> memref<512xi32, #tpu.memory_space<hbm>>
    tpu.wait_dma2 semaphore(%arg20 : memref<!tpu.dma_semaphore, #tpu.memory_space<semaphore_mem>>) src(%dma_wait3A_28 : memref<512xi32, #tpu.memory_space<hbm>>) dst(%arg10 : memref<512xi32, #tpu.memory_space<vmem>>)
    %dma_start3A_29 = arith.constant 0 : i32
    %dma_start3A_30 = arith.constant 0 : i32
    %dma_start3A_31 = tpu.memref_slice %arg13[%dma_start3A_29, %dma_start3A_30] : memref<128x128xf32, #tpu.memory_space<vmem>> -> memref<32x128xf32, #tpu.memory_space<vmem>>
    %dma_start3A_32 = arith.constant 0 : i32
    %dma_start3A_33 = tpu.memref_slice %arg10[%dma_start3A_32] : memref<512xi32, #tpu.memory_space<vmem>> -> memref<32xi32, #tpu.memory_space<vmem>>
    %dma_start3A_34 = arith.constant 0 : i32
    %dma_start3A_35 = arith.constant 0 : i32
    %dma_start3A_36 = tpu.memref_slice %arg5[%dma_start3A_34, %dma_start3A_35] : memref<100000x128xf32, #tpu.memory_space<hbm>> -> memref<100000x128xf32, #tpu.memory_space<hbm>>
    tpu.enqueue_indirect_dma source(%dma_start3A_36 : memref<100000x128xf32, #tpu.memory_space<hbm>>) target(%dma_start3A_31 : memref<32x128xf32, #tpu.memory_space<vmem>>) offsets(%dma_start3A_33 : memref<32xi32, #tpu.memory_space<vmem>>) semaphore(%arg19 : memref<!tpu.dma_semaphore, #tpu.memory_space<semaphore_mem>>)
    %iota3A = tpu.iota {dimensions = array<i32: 0>} : vector<16xi32>
    %dma_start3A_37 = arith.constant 0 : i32
    %dma_start3A_38 = arith.constant 0 : i32
    %dma_start3A_39 = tpu.memref_slice %arg14[%dma_start3A_37, %dma_start3A_38] : memref<128x128xf32, #tpu.memory_space<vmem>> -> memref<96x128xf32, #tpu.memory_space<vmem>>
    %dma_start3A_40 = arith.constant 32 : i32
    %dma_start3A_41 = tpu.memref_slice %arg8[%dma_start3A_40] : memref<512xi32, #tpu.memory_space<vmem>> -> memref<96xi32, #tpu.memory_space<vmem>>
    %dma_start3A_42 = arith.constant 0 : i32
    %dma_start3A_43 = arith.constant 0 : i32
    %dma_start3A_44 = tpu.memref_slice %arg5[%dma_start3A_42, %dma_start3A_43] : memref<100000x128xf32, #tpu.memory_space<hbm>> -> memref<100000x128xf32, #tpu.memory_space<hbm>>
    tpu.enqueue_indirect_dma source(%dma_start3A_44 : memref<100000x128xf32, #tpu.memory_space<hbm>>) target(%dma_start3A_39 : memref<96x128xf32, #tpu.memory_space<vmem>>) offsets(%dma_start3A_41 : memref<96xi32, #tpu.memory_space<vmem>>) semaphore(%arg20 : memref<!tpu.dma_semaphore, #tpu.memory_space<semaphore_mem>>)
    %dma_start3A_45 = arith.constant 0 : i32
    %dma_start3A_46 = arith.constant 0 : i32
    %dma_start3A_47 = tpu.memref_slice %arg15[%dma_start3A_45, %dma_start3A_46] : memref<128x128xf32, #tpu.memory_space<vmem>> -> memref<96x128xf32, #tpu.memory_space<vmem>>
    %dma_start3A_48 = arith.constant 32 : i32
    %dma_start3A_49 = tpu.memref_slice %arg9[%dma_start3A_48] : memref<512xi32, #tpu.memory_space<vmem>> -> memref<96xi32, #tpu.memory_space<vmem>>
    %dma_start3A_50 = arith.constant 0 : i32
    %dma_start3A_51 = arith.constant 0 : i32
    %dma_start3A_52 = tpu.memref_slice %arg6[%dma_start3A_50, %dma_start3A_51] : memref<1000x128xf32, #tpu.memory_space<hbm>> -> memref<1000x128xf32, #tpu.memory_space<hbm>>
    tpu.enqueue_indirect_dma source(%dma_start3A_52 : memref<1000x128xf32, #tpu.memory_space<hbm>>) target(%dma_start3A_47 : memref<96x128xf32, #tpu.memory_space<vmem>>) offsets(%dma_start3A_49 : memref<96xi32, #tpu.memory_space<vmem>>) semaphore(%arg20 : memref<!tpu.dma_semaphore, #tpu.memory_space<semaphore_mem>>)
    %dma_start3A_53 = arith.constant 0 : i32
    %dma_start3A_54 = arith.constant 0 : i32
    %dma_start3A_55 = tpu.memref_slice %arg16[%dma_start3A_53, %dma_start3A_54] : memref<128x128xf32, #tpu.memory_space<vmem>> -> memref<96x128xf32, #tpu.memory_space<vmem>>
    %dma_start3A_56 = arith.constant 32 : i32
    %dma_start3A_57 = tpu.memref_slice %arg10[%dma_start3A_56] : memref<512xi32, #tpu.memory_space<vmem>> -> memref<96xi32, #tpu.memory_space<vmem>>
    %dma_start3A_58 = arith.constant 0 : i32
    %dma_start3A_59 = arith.constant 0 : i32
    %dma_start3A_60 = tpu.memref_slice %arg5[%dma_start3A_58, %dma_start3A_59] : memref<100000x128xf32, #tpu.memory_space<hbm>> -> memref<100000x128xf32, #tpu.memory_space<hbm>>
    tpu.enqueue_indirect_dma source(%dma_start3A_60 : memref<100000x128xf32, #tpu.memory_space<hbm>>) target(%dma_start3A_55 : memref<96x128xf32, #tpu.memory_space<vmem>>) offsets(%dma_start3A_57 : memref<96xi32, #tpu.memory_space<vmem>>) semaphore(%arg20 : memref<!tpu.dma_semaphore, #tpu.memory_space<semaphore_mem>>)
    %dma_wait3A_61 = arith.constant 0 : i32
    %dma_wait3A_62 = arith.constant 0 : i32
    %dma_wait3A_63 = tpu.memref_slice %arg11[%dma_wait3A_61, %dma_wait3A_62] : memref<128x128xf32, #tpu.memory_space<vmem>> -> memref<32x128xf32, #tpu.memory_space<vmem>>
    %dma_wait3A_64 = arith.constant 0 : i32
    %dma_wait3A_65 = tpu.memref_slice %arg8[%dma_wait3A_64] : memref<512xi32, #tpu.memory_space<vmem>> -> memref<32xi32, #tpu.memory_space<vmem>>
    %dma_wait3A_66 = arith.constant 0 : i32
    %dma_wait3A_67 = arith.constant 0 : i32
    %dma_wait3A_68 = tpu.memref_slice %arg5[%dma_wait3A_66, %dma_wait3A_67] : memref<100000x128xf32, #tpu.memory_space<hbm>> -> memref<100000x128xf32, #tpu.memory_space<hbm>>
    tpu.wait_indirect_dma semaphore(%arg19 : memref<!tpu.dma_semaphore, #tpu.memory_space<semaphore_mem>>) src(%dma_wait3A_68 : memref<100000x128xf32, #tpu.memory_space<hbm>>) dst(%dma_wait3A_63 : memref<32x128xf32, #tpu.memory_space<vmem>>)
    %dma_wait3A_69 = arith.constant 0 : i32
    %dma_wait3A_70 = arith.constant 0 : i32
    %dma_wait3A_71 = tpu.memref_slice %arg12[%dma_wait3A_69, %dma_wait3A_70] : memref<128x128xf32, #tpu.memory_space<vmem>> -> memref<32x128xf32, #tpu.memory_space<vmem>>
    %dma_wait3A_72 = arith.constant 0 : i32
    %dma_wait3A_73 = tpu.memref_slice %arg9[%dma_wait3A_72] : memref<512xi32, #tpu.memory_space<vmem>> -> memref<32xi32, #tpu.memory_space<vmem>>
    %dma_wait3A_74 = arith.constant 0 : i32
    %dma_wait3A_75 = arith.constant 0 : i32
    %dma_wait3A_76 = tpu.memref_slice %arg6[%dma_wait3A_74, %dma_wait3A_75] : memref<1000x128xf32, #tpu.memory_space<hbm>> -> memref<1000x128xf32, #tpu.memory_space<hbm>>
    tpu.wait_indirect_dma semaphore(%arg19 : memref<!tpu.dma_semaphore, #tpu.memory_space<semaphore_mem>>) src(%dma_wait3A_76 : memref<1000x128xf32, #tpu.memory_space<hbm>>) dst(%dma_wait3A_71 : memref<32x128xf32, #tpu.memory_space<vmem>>)
    %dma_wait3A_77 = arith.constant 0 : i32
    %dma_wait3A_78 = arith.constant 0 : i32
    %dma_wait3A_79 = tpu.memref_slice %arg13[%dma_wait3A_77, %dma_wait3A_78] : memref<128x128xf32, #tpu.memory_space<vmem>> -> memref<32x128xf32, #tpu.memory_space<vmem>>
    %dma_wait3A_80 = arith.constant 0 : i32
    %dma_wait3A_81 = tpu.memref_slice %arg10[%dma_wait3A_80] : memref<512xi32, #tpu.memory_space<vmem>> -> memref<32xi32, #tpu.memory_space<vmem>>
    %dma_wait3A_82 = arith.constant 0 : i32
    %dma_wait3A_83 = arith.constant 0 : i32
    %dma_wait3A_84 = tpu.memref_slice %arg5[%dma_wait3A_82, %dma_wait3A_83] : memref<100000x128xf32, #tpu.memory_space<hbm>> -> memref<100000x128xf32, #tpu.memory_space<hbm>>
    tpu.wait_indirect_dma semaphore(%arg19 : memref<!tpu.dma_semaphore, #tpu.memory_space<semaphore_mem>>) src(%dma_wait3A_84 : memref<100000x128xf32, #tpu.memory_space<hbm>>) dst(%dma_wait3A_79 : memref<32x128xf32, #tpu.memory_space<vmem>>)
    %scan3A = arith.constant 0 : i32
    %scan3A_85 = arith.constant 0 : i32
    %scan3A_86 = arith.constant 2 : i32
    %scan3A_87 = arith.addi %scan3A_85, %scan3A_86 : i32
    %scan3A_88 = arith.constant 1 : i32
    scf.for %scan3A_420 = %scan3A_85 to %scan3A_87 step %scan3A_88  : i32 {
      %mul3A_421 = arith.constant 16 : i32
      %mul3A_422 = arith.muli %scan3A_420, %mul3A_421 : i32
      %multiple_of3A_423 = tpu.assume_multiple %mul3A_422, 16 : i32
      %scan3A_424 = arith.constant 0 : i32
      %scan3A_425 = arith.constant 0 : i32
      %scan3A_426 = arith.constant 16 : i32
      %scan3A_427 = arith.addi %scan3A_425, %scan3A_426 : i32
      %scan3A_428 = arith.constant 1 : i32
      scf.for %scan3A_558 = %scan3A_425 to %scan3A_427 step %scan3A_428  : i32 {
        %add3A_559 = arith.addi %multiple_of3A_423, %scan3A_558 : i32
        %broadcast_in_dim3A = arith.constant 0.000000e+00 : f32
        %broadcast_in_dim3A_560 = vector.broadcast %broadcast_in_dim3A : f32 to vector<16xf32>
        %get3A = arith.index_cast %add3A_559 : i32 to index
        %get3A_561 = arith.constant 0 : index
        %get3A_562 = tpu.vector_load %arg11[%get3A, %get3A_561] {strides = array<i32>} : memref<128x128xf32, #tpu.memory_space<vmem>>, vector<16xf32>,
        %get3A_563 = arith.index_cast %add3A_559 : i32 to index
        %get3A_564 = arith.constant 0 : index
        %get3A_565 = tpu.vector_load %arg12[%get3A_563, %get3A_564] {strides = array<i32>} : memref<128x128xf32, #tpu.memory_space<vmem>>, vector<16xf32>,
        %add3A_566 = arith.addf %get3A_562, %get3A_565 : vector<16xf32>
        %get3A_567 = arith.index_cast %add3A_559 : i32 to index
        %get3A_568 = arith.constant 0 : index
        %get3A_569 = tpu.vector_load %arg13[%get3A_567, %get3A_568] {strides = array<i32>} : memref<128x128xf32, #tpu.memory_space<vmem>>, vector<16xf32>,
        %sub3A = arith.subf %add3A_566, %get3A_569 : vector<16xf32>
        %abs3A = math.absf %sub3A : vector<16xf32>
        %add3A_570 = arith.addf %broadcast_in_dim3A_560, %abs3A : vector<16xf32>
        %get3A_571 = arith.index_cast %add3A_559 : i32 to index
        %get3A_572 = arith.constant 16 : index
        %get3A_573 = tpu.vector_load %arg11[%get3A_571, %get3A_572] {strides = array<i32>} : memref<128x128xf32, #tpu.memory_space<vmem>>, vector<16xf32>,
        %get3A_574 = arith.index_cast %add3A_559 : i32 to index
        %get3A_575 = arith.constant 16 : index
        %get3A_576 = tpu.vector_load %arg12[%get3A_574, %get3A_575] {strides = array<i32>} : memref<128x128xf32, #tpu.memory_space<vmem>>, vector<16xf32>,
        %add3A_577 = arith.addf %get3A_573, %get3A_576 : vector<16xf32>
        %get3A_578 = arith.index_cast %add3A_559 : i32 to index
        %get3A_579 = arith.constant 16 : index
        %get3A_580 = tpu.vector_load %arg13[%get3A_578, %get3A_579] {strides = array<i32>} : memref<128x128xf32, #tpu.memory_space<vmem>>, vector<16xf32>,
        %sub3A_581 = arith.subf %add3A_577, %get3A_580 : vector<16xf32>
        %abs3A_582 = math.absf %sub3A_581 : vector<16xf32>
        %add3A_583 = arith.addf %add3A_570, %abs3A_582 : vector<16xf32>
        %get3A_584 = arith.index_cast %add3A_559 : i32 to index
        %get3A_585 = arith.constant 32 : index
        %get3A_586 = tpu.vector_load %arg11[%get3A_584, %get3A_585] {strides = array<i32>} : memref<128x128xf32, #tpu.memory_space<vmem>>, vector<16xf32>,
        %get3A_587 = arith.index_cast %add3A_559 : i32 to index
        %get3A_588 = arith.constant 32 : index
        %get3A_589 = tpu.vector_load %arg12[%get3A_587, %get3A_588] {strides = array<i32>} : memref<128x128xf32, #tpu.memory_space<vmem>>, vector<16xf32>,
        %add3A_590 = arith.addf %get3A_586, %get3A_589 : vector<16xf32>
        %get3A_591 = arith.index_cast %add3A_559 : i32 to index
        %get3A_592 = arith.constant 32 : index
        %get3A_593 = tpu.vector_load %arg13[%get3A_591, %get3A_592] {strides = array<i32>} : memref<128x128xf32, #tpu.memory_space<vmem>>, vector<16xf32>,
        %sub3A_594 = arith.subf %add3A_590, %get3A_593 : vector<16xf32>
        %abs3A_595 = math.absf %sub3A_594 : vector<16xf32>
        %add3A_596 = arith.addf %add3A_583, %abs3A_595 : vector<16xf32>
        %get3A_597 = arith.index_cast %add3A_559 : i32 to index
        %get3A_598 = arith.constant 48 : index
        %get3A_599 = tpu.vector_load %arg11[%get3A_597, %get3A_598] {strides = array<i32>} : memref<128x128xf32, #tpu.memory_space<vmem>>, vector<16xf32>,
        %get3A_600 = arith.index_cast %add3A_559 : i32 to index
        %get3A_601 = arith.constant 48 : index
        %get3A_602 = tpu.vector_load %arg12[%get3A_600, %get3A_601] {strides = array<i32>} : memref<128x128xf32, #tpu.memory_space<vmem>>, vector<16xf32>,
        %add3A_603 = arith.addf %get3A_599, %get3A_602 : vector<16xf32>
        %get3A_604 = arith.index_cast %add3A_559 : i32 to index
        %get3A_605 = arith.constant 48 : index
        %get3A_606 = tpu.vector_load %arg13[%get3A_604, %get3A_605] {strides = array<i32>} : memref<128x128xf32, #tpu.memory_space<vmem>>, vector<16xf32>,
        %sub3A_607 = arith.subf %add3A_603, %get3A_606 : vector<16xf32>
        %abs3A_608 = math.absf %sub3A_607 : vector<16xf32>
        %add3A_609 = arith.addf %add3A_596, %abs3A_608 : vector<16xf32>
        %get3A_610 = arith.index_cast %add3A_559 : i32 to index
        %get3A_611 = arith.constant 64 : index
        %get3A_612 = tpu.vector_load %arg11[%get3A_610, %get3A_611] {strides = array<i32>} : memref<128x128xf32, #tpu.memory_space<vmem>>, vector<16xf32>,
        %get3A_613 = arith.index_cast %add3A_559 : i32 to index
        %get3A_614 = arith.constant 64 : index
        %get3A_615 = tpu.vector_load %arg12[%get3A_613, %get3A_614] {strides = array<i32>} : memref<128x128xf32, #tpu.memory_space<vmem>>, vector<16xf32>,
        %add3A_616 = arith.addf %get3A_612, %get3A_615 : vector<16xf32>
        %get3A_617 = arith.index_cast %add3A_559 : i32 to index
        %get3A_618 = arith.constant 64 : index
        %get3A_619 = tpu.vector_load %arg13[%get3A_617, %get3A_618] {strides = array<i32>} : memref<128x128xf32, #tpu.memory_space<vmem>>, vector<16xf32>,
        %sub3A_620 = arith.subf %add3A_616, %get3A_619 : vector<16xf32>
        %abs3A_621 = math.absf %sub3A_620 : vector<16xf32>
        %add3A_622 = arith.addf %add3A_609, %abs3A_621 : vector<16xf32>
        %get3A_623 = arith.index_cast %add3A_559 : i32 to index
        %get3A_624 = arith.constant 80 : index
        %get3A_625 = tpu.vector_load %arg11[%get3A_623, %get3A_624] {strides = array<i32>} : memref<128x128xf32, #tpu.memory_space<vmem>>, vector<16xf32>,
        %get3A_626 = arith.index_cast %add3A_559 : i32 to index
        %get3A_627 = arith.constant 80 : index
        %get3A_628 = tpu.vector_load %arg12[%get3A_626, %get3A_627] {strides = array<i32>} : memref<128x128xf32, #tpu.memory_space<vmem>>, vector<16xf32>,
        %add3A_629 = arith.addf %get3A_625, %get3A_628 : vector<16xf32>
        %get3A_630 = arith.index_cast %add3A_559 : i32 to index
        %get3A_631 = arith.constant 80 : index
        %get3A_632 = tpu.vector_load %arg13[%get3A_630, %get3A_631] {strides = array<i32>} : memref<128x128xf32, #tpu.memory_space<vmem>>, vector<16xf32>,
        %sub3A_633 = arith.subf %add3A_629, %get3A_632 : vector<16xf32>
        %abs3A_634 = math.absf %sub3A_633 : vector<16xf32>
        %add3A_635 = arith.addf %add3A_622, %abs3A_634 : vector<16xf32>
        %get3A_636 = arith.index_cast %add3A_559 : i32 to index
        %get3A_637 = arith.constant 96 : index
        %get3A_638 = tpu.vector_load %arg11[%get3A_636, %get3A_637] {strides = array<i32>} : memref<128x128xf32, #tpu.memory_space<vmem>>, vector<16xf32>,
        %get3A_639 = arith.index_cast %add3A_559 : i32 to index
        %get3A_640 = arith.constant 96 : index
        %get3A_641 = tpu.vector_load %arg12[%get3A_639, %get3A_640] {strides = array<i32>} : memref<128x128xf32, #tpu.memory_space<vmem>>, vector<16xf32>,
        %add3A_642 = arith.addf %get3A_638, %get3A_641 : vector<16xf32>
        %get3A_643 = arith.index_cast %add3A_559 : i32 to index
        %get3A_644 = arith.constant 96 : index
        %get3A_645 = tpu.vector_load %arg13[%get3A_643, %get3A_644] {strides = array<i32>} : memref<128x128xf32, #tpu.memory_space<vmem>>, vector<16xf32>,
        %sub3A_646 = arith.subf %add3A_642, %get3A_645 : vector<16xf32>
        %abs3A_647 = math.absf %sub3A_646 : vector<16xf32>
        %add3A_648 = arith.addf %add3A_635, %abs3A_647 : vector<16xf32>
        %get3A_649 = arith.index_cast %add3A_559 : i32 to index
        %get3A_650 = arith.constant 112 : index
        %get3A_651 = tpu.vector_load %arg11[%get3A_649, %get3A_650] {strides = array<i32>} : memref<128x128xf32, #tpu.memory_space<vmem>>, vector<16xf32>,
        %get3A_652 = arith.index_cast %add3A_559 : i32 to index
        %get3A_653 = arith.constant 112 : index
        %get3A_654 = tpu.vector_load %arg12[%get3A_652, %get3A_653] {strides = array<i32>} : memref<128x128xf32, #tpu.memory_space<vmem>>, vector<16xf32>,
        %add3A_655 = arith.addf %get3A_651, %get3A_654 : vector<16xf32>
        %get3A_656 = arith.index_cast %add3A_559 : i32 to index
        %get3A_657 = arith.constant 112 : index
        %get3A_658 = tpu.vector_load %arg13[%get3A_656, %get3A_657] {strides = array<i32>} : memref<128x128xf32, #tpu.memory_space<vmem>>, vector<16xf32>,
        %sub3A_659 = arith.subf %add3A_655, %get3A_658 : vector<16xf32>
        %abs3A_660 = math.absf %sub3A_659 : vector<16xf32>
        %add3A_661 = arith.addf %add3A_648, %abs3A_660 : vector<16xf32>
        %mul3A_662 = arith.constant 24 : i32
        %mul3A_663 = arith.muli %scan3A_558, %mul3A_662 : i32
        %swap3A_664 = arith.index_cast %mul3A_663 : i32 to index
        %swap3A_665 = tpu.vector_load %arg18[%swap3A_664] {strides = array<i32>} : memref<384xf32, #tpu.memory_space<vmem>>, vector<16xf32>,
        tpu.vector_store %arg18[%swap3A_664], %add3A_661 {strides = array<i32>} : memref<384xf32, #tpu.memory_space<vmem>>, vector<16xf32>,
      }
      %scan3A_429 = arith.constant 16 : i32
      %mul3A_430 = arith.constant 24 : i32
      %mul3A_431 = vector.broadcast %mul3A_430 : i32 to vector<16xi32>
      %mul3A_432 = arith.muli %iota3A, %mul3A_431 : vector<16xi32>
      %gather3A = tpu.vector_load_idx %arg18[%mul3A_432] : memref<384xf32, #tpu.memory_space<vmem>>[vector<16xi32>], vector<16xf32>,
      %mul3A_433 = arith.constant 24 : i32
      %mul3A_434 = vector.broadcast %mul3A_433 : i32 to vector<16xi32>
      %mul3A_435 = arith.muli %iota3A, %mul3A_434 : vector<16xi32>
      %add3A_436 = arith.constant 1 : i32
      %add3A_437 = vector.broadcast %add3A_436 : i32 to vector<16xi32>
      %add3A_438 = arith.addi %mul3A_435, %add3A_437 : vector<16xi32>
      %gather3A_439 = tpu.vector_load_idx %arg18[%add3A_438] : memref<384xf32, #tpu.memory_space<vmem>>[vector<16xi32>], vector<16xf32>,
      %add3A_440 = arith.addf %gather3A, %gather3A_439 : vector<16xf32>
      %mul3A_441 = arith.constant 24 : i32
      %mul3A_442 = vector.broadcast %mul3A_441 : i32 to vector<16xi32>
      %mul3A_443 = arith.muli %iota3A, %mul3A_442 : vector<16xi32>
      %add3A_444 = arith.constant 2 : i32
      %add3A_445 = vector.broadcast %add3A_444 : i32 to vector<16xi32>
      %add3A_446 = arith.addi %mul3A_443, %add3A_445 : vector<16xi32>
      %gather3A_447 = tpu.vector_load_idx %arg18[%add3A_446] : memref<384xf32, #tpu.memory_space<vmem>>[vector<16xi32>], vector<16xf32>,
      %add3A_448 = arith.addf %add3A_440, %gather3A_447 : vector<16xf32>
      %mul3A_449 = arith.constant 24 : i32
      %mul3A_450 = vector.broadcast %mul3A_449 : i32 to vector<16xi32>
      %mul3A_451 = arith.muli %iota3A, %mul3A_450 : vector<16xi32>
      %add3A_452 = arith.constant 3 : i32
      %add3A_453 = vector.broadcast %add3A_452 : i32 to vector<16xi32>
      %add3A_454 = arith.addi %mul3A_451, %add3A_453 : vector<16xi32>
      %gather3A_455 = tpu.vector_load_idx %arg18[%add3A_454] : memref<384xf32, #tpu.memory_space<vmem>>[vector<16xi32>], vector<16xf32>,
      %add3A_456 = arith.addf %add3A_448, %gather3A_455 : vector<16xf32>
      %mul3A_457 = arith.constant 24 : i32
      %mul3A_458 = vector.broadcast %mul3A_457 : i32 to vector<16xi32>
      %mul3A_459 = arith.muli %iota3A, %mul3A_458 : vector<16xi32>
      %add3A_460 = arith.constant 4 : i32
      %add3A_461 = vector.broadcast %add3A_460 : i32 to vector<16xi32>
      %add3A_462 = arith.addi %mul3A_459, %add3A_461 : vector<16xi32>
      %gather3A_463 = tpu.vector_load_idx %arg18[%add3A_462] : memref<384xf32, #tpu.memory_space<vmem>>[vector<16xi32>], vector<16xf32>,
      %add3A_464 = arith.addf %add3A_456, %gather3A_463 : vector<16xf32>
      %mul3A_465 = arith.constant 24 : i32
      %mul3A_466 = vector.broadcast %mul3A_465 : i32 to vector<16xi32>
      %mul3A_467 = arith.muli %iota3A, %mul3A_466 : vector<16xi32>
      %add3A_468 = arith.constant 5 : i32
      %add3A_469 = vector.broadcast %add3A_468 : i32 to vector<16xi32>
      %add3A_470 = arith.addi %mul3A_467, %add3A_469 : vector<16xi32>
      %gather3A_471 = tpu.vector_load_idx %arg18[%add3A_470] : memref<384xf32, #tpu.memory_space<vmem>>[vector<16xi32>], vector<16xf32>,
      %add3A_472 = arith.addf %add3A_464, %gather3A_471 : vector<16xf32>
      %mul3A_473 = arith.constant 24 : i32
      %mul3A_474 = vector.broadcast %mul3A_473 : i32 to vector<16xi32>
      %mul3A_475 = arith.muli %iota3A, %mul3A_474 : vector<16xi32>
      %add3A_476 = arith.constant 6 : i32
      %add3A_477 = vector.broadcast %add3A_476 : i32 to vector<16xi32>
      %add3A_478 = arith.addi %mul3A_475, %add3A_477 : vector<16xi32>
      %gather3A_479 = tpu.vector_load_idx %arg18[%add3A_478] : memref<384xf32, #tpu.memory_space<vmem>>[vector<16xi32>], vector<16xf32>,
      %add3A_480 = arith.addf %add3A_472, %gather3A_479 : vector<16xf32>
      %mul3A_481 = arith.constant 24 : i32
      %mul3A_482 = vector.broadcast %mul3A_481 : i32 to vector<16xi32>
      %mul3A_483 = arith.muli %iota3A, %mul3A_482 : vector<16xi32>
      %add3A_484 = arith.constant 7 : i32
      %add3A_485 = vector.broadcast %add3A_484 : i32 to vector<16xi32>
      %add3A_486 = arith.addi %mul3A_483, %add3A_485 : vector<16xi32>
      %gather3A_487 = tpu.vector_load_idx %arg18[%add3A_486] : memref<384xf32, #tpu.memory_space<vmem>>[vector<16xi32>], vector<16xf32>,
      %add3A_488 = arith.addf %add3A_480, %gather3A_487 : vector<16xf32>
      %mul3A_489 = arith.constant 24 : i32
      %mul3A_490 = vector.broadcast %mul3A_489 : i32 to vector<16xi32>
      %mul3A_491 = arith.muli %iota3A, %mul3A_490 : vector<16xi32>
      %add3A_492 = arith.constant 8 : i32
      %add3A_493 = vector.broadcast %add3A_492 : i32 to vector<16xi32>
      %add3A_494 = arith.addi %mul3A_491, %add3A_493 : vector<16xi32>
      %gather3A_495 = tpu.vector_load_idx %arg18[%add3A_494] : memref<384xf32, #tpu.memory_space<vmem>>[vector<16xi32>], vector<16xf32>,
      %add3A_496 = arith.addf %add3A_488, %gather3A_495 : vector<16xf32>
      %mul3A_497 = arith.constant 24 : i32
      %mul3A_498 = vector.broadcast %mul3A_497 : i32 to vector<16xi32>
      %mul3A_499 = arith.muli %iota3A, %mul3A_498 : vector<16xi32>
      %add3A_500 = arith.constant 9 : i32
      %add3A_501 = vector.broadcast %add3A_500 : i32 to vector<16xi32>
      %add3A_502 = arith.addi %mul3A_499, %add3A_501 : vector<16xi32>
      %gather3A_503 = tpu.vector_load_idx %arg18[%add3A_502] : memref<384xf32, #tpu.memory_space<vmem>>[vector<16xi32>], vector<16xf32>,
      %add3A_504 = arith.addf %add3A_496, %gather3A_503 : vector<16xf32>
      %mul3A_505 = arith.constant 24 : i32
      %mul3A_506 = vector.broadcast %mul3A_505 : i32 to vector<16xi32>
      %mul3A_507 = arith.muli %iota3A, %mul3A_506 : vector<16xi32>
      %add3A_508 = arith.constant 10 : i32
      %add3A_509 = vector.broadcast %add3A_508 : i32 to vector<16xi32>
      %add3A_510 = arith.addi %mul3A_507, %add3A_509 : vector<16xi32>
      %gather3A_511 = tpu.vector_load_idx %arg18[%add3A_510] : memref<384xf32, #tpu.memory_space<vmem>>[vector<16xi32>], vector<16xf32>,
      %add3A_512 = arith.addf %add3A_504, %gather3A_511 : vector<16xf32>
      %mul3A_513 = arith.constant 24 : i32
      %mul3A_514 = vector.broadcast %mul3A_513 : i32 to vector<16xi32>
      %mul3A_515 = arith.muli %iota3A, %mul3A_514 : vector<16xi32>
      %add3A_516 = arith.constant 11 : i32
      %add3A_517 = vector.broadcast %add3A_516 : i32 to vector<16xi32>
      %add3A_518 = arith.addi %mul3A_515, %add3A_517 : vector<16xi32>
      %gather3A_519 = tpu.vector_load_idx %arg18[%add3A_518] : memref<384xf32, #tpu.memory_space<vmem>>[vector<16xi32>], vector<16xf32>,
      %add3A_520 = arith.addf %add3A_512, %gather3A_519 : vector<16xf32>
      %mul3A_521 = arith.constant 24 : i32
      %mul3A_522 = vector.broadcast %mul3A_521 : i32 to vector<16xi32>
      %mul3A_523 = arith.muli %iota3A, %mul3A_522 : vector<16xi32>
      %add3A_524 = arith.constant 12 : i32
      %add3A_525 = vector.broadcast %add3A_524 : i32 to vector<16xi32>
      %add3A_526 = arith.addi %mul3A_523, %add3A_525 : vector<16xi32>
      %gather3A_527 = tpu.vector_load_idx %arg18[%add3A_526] : memref<384xf32, #tpu.memory_space<vmem>>[vector<16xi32>], vector<16xf32>,
      %add3A_528 = arith.addf %add3A_520, %gather3A_527 : vector<16xf32>
      %mul3A_529 = arith.constant 24 : i32
      %mul3A_530 = vector.broadcast %mul3A_529 : i32 to vector<16xi32>
      %mul3A_531 = arith.muli %iota3A, %mul3A_530 : vector<16xi32>
      %add3A_532 = arith.constant 13 : i32
      %add3A_533 = vector.broadcast %add3A_532 : i32 to vector<16xi32>
      %add3A_534 = arith.addi %mul3A_531, %add3A_533 : vector<16xi32>
      %gather3A_535 = tpu.vector_load_idx %arg18[%add3A_534] : memref<384xf32, #tpu.memory_space<vmem>>[vector<16xi32>], vector<16xf32>,
      %add3A_536 = arith.addf %add3A_528, %gather3A_535 : vector<16xf32>
      %mul3A_537 = arith.constant 24 : i32
      %mul3A_538 = vector.broadcast %mul3A_537 : i32 to vector<16xi32>
      %mul3A_539 = arith.muli %iota3A, %mul3A_538 : vector<16xi32>
      %add3A_540 = arith.constant 14 : i32
      %add3A_541 = vector.broadcast %add3A_540 : i32 to vector<16xi32>
      %add3A_542 = arith.addi %mul3A_539, %add3A_541 : vector<16xi32>
      %gather3A_543 = tpu.vector_load_idx %arg18[%add3A_542] : memref<384xf32, #tpu.memory_space<vmem>>[vector<16xi32>], vector<16xf32>,
      %add3A_544 = arith.addf %add3A_536, %gather3A_543 : vector<16xf32>
      %mul3A_545 = arith.constant 24 : i32
      %mul3A_546 = vector.broadcast %mul3A_545 : i32 to vector<16xi32>
      %mul3A_547 = arith.muli %iota3A, %mul3A_546 : vector<16xi32>
      %add3A_548 = arith.constant 15 : i32
      %add3A_549 = vector.broadcast %add3A_548 : i32 to vector<16xi32>
      %add3A_550 = arith.addi %mul3A_547, %add3A_549 : vector<16xi32>
      %gather3A_551 = tpu.vector_load_idx %arg18[%add3A_550] : memref<384xf32, #tpu.memory_space<vmem>>[vector<16xi32>], vector<16xf32>,
      %add3A_552 = arith.addf %add3A_544, %gather3A_551 : vector<16xf32>
      %neg3A = arith.constant 0.000000e+00 : f32
      %neg3A_553 = vector.broadcast %neg3A : f32 to vector<16xf32>
      %neg3A_554 = arith.subf %neg3A_553, %add3A_552 : vector<16xf32>
      %add3A_555 = arith.constant 0 : i32
      %add3A_556 = arith.addi %add3A_555, %multiple_of3A_423 : i32
      %swap3A = arith.index_cast %add3A_556 : i32 to index
      %swap3A_557 = tpu.vector_load %arg17[%swap3A] {strides = array<i32>} : memref<512xf32, #tpu.memory_space<vmem>>, vector<16xf32>,
      tpu.vector_store %arg17[%swap3A], %neg3A_554 {strides = array<i32>} : memref<512xf32, #tpu.memory_space<vmem>>, vector<16xf32>,
    }
    %scan3A_89 = arith.constant 2 : i32
    %add3A_90 = arith.constant 0 : i32
    %add3A_91 = arith.addi %multiple_of3A, %add3A_90 : i32
    %dma_start3A_92 = arith.constant 0 : i32
    %dma_start3A_93 = tpu.memref_slice %arg17[%dma_start3A_92] : memref<512xf32, #tpu.memory_space<vmem>> -> memref<32xf32, #tpu.memory_space<vmem>>
    %dma_start3A_94 = tpu.memref_slice %arg7[%add3A_91] : memref<16384xf32, #tpu.memory_space<hbm>> -> memref<32xf32, #tpu.memory_space<hbm>>
    %dma_start3A_95 = tpu.memref_slice %arg7[%add3A_91] : memref<16384xf32, #tpu.memory_space<hbm>> -> memref<32xf32, #tpu.memory_space<hbm>>
    %dma_start3A_96 = arith.constant 0 : i32
    %dma_start3A_97 = tpu.memref_slice %arg17[%dma_start3A_96] : memref<512xf32, #tpu.memory_space<vmem>> -> memref<32xf32, #tpu.memory_space<vmem>>
    tpu.enqueue_dma source(%dma_start3A_97 : memref<32xf32, #tpu.memory_space<vmem>>) target(%dma_start3A_95 : memref<32xf32, #tpu.memory_space<hbm>>) target_semaphore(%arg21 : memref<!tpu.dma_semaphore, #tpu.memory_space<semaphore_mem>>)
    %dma_start3A_98 = arith.constant 0 : i32
    %dma_start3A_99 = arith.constant 0 : i32
    %dma_start3A_100 = tpu.memref_slice %arg11[%dma_start3A_98, %dma_start3A_99] : memref<128x128xf32, #tpu.memory_space<vmem>> -> memref<128x128xf32, #tpu.memory_space<vmem>>
    %dma_start3A_101 = arith.constant 128 : i32
    %dma_start3A_102 = tpu.memref_slice %arg8[%dma_start3A_101] : memref<512xi32, #tpu.memory_space<vmem>> -> memref<128xi32, #tpu.memory_space<vmem>>
    %dma_start3A_103 = arith.constant 0 : i32
    %dma_start3A_104 = arith.constant 0 : i32
    %dma_start3A_105 = tpu.memref_slice %arg5[%dma_start3A_103, %dma_start3A_104] : memref<100000x128xf32, #tpu.memory_space<hbm>> -> memref<100000x128xf32, #tpu.memory_space<hbm>>
    tpu.enqueue_indirect_dma source(%dma_start3A_105 : memref<100000x128xf32, #tpu.memory_space<hbm>>) target(%dma_start3A_100 : memref<128x128xf32, #tpu.memory_space<vmem>>) offsets(%dma_start3A_102 : memref<128xi32, #tpu.memory_space<vmem>>) semaphore(%arg19 : memref<!tpu.dma_semaphore, #tpu.memory_space<semaphore_mem>>)
    %dma_start3A_106 = arith.constant 0 : i32
    %dma_start3A_107 = arith.constant 0 : i32
    %dma_start3A_108 = tpu.memref_slice %arg12[%dma_start3A_106, %dma_start3A_107] : memref<128x128xf32, #tpu.memory_space<vmem>> -> memref<128x128xf32, #tpu.memory_space<vmem>>
    %dma_start3A_109 = arith.constant 128 : i32
    %dma_start3A_110 = tpu.memref_slice %arg9[%dma_start3A_109] : memref<512xi32, #tpu.memory_space<vmem>> -> memref<128xi32, #tpu.memory_space<vmem>>
    %dma_start3A_111 = arith.constant 0 : i32
    %dma_start3A_112 = arith.constant 0 : i32
    %dma_start3A_113 = tpu.memref_slice %arg6[%dma_start3A_111, %dma_start3A_112] : memref<1000x128xf32, #tpu.memory_space<hbm>> -> memref<1000x128xf32, #tpu.memory_space<hbm>>
    tpu.enqueue_indirect_dma source(%dma_start3A_113 : memref<1000x128xf32, #tpu.memory_space<hbm>>) target(%dma_start3A_108 : memref<128x128xf32, #tpu.memory_space<vmem>>) offsets(%dma_start3A_110 : memref<128xi32, #tpu.memory_space<vmem>>) semaphore(%arg19 : memref<!tpu.dma_semaphore, #tpu.memory_space<semaphore_mem>>)
    %dma_start3A_114 = arith.constant 0 : i32
    %dma_start3A_115 = arith.constant 0 : i32
    %dma_start3A_116 = tpu.memref_slice %arg13[%dma_start3A_114, %dma_start3A_115] : memref<128x128xf32, #tpu.memory_space<vmem>> -> memref<128x128xf32, #tpu.memory_space<vmem>>
    %dma_start3A_117 = arith.constant 128 : i32
    %dma_start3A_118 = tpu.memref_slice %arg10[%dma_start3A_117] : memref<512xi32, #tpu.memory_space<vmem>> -> memref<128xi32, #tpu.memory_space<vmem>>
    %dma_start3A_119 = arith.constant 0 : i32
    %dma_start3A_120 = arith.constant 0 : i32
    %dma_start3A_121 = tpu.memref_slice %arg5[%dma_start3A_119, %dma_start3A_120] : memref<100000x128xf32, #tpu.memory_space<hbm>> -> memref<100000x128xf32, #tpu.memory_space<hbm>>
    tpu.enqueue_indirect_dma source(%dma_start3A_121 : memref<100000x128xf32, #tpu.memory_space<hbm>>) target(%dma_start3A_116 : memref<128x128xf32, #tpu.memory_space<vmem>>) offsets(%dma_start3A_118 : memref<128xi32, #tpu.memory_space<vmem>>) semaphore(%arg19 : memref<!tpu.dma_semaphore, #tpu.memory_space<semaphore_mem>>)
    %dma_wait3A_122 = arith.constant 0 : i32
    %dma_wait3A_123 = arith.constant 0 : i32
    %dma_wait3A_124 = tpu.memref_slice %arg14[%dma_wait3A_122, %dma_wait3A_123] : memref<128x128xf32, #tpu.memory_space<vmem>> -> memref<96x128xf32, #tpu.memory_space<vmem>>
    %dma_wait3A_125 = arith.constant 32 : i32
    %dma_wait3A_126 = tpu.memref_slice %arg8[%dma_wait3A_125] : memref<512xi32, #tpu.memory_space<vmem>> -> memref<96xi32, #tpu.memory_space<vmem>>
    %dma_wait3A_127 = arith.constant 0 : i32
    %dma_wait3A_128 = arith.constant 0 : i32
    %dma_wait3A_129 = tpu.memref_slice %arg5[%dma_wait3A_127, %dma_wait3A_128] : memref<100000x128xf32, #tpu.memory_space<hbm>> -> memref<100000x128xf32, #tpu.memory_space<hbm>>
    tpu.wait_indirect_dma semaphore(%arg20 : memref<!tpu.dma_semaphore, #tpu.memory_space<semaphore_mem>>) src(%dma_wait3A_129 : memref<100000x128xf32, #tpu.memory_space<hbm>>) dst(%dma_wait3A_124 : memref<96x128xf32, #tpu.memory_space<vmem>>)
    %dma_wait3A_130 = arith.constant 0 : i32
    %dma_wait3A_131 = arith.constant 0 : i32
    %dma_wait3A_132 = tpu.memref_slice %arg15[%dma_wait3A_130, %dma_wait3A_131] : memref<128x128xf32, #tpu.memory_space<vmem>> -> memref<96x128xf32, #tpu.memory_space<vmem>>
    %dma_wait3A_133 = arith.constant 32 : i32
    %dma_wait3A_134 = tpu.memref_slice %arg9[%dma_wait3A_133] : memref<512xi32, #tpu.memory_space<vmem>> -> memref<96xi32, #tpu.memory_space<vmem>>
    %dma_wait3A_135 = arith.constant 0 : i32
    %dma_wait3A_136 = arith.constant 0 : i32
    %dma_wait3A_137 = tpu.memref_slice %arg6[%dma_wait3A_135, %dma_wait3A_136] : memref<1000x128xf32, #tpu.memory_space<hbm>> -> memref<1000x128xf32, #tpu.memory_space<hbm>>
    tpu.wait_indirect_dma semaphore(%arg20 : memref<!tpu.dma_semaphore, #tpu.memory_space<semaphore_mem>>) src(%dma_wait3A_137 : memref<1000x128xf32, #tpu.memory_space<hbm>>) dst(%dma_wait3A_132 : memref<96x128xf32, #tpu.memory_space<vmem>>)
    %dma_wait3A_138 = arith.constant 0 : i32
    %dma_wait3A_139 = arith.constant 0 : i32
    %dma_wait3A_140 = tpu.memref_slice %arg16[%dma_wait3A_138, %dma_wait3A_139] : memref<128x128xf32, #tpu.memory_space<vmem>> -> memref<96x128xf32, #tpu.memory_space<vmem>>
    %dma_wait3A_141 = arith.constant 32 : i32
    %dma_wait3A_142 = tpu.memref_slice %arg10[%dma_wait3A_141] : memref<512xi32, #tpu.memory_space<vmem>> -> memref<96xi32, #tpu.memory_space<vmem>>
    %dma_wait3A_143 = arith.constant 0 : i32
    %dma_wait3A_144 = arith.constant 0 : i32
    %dma_wait3A_145 = tpu.memref_slice %arg5[%dma_wait3A_143, %dma_wait3A_144] : memref<100000x128xf32, #tpu.memory_space<hbm>> -> memref<100000x128xf32, #tpu.memory_space<hbm>>
    tpu.wait_indirect_dma semaphore(%arg20 : memref<!tpu.dma_semaphore, #tpu.memory_space<semaphore_mem>>) src(%dma_wait3A_145 : memref<100000x128xf32, #tpu.memory_space<hbm>>) dst(%dma_wait3A_140 : memref<96x128xf32, #tpu.memory_space<vmem>>)
    %scan3A_146 = arith.constant 0 : i32
    %scan3A_147 = arith.constant 0 : i32
    %scan3A_148 = arith.constant 6 : i32
    %scan3A_149 = arith.addi %scan3A_147, %scan3A_148 : i32
    %scan3A_150 = arith.constant 1 : i32
    scf.for %scan3A_420 = %scan3A_147 to %scan3A_149 step %scan3A_150  : i32 {
      %mul3A_421 = arith.constant 16 : i32
      %mul3A_422 = arith.muli %scan3A_420, %mul3A_421 : i32
      %multiple_of3A_423 = tpu.assume_multiple %mul3A_422, 16 : i32
      %scan3A_424 = arith.constant 0 : i32
      %scan3A_425 = arith.constant 0 : i32
      %scan3A_426 = arith.constant 16 : i32
      %scan3A_427 = arith.addi %scan3A_425, %scan3A_426 : i32
      %scan3A_428 = arith.constant 1 : i32
      scf.for %scan3A_558 = %scan3A_425 to %scan3A_427 step %scan3A_428  : i32 {
        %add3A_559 = arith.addi %multiple_of3A_423, %scan3A_558 : i32
        %broadcast_in_dim3A = arith.constant 0.000000e+00 : f32
        %broadcast_in_dim3A_560 = vector.broadcast %broadcast_in_dim3A : f32 to vector<16xf32>
        %get3A = arith.index_cast %add3A_559 : i32 to index
        %get3A_561 = arith.constant 0 : index
        %get3A_562 = tpu.vector_load %arg14[%get3A, %get3A_561] {strides = array<i32>} : memref<128x128xf32, #tpu.memory_space<vmem>>, vector<16xf32>,
        %get3A_563 = arith.index_cast %add3A_559 : i32 to index
        %get3A_564 = arith.constant 0 : index
        %get3A_565 = tpu.vector_load %arg15[%get3A_563, %get3A_564] {strides = array<i32>} : memref<128x128xf32, #tpu.memory_space<vmem>>, vector<16xf32>,
        %add3A_566 = arith.addf %get3A_562, %get3A_565 : vector<16xf32>
        %get3A_567 = arith.index_cast %add3A_559 : i32 to index
        %get3A_568 = arith.constant 0 : index
        %get3A_569 = tpu.vector_load %arg16[%get3A_567, %get3A_568] {strides = array<i32>} : memref<128x128xf32, #tpu.memory_space<vmem>>, vector<16xf32>,
        %sub3A = arith.subf %add3A_566, %get3A_569 : vector<16xf32>
        %abs3A = math.absf %sub3A : vector<16xf32>
        %add3A_570 = arith.addf %broadcast_in_dim3A_560, %abs3A : vector<16xf32>
        %get3A_571 = arith.index_cast %add3A_559 : i32 to index
        %get3A_572 = arith.constant 16 : index
        %get3A_573 = tpu.vector_load %arg14[%get3A_571, %get3A_572] {strides = array<i32>} : memref<128x128xf32, #tpu.memory_space<vmem>>, vector<16xf32>,
        %get3A_574 = arith.index_cast %add3A_559 : i32 to index
        %get3A_575 = arith.constant 16 : index
        %get3A_576 = tpu.vector_load %arg15[%get3A_574, %get3A_575] {strides = array<i32>} : memref<128x128xf32, #tpu.memory_space<vmem>>, vector<16xf32>,
        %add3A_577 = arith.addf %get3A_573, %get3A_576 : vector<16xf32>
        %get3A_578 = arith.index_cast %add3A_559 : i32 to index
        %get3A_579 = arith.constant 16 : index
        %get3A_580 = tpu.vector_load %arg16[%get3A_578, %get3A_579] {strides = array<i32>} : memref<128x128xf32, #tpu.memory_space<vmem>>, vector<16xf32>,
        %sub3A_581 = arith.subf %add3A_577, %get3A_580 : vector<16xf32>
        %abs3A_582 = math.absf %sub3A_581 : vector<16xf32>
        %add3A_583 = arith.addf %add3A_570, %abs3A_582 : vector<16xf32>
        %get3A_584 = arith.index_cast %add3A_559 : i32 to index
        %get3A_585 = arith.constant 32 : index
        %get3A_586 = tpu.vector_load %arg14[%get3A_584, %get3A_585] {strides = array<i32>} : memref<128x128xf32, #tpu.memory_space<vmem>>, vector<16xf32>,
        %get3A_587 = arith.index_cast %add3A_559 : i32 to index
        %get3A_588 = arith.constant 32 : index
        %get3A_589 = tpu.vector_load %arg15[%get3A_587, %get3A_588] {strides = array<i32>} : memref<128x128xf32, #tpu.memory_space<vmem>>, vector<16xf32>,
        %add3A_590 = arith.addf %get3A_586, %get3A_589 : vector<16xf32>
        %get3A_591 = arith.index_cast %add3A_559 : i32 to index
        %get3A_592 = arith.constant 32 : index
        %get3A_593 = tpu.vector_load %arg16[%get3A_591, %get3A_592] {strides = array<i32>} : memref<128x128xf32, #tpu.memory_space<vmem>>, vector<16xf32>,
        %sub3A_594 = arith.subf %add3A_590, %get3A_593 : vector<16xf32>
        %abs3A_595 = math.absf %sub3A_594 : vector<16xf32>
        %add3A_596 = arith.addf %add3A_583, %abs3A_595 : vector<16xf32>
        %get3A_597 = arith.index_cast %add3A_559 : i32 to index
        %get3A_598 = arith.constant 48 : index
        %get3A_599 = tpu.vector_load %arg14[%get3A_597, %get3A_598] {strides = array<i32>} : memref<128x128xf32, #tpu.memory_space<vmem>>, vector<16xf32>,
        %get3A_600 = arith.index_cast %add3A_559 : i32 to index
        %get3A_601 = arith.constant 48 : index
        %get3A_602 = tpu.vector_load %arg15[%get3A_600, %get3A_601] {strides = array<i32>} : memref<128x128xf32, #tpu.memory_space<vmem>>, vector<16xf32>,
        %add3A_603 = arith.addf %get3A_599, %get3A_602 : vector<16xf32>
        %get3A_604 = arith.index_cast %add3A_559 : i32 to index
        %get3A_605 = arith.constant 48 : index
        %get3A_606 = tpu.vector_load %arg16[%get3A_604, %get3A_605] {strides = array<i32>} : memref<128x128xf32, #tpu.memory_space<vmem>>, vector<16xf32>,
        %sub3A_607 = arith.subf %add3A_603, %get3A_606 : vector<16xf32>
        %abs3A_608 = math.absf %sub3A_607 : vector<16xf32>
        %add3A_609 = arith.addf %add3A_596, %abs3A_608 : vector<16xf32>
        %get3A_610 = arith.index_cast %add3A_559 : i32 to index
        %get3A_611 = arith.constant 64 : index
        %get3A_612 = tpu.vector_load %arg14[%get3A_610, %get3A_611] {strides = array<i32>} : memref<128x128xf32, #tpu.memory_space<vmem>>, vector<16xf32>,
        %get3A_613 = arith.index_cast %add3A_559 : i32 to index
        %get3A_614 = arith.constant 64 : index
        %get3A_615 = tpu.vector_load %arg15[%get3A_613, %get3A_614] {strides = array<i32>} : memref<128x128xf32, #tpu.memory_space<vmem>>, vector<16xf32>,
        %add3A_616 = arith.addf %get3A_612, %get3A_615 : vector<16xf32>
        %get3A_617 = arith.index_cast %add3A_559 : i32 to index
        %get3A_618 = arith.constant 64 : index
        %get3A_619 = tpu.vector_load %arg16[%get3A_617, %get3A_618] {strides = array<i32>} : memref<128x128xf32, #tpu.memory_space<vmem>>, vector<16xf32>,
        %sub3A_620 = arith.subf %add3A_616, %get3A_619 : vector<16xf32>
        %abs3A_621 = math.absf %sub3A_620 : vector<16xf32>
        %add3A_622 = arith.addf %add3A_609, %abs3A_621 : vector<16xf32>
        %get3A_623 = arith.index_cast %add3A_559 : i32 to index
        %get3A_624 = arith.constant 80 : index
        %get3A_625 = tpu.vector_load %arg14[%get3A_623, %get3A_624] {strides = array<i32>} : memref<128x128xf32, #tpu.memory_space<vmem>>, vector<16xf32>,
        %get3A_626 = arith.index_cast %add3A_559 : i32 to index
        %get3A_627 = arith.constant 80 : index
        %get3A_628 = tpu.vector_load %arg15[%get3A_626, %get3A_627] {strides = array<i32>} : memref<128x128xf32, #tpu.memory_space<vmem>>, vector<16xf32>,
        %add3A_629 = arith.addf %get3A_625, %get3A_628 : vector<16xf32>
        %get3A_630 = arith.index_cast %add3A_559 : i32 to index
        %get3A_631 = arith.constant 80 : index
        %get3A_632 = tpu.vector_load %arg16[%get3A_630, %get3A_631] {strides = array<i32>} : memref<128x128xf32, #tpu.memory_space<vmem>>, vector<16xf32>,
        %sub3A_633 = arith.subf %add3A_629, %get3A_632 : vector<16xf32>
        %abs3A_634 = math.absf %sub3A_633 : vector<16xf32>
        %add3A_635 = arith.addf %add3A_622, %abs3A_634 : vector<16xf32>
        %get3A_636 = arith.index_cast %add3A_559 : i32 to index
        %get3A_637 = arith.constant 96 : index
        %get3A_638 = tpu.vector_load %arg14[%get3A_636, %get3A_637] {strides = array<i32>} : memref<128x128xf32, #tpu.memory_space<vmem>>, vector<16xf32>,
        %get3A_639 = arith.index_cast %add3A_559 : i32 to index
        %get3A_640 = arith.constant 96 : index
        %get3A_641 = tpu.vector_load %arg15[%get3A_639, %get3A_640] {strides = array<i32>} : memref<128x128xf32, #tpu.memory_space<vmem>>, vector<16xf32>,
        %add3A_642 = arith.addf %get3A_638, %get3A_641 : vector<16xf32>
        %get3A_643 = arith.index_cast %add3A_559 : i32 to index
        %get3A_644 = arith.constant 96 : index
        %get3A_645 = tpu.vector_load %arg16[%get3A_643, %get3A_644] {strides = array<i32>} : memref<128x128xf32, #tpu.memory_space<vmem>>, vector<16xf32>,
        %sub3A_646 = arith.subf %add3A_642, %get3A_645 : vector<16xf32>
        %abs3A_647 = math.absf %sub3A_646 : vector<16xf32>
        %add3A_648 = arith.addf %add3A_635, %abs3A_647 : vector<16xf32>
        %get3A_649 = arith.index_cast %add3A_559 : i32 to index
        %get3A_650 = arith.constant 112 : index
        %get3A_651 = tpu.vector_load %arg14[%get3A_649, %get3A_650] {strides = array<i32>} : memref<128x128xf32, #tpu.memory_space<vmem>>, vector<16xf32>,
        %get3A_652 = arith.index_cast %add3A_559 : i32 to index
        %get3A_653 = arith.constant 112 : index
        %get3A_654 = tpu.vector_load %arg15[%get3A_652, %get3A_653] {strides = array<i32>} : memref<128x128xf32, #tpu.memory_space<vmem>>, vector<16xf32>,
        %add3A_655 = arith.addf %get3A_651, %get3A_654 : vector<16xf32>
        %get3A_656 = arith.index_cast %add3A_559 : i32 to index
        %get3A_657 = arith.constant 112 : index
        %get3A_658 = tpu.vector_load %arg16[%get3A_656, %get3A_657] {strides = array<i32>} : memref<128x128xf32, #tpu.memory_space<vmem>>, vector<16xf32>,
        %sub3A_659 = arith.subf %add3A_655, %get3A_658 : vector<16xf32>
        %abs3A_660 = math.absf %sub3A_659 : vector<16xf32>
        %add3A_661 = arith.addf %add3A_648, %abs3A_660 : vector<16xf32>
        %mul3A_662 = arith.constant 24 : i32
        %mul3A_663 = arith.muli %scan3A_558, %mul3A_662 : i32
        %swap3A_664 = arith.index_cast %mul3A_663 : i32 to index
        %swap3A_665 = tpu.vector_load %arg18[%swap3A_664] {strides = array<i32>} : memref<384xf32, #tpu.memory_space<vmem>>, vector<16xf32>,
        tpu.vector_store %arg18[%swap3A_664], %add3A_661 {strides = array<i32>} : memref<384xf32, #tpu.memory_space<vmem>>, vector<16xf32>,
      }
      %scan3A_429 = arith.constant 16 : i32
      %mul3A_430 = arith.constant 24 : i32
      %mul3A_431 = vector.broadcast %mul3A_430 : i32 to vector<16xi32>
      %mul3A_432 = arith.muli %iota3A, %mul3A_431 : vector<16xi32>
      %gather3A = tpu.vector_load_idx %arg18[%mul3A_432] : memref<384xf32, #tpu.memory_space<vmem>>[vector<16xi32>], vector<16xf32>,
      %mul3A_433 = arith.constant 24 : i32
      %mul3A_434 = vector.broadcast %mul3A_433 : i32 to vector<16xi32>
      %mul3A_435 = arith.muli %iota3A, %mul3A_434 : vector<16xi32>
      %add3A_436 = arith.constant 1 : i32
      %add3A_437 = vector.broadcast %add3A_436 : i32 to vector<16xi32>
      %add3A_438 = arith.addi %mul3A_435, %add3A_437 : vector<16xi32>
      %gather3A_439 = tpu.vector_load_idx %arg18[%add3A_438] : memref<384xf32, #tpu.memory_space<vmem>>[vector<16xi32>], vector<16xf32>,
      %add3A_440 = arith.addf %gather3A, %gather3A_439 : vector<16xf32>
      %mul3A_441 = arith.constant 24 : i32
      %mul3A_442 = vector.broadcast %mul3A_441 : i32 to vector<16xi32>
      %mul3A_443 = arith.muli %iota3A, %mul3A_442 : vector<16xi32>
      %add3A_444 = arith.constant 2 : i32
      %add3A_445 = vector.broadcast %add3A_444 : i32 to vector<16xi32>
      %add3A_446 = arith.addi %mul3A_443, %add3A_445 : vector<16xi32>
      %gather3A_447 = tpu.vector_load_idx %arg18[%add3A_446] : memref<384xf32, #tpu.memory_space<vmem>>[vector<16xi32>], vector<16xf32>,
      %add3A_448 = arith.addf %add3A_440, %gather3A_447 : vector<16xf32>
      %mul3A_449 = arith.constant 24 : i32
      %mul3A_450 = vector.broadcast %mul3A_449 : i32 to vector<16xi32>
      %mul3A_451 = arith.muli %iota3A, %mul3A_450 : vector<16xi32>
      %add3A_452 = arith.constant 3 : i32
      %add3A_453 = vector.broadcast %add3A_452 : i32 to vector<16xi32>
      %add3A_454 = arith.addi %mul3A_451, %add3A_453 : vector<16xi32>
      %gather3A_455 = tpu.vector_load_idx %arg18[%add3A_454] : memref<384xf32, #tpu.memory_space<vmem>>[vector<16xi32>], vector<16xf32>,
      %add3A_456 = arith.addf %add3A_448, %gather3A_455 : vector<16xf32>
      %mul3A_457 = arith.constant 24 : i32
      %mul3A_458 = vector.broadcast %mul3A_457 : i32 to vector<16xi32>
      %mul3A_459 = arith.muli %iota3A, %mul3A_458 : vector<16xi32>
      %add3A_460 = arith.constant 4 : i32
      %add3A_461 = vector.broadcast %add3A_460 : i32 to vector<16xi32>
      %add3A_462 = arith.addi %mul3A_459, %add3A_461 : vector<16xi32>
      %gather3A_463 = tpu.vector_load_idx %arg18[%add3A_462] : memref<384xf32, #tpu.memory_space<vmem>>[vector<16xi32>], vector<16xf32>,
      %add3A_464 = arith.addf %add3A_456, %gather3A_463 : vector<16xf32>
      %mul3A_465 = arith.constant 24 : i32
      %mul3A_466 = vector.broadcast %mul3A_465 : i32 to vector<16xi32>
      %mul3A_467 = arith.muli %iota3A, %mul3A_466 : vector<16xi32>
      %add3A_468 = arith.constant 5 : i32
      %add3A_469 = vector.broadcast %add3A_468 : i32 to vector<16xi32>
      %add3A_470 = arith.addi %mul3A_467, %add3A_469 : vector<16xi32>
      %gather3A_471 = tpu.vector_load_idx %arg18[%add3A_470] : memref<384xf32, #tpu.memory_space<vmem>>[vector<16xi32>], vector<16xf32>,
      %add3A_472 = arith.addf %add3A_464, %gather3A_471 : vector<16xf32>
      %mul3A_473 = arith.constant 24 : i32
      %mul3A_474 = vector.broadcast %mul3A_473 : i32 to vector<16xi32>
      %mul3A_475 = arith.muli %iota3A, %mul3A_474 : vector<16xi32>
      %add3A_476 = arith.constant 6 : i32
      %add3A_477 = vector.broadcast %add3A_476 : i32 to vector<16xi32>
      %add3A_478 = arith.addi %mul3A_475, %add3A_477 : vector<16xi32>
      %gather3A_479 = tpu.vector_load_idx %arg18[%add3A_478] : memref<384xf32, #tpu.memory_space<vmem>>[vector<16xi32>], vector<16xf32>,
      %add3A_480 = arith.addf %add3A_472, %gather3A_479 : vector<16xf32>
      %mul3A_481 = arith.constant 24 : i32
      %mul3A_482 = vector.broadcast %mul3A_481 : i32 to vector<16xi32>
      %mul3A_483 = arith.muli %iota3A, %mul3A_482 : vector<16xi32>
      %add3A_484 = arith.constant 7 : i32
      %add3A_485 = vector.broadcast %add3A_484 : i32 to vector<16xi32>
      %add3A_486 = arith.addi %mul3A_483, %add3A_485 : vector<16xi32>
      %gather3A_487 = tpu.vector_load_idx %arg18[%add3A_486] : memref<384xf32, #tpu.memory_space<vmem>>[vector<16xi32>], vector<16xf32>,
      %add3A_488 = arith.addf %add3A_480, %gather3A_487 : vector<16xf32>
      %mul3A_489 = arith.constant 24 : i32
      %mul3A_490 = vector.broadcast %mul3A_489 : i32 to vector<16xi32>
      %mul3A_491 = arith.muli %iota3A, %mul3A_490 : vector<16xi32>
      %add3A_492 = arith.constant 8 : i32
      %add3A_493 = vector.broadcast %add3A_492 : i32 to vector<16xi32>
      %add3A_494 = arith.addi %mul3A_491, %add3A_493 : vector<16xi32>
      %gather3A_495 = tpu.vector_load_idx %arg18[%add3A_494] : memref<384xf32, #tpu.memory_space<vmem>>[vector<16xi32>], vector<16xf32>,
      %add3A_496 = arith.addf %add3A_488, %gather3A_495 : vector<16xf32>
      %mul3A_497 = arith.constant 24 : i32
      %mul3A_498 = vector.broadcast %mul3A_497 : i32 to vector<16xi32>
      %mul3A_499 = arith.muli %iota3A, %mul3A_498 : vector<16xi32>
      %add3A_500 = arith.constant 9 : i32
      %add3A_501 = vector.broadcast %add3A_500 : i32 to vector<16xi32>
      %add3A_502 = arith.addi %mul3A_499, %add3A_501 : vector<16xi32>
      %gather3A_503 = tpu.vector_load_idx %arg18[%add3A_502] : memref<384xf32, #tpu.memory_space<vmem>>[vector<16xi32>], vector<16xf32>,
      %add3A_504 = arith.addf %add3A_496, %gather3A_503 : vector<16xf32>
      %mul3A_505 = arith.constant 24 : i32
      %mul3A_506 = vector.broadcast %mul3A_505 : i32 to vector<16xi32>
      %mul3A_507 = arith.muli %iota3A, %mul3A_506 : vector<16xi32>
      %add3A_508 = arith.constant 10 : i32
      %add3A_509 = vector.broadcast %add3A_508 : i32 to vector<16xi32>
      %add3A_510 = arith.addi %mul3A_507, %add3A_509 : vector<16xi32>
      %gather3A_511 = tpu.vector_load_idx %arg18[%add3A_510] : memref<384xf32, #tpu.memory_space<vmem>>[vector<16xi32>], vector<16xf32>,
      %add3A_512 = arith.addf %add3A_504, %gather3A_511 : vector<16xf32>
      %mul3A_513 = arith.constant 24 : i32
      %mul3A_514 = vector.broadcast %mul3A_513 : i32 to vector<16xi32>
      %mul3A_515 = arith.muli %iota3A, %mul3A_514 : vector<16xi32>
      %add3A_516 = arith.constant 11 : i32
      %add3A_517 = vector.broadcast %add3A_516 : i32 to vector<16xi32>
      %add3A_518 = arith.addi %mul3A_515, %add3A_517 : vector<16xi32>
      %gather3A_519 = tpu.vector_load_idx %arg18[%add3A_518] : memref<384xf32, #tpu.memory_space<vmem>>[vector<16xi32>], vector<16xf32>,
      %add3A_520 = arith.addf %add3A_512, %gather3A_519 : vector<16xf32>
      %mul3A_521 = arith.constant 24 : i32
      %mul3A_522 = vector.broadcast %mul3A_521 : i32 to vector<16xi32>
      %mul3A_523 = arith.muli %iota3A, %mul3A_522 : vector<16xi32>
      %add3A_524 = arith.constant 12 : i32
      %add3A_525 = vector.broadcast %add3A_524 : i32 to vector<16xi32>
      %add3A_526 = arith.addi %mul3A_523, %add3A_525 : vector<16xi32>
      %gather3A_527 = tpu.vector_load_idx %arg18[%add3A_526] : memref<384xf32, #tpu.memory_space<vmem>>[vector<16xi32>], vector<16xf32>,
      %add3A_528 = arith.addf %add3A_520, %gather3A_527 : vector<16xf32>
      %mul3A_529 = arith.constant 24 : i32
      %mul3A_530 = vector.broadcast %mul3A_529 : i32 to vector<16xi32>
      %mul3A_531 = arith.muli %iota3A, %mul3A_530 : vector<16xi32>
      %add3A_532 = arith.constant 13 : i32
      %add3A_533 = vector.broadcast %add3A_532 : i32 to vector<16xi32>
      %add3A_534 = arith.addi %mul3A_531, %add3A_533 : vector<16xi32>
      %gather3A_535 = tpu.vector_load_idx %arg18[%add3A_534] : memref<384xf32, #tpu.memory_space<vmem>>[vector<16xi32>], vector<16xf32>,
      %add3A_536 = arith.addf %add3A_528, %gather3A_535 : vector<16xf32>
      %mul3A_537 = arith.constant 24 : i32
      %mul3A_538 = vector.broadcast %mul3A_537 : i32 to vector<16xi32>
      %mul3A_539 = arith.muli %iota3A, %mul3A_538 : vector<16xi32>
      %add3A_540 = arith.constant 14 : i32
      %add3A_541 = vector.broadcast %add3A_540 : i32 to vector<16xi32>
      %add3A_542 = arith.addi %mul3A_539, %add3A_541 : vector<16xi32>
      %gather3A_543 = tpu.vector_load_idx %arg18[%add3A_542] : memref<384xf32, #tpu.memory_space<vmem>>[vector<16xi32>], vector<16xf32>,
      %add3A_544 = arith.addf %add3A_536, %gather3A_543 : vector<16xf32>
      %mul3A_545 = arith.constant 24 : i32
      %mul3A_546 = vector.broadcast %mul3A_545 : i32 to vector<16xi32>
      %mul3A_547 = arith.muli %iota3A, %mul3A_546 : vector<16xi32>
      %add3A_548 = arith.constant 15 : i32
      %add3A_549 = vector.broadcast %add3A_548 : i32 to vector<16xi32>
      %add3A_550 = arith.addi %mul3A_547, %add3A_549 : vector<16xi32>
      %gather3A_551 = tpu.vector_load_idx %arg18[%add3A_550] : memref<384xf32, #tpu.memory_space<vmem>>[vector<16xi32>], vector<16xf32>,
      %add3A_552 = arith.addf %add3A_544, %gather3A_551 : vector<16xf32>
      %neg3A = arith.constant 0.000000e+00 : f32
      %neg3A_553 = vector.broadcast %neg3A : f32 to vector<16xf32>
      %neg3A_554 = arith.subf %neg3A_553, %add3A_552 : vector<16xf32>
      %add3A_555 = arith.constant 32 : i32
      %add3A_556 = arith.addi %add3A_555, %multiple_of3A_423 : i32
      %swap3A = arith.index_cast %add3A_556 : i32 to index
      %swap3A_557 = tpu.vector_load %arg17[%swap3A] {strides = array<i32>} : memref<512xf32, #tpu.memory_space<vmem>>, vector<16xf32>,
      tpu.vector_store %arg17[%swap3A], %neg3A_554 {strides = array<i32>} : memref<512xf32, #tpu.memory_space<vmem>>, vector<16xf32>,
    }
    %scan3A_151 = arith.constant 6 : i32
    %add3A_152 = arith.constant 32 : i32
    %add3A_153 = arith.addi %multiple_of3A, %add3A_152 : i32
    %dma_start3A_154 = arith.constant 32 : i32
    %dma_start3A_155 = tpu.memref_slice %arg17[%dma_start3A_154] : memref<512xf32, #tpu.memory_space<vmem>> -> memref<96xf32, #tpu.memory_space<vmem>>
    %dma_start3A_156 = tpu.memref_slice %arg7[%add3A_153] : memref<16384xf32, #tpu.memory_space<hbm>> -> memref<96xf32, #tpu.memory_space<hbm>>
    %dma_start3A_157 = tpu.memref_slice %arg7[%add3A_153] : memref<16384xf32, #tpu.memory_space<hbm>> -> memref<96xf32, #tpu.memory_space<hbm>>
    %dma_start3A_158 = arith.constant 32 : i32
    %dma_start3A_159 = tpu.memref_slice %arg17[%dma_start3A_158] : memref<512xf32, #tpu.memory_space<vmem>> -> memref<96xf32, #tpu.memory_space<vmem>>
    tpu.enqueue_dma source(%dma_start3A_159 : memref<96xf32, #tpu.memory_space<vmem>>) target(%dma_start3A_157 : memref<96xf32, #tpu.memory_space<hbm>>) target_semaphore(%arg21 : memref<!tpu.dma_semaphore, #tpu.memory_space<semaphore_mem>>)
    %dma_start3A_160 = arith.constant 0 : i32
    %dma_start3A_161 = arith.constant 0 : i32
    %dma_start3A_162 = tpu.memref_slice %arg14[%dma_start3A_160, %dma_start3A_161] : memref<128x128xf32, #tpu.memory_space<vmem>> -> memref<128x128xf32, #tpu.memory_space<vmem>>
    %dma_start3A_163 = arith.constant 256 : i32
    %dma_start3A_164 = tpu.memref_slice %arg8[%dma_start3A_163] : memref<512xi32, #tpu.memory_space<vmem>> -> memref<128xi32, #tpu.memory_space<vmem>>
    %dma_start3A_165 = arith.constant 0 : i32
    %dma_start3A_166 = arith.constant 0 : i32
    %dma_start3A_167 = tpu.memref_slice %arg5[%dma_start3A_165, %dma_start3A_166] : memref<100000x128xf32, #tpu.memory_space<hbm>> -> memref<100000x128xf32, #tpu.memory_space<hbm>>
    tpu.enqueue_indirect_dma source(%dma_start3A_167 : memref<100000x128xf32, #tpu.memory_space<hbm>>) target(%dma_start3A_162 : memref<128x128xf32, #tpu.memory_space<vmem>>) offsets(%dma_start3A_164 : memref<128xi32, #tpu.memory_space<vmem>>) semaphore(%arg20 : memref<!tpu.dma_semaphore, #tpu.memory_space<semaphore_mem>>)
    %dma_start3A_168 = arith.constant 0 : i32
    %dma_start3A_169 = arith.constant 0 : i32
    %dma_start3A_170 = tpu.memref_slice %arg15[%dma_start3A_168, %dma_start3A_169] : memref<128x128xf32, #tpu.memory_space<vmem>> -> memref<128x128xf32, #tpu.memory_space<vmem>>
    %dma_start3A_171 = arith.constant 256 : i32
    %dma_start3A_172 = tpu.memref_slice %arg9[%dma_start3A_171] : memref<512xi32, #tpu.memory_space<vmem>> -> memref<128xi32, #tpu.memory_space<vmem>>
    %dma_start3A_173 = arith.constant 0 : i32
    %dma_start3A_174 = arith.constant 0 : i32
    %dma_start3A_175 = tpu.memref_slice %arg6[%dma_start3A_173, %dma_start3A_174] : memref<1000x128xf32, #tpu.memory_space<hbm>> -> memref<1000x128xf32, #tpu.memory_space<hbm>>
    tpu.enqueue_indirect_dma source(%dma_start3A_175 : memref<1000x128xf32, #tpu.memory_space<hbm>>) target(%dma_start3A_170 : memref<128x128xf32, #tpu.memory_space<vmem>>) offsets(%dma_start3A_172 : memref<128xi32, #tpu.memory_space<vmem>>) semaphore(%arg20 : memref<!tpu.dma_semaphore, #tpu.memory_space<semaphore_mem>>)
    %dma_start3A_176 = arith.constant 0 : i32
    %dma_start3A_177 = arith.constant 0 : i32
    %dma_start3A_178 = tpu.memref_slice %arg16[%dma_start3A_176, %dma_start3A_177] : memref<128x128xf32, #tpu.memory_space<vmem>> -> memref<128x128xf32, #tpu.memory_space<vmem>>
    %dma_start3A_179 = arith.constant 256 : i32
    %dma_start3A_180 = tpu.memref_slice %arg10[%dma_start3A_179] : memref<512xi32, #tpu.memory_space<vmem>> -> memref<128xi32, #tpu.memory_space<vmem>>
    %dma_start3A_181 = arith.constant 0 : i32
    %dma_start3A_182 = arith.constant 0 : i32
    %dma_start3A_183 = tpu.memref_slice %arg5[%dma_start3A_181, %dma_start3A_182] : memref<100000x128xf32, #tpu.memory_space<hbm>> -> memref<100000x128xf32, #tpu.memory_space<hbm>>
    tpu.enqueue_indirect_dma source(%dma_start3A_183 : memref<100000x128xf32, #tpu.memory_space<hbm>>) target(%dma_start3A_178 : memref<128x128xf32, #tpu.memory_space<vmem>>) offsets(%dma_start3A_180 : memref<128xi32, #tpu.memory_space<vmem>>) semaphore(%arg20 : memref<!tpu.dma_semaphore, #tpu.memory_space<semaphore_mem>>)
    %dma_wait3A_184 = arith.constant 0 : i32
    %dma_wait3A_185 = arith.constant 0 : i32
    %dma_wait3A_186 = tpu.memref_slice %arg11[%dma_wait3A_184, %dma_wait3A_185] : memref<128x128xf32, #tpu.memory_space<vmem>> -> memref<128x128xf32, #tpu.memory_space<vmem>>
    %dma_wait3A_187 = arith.constant 128 : i32
    %dma_wait3A_188 = tpu.memref_slice %arg8[%dma_wait3A_187] : memref<512xi32, #tpu.memory_space<vmem>> -> memref<128xi32, #tpu.memory_space<vmem>>
    %dma_wait3A_189 = arith.constant 0 : i32
    %dma_wait3A_190 = arith.constant 0 : i32
    %dma_wait3A_191 = tpu.memref_slice %arg5[%dma_wait3A_189, %dma_wait3A_190] : memref<100000x128xf32, #tpu.memory_space<hbm>> -> memref<100000x128xf32, #tpu.memory_space<hbm>>
    tpu.wait_indirect_dma semaphore(%arg19 : memref<!tpu.dma_semaphore, #tpu.memory_space<semaphore_mem>>) src(%dma_wait3A_191 : memref<100000x128xf32, #tpu.memory_space<hbm>>) dst(%dma_wait3A_186 : memref<128x128xf32, #tpu.memory_space<vmem>>)
    %dma_wait3A_192 = arith.constant 0 : i32
    %dma_wait3A_193 = arith.constant 0 : i32
    %dma_wait3A_194 = tpu.memref_slice %arg12[%dma_wait3A_192, %dma_wait3A_193] : memref<128x128xf32, #tpu.memory_space<vmem>> -> memref<128x128xf32, #tpu.memory_space<vmem>>
    %dma_wait3A_195 = arith.constant 128 : i32
    %dma_wait3A_196 = tpu.memref_slice %arg9[%dma_wait3A_195] : memref<512xi32, #tpu.memory_space<vmem>> -> memref<128xi32, #tpu.memory_space<vmem>>
    %dma_wait3A_197 = arith.constant 0 : i32
    %dma_wait3A_198 = arith.constant 0 : i32
    %dma_wait3A_199 = tpu.memref_slice %arg6[%dma_wait3A_197, %dma_wait3A_198] : memref<1000x128xf32, #tpu.memory_space<hbm>> -> memref<1000x128xf32, #tpu.memory_space<hbm>>
    tpu.wait_indirect_dma semaphore(%arg19 : memref<!tpu.dma_semaphore, #tpu.memory_space<semaphore_mem>>) src(%dma_wait3A_199 : memref<1000x128xf32, #tpu.memory_space<hbm>>) dst(%dma_wait3A_194 : memref<128x128xf32, #tpu.memory_space<vmem>>)
    %dma_wait3A_200 = arith.constant 0 : i32
    %dma_wait3A_201 = arith.constant 0 : i32
    %dma_wait3A_202 = tpu.memref_slice %arg13[%dma_wait3A_200, %dma_wait3A_201] : memref<128x128xf32, #tpu.memory_space<vmem>> -> memref<128x128xf32, #tpu.memory_space<vmem>>
    %dma_wait3A_203 = arith.constant 128 : i32
    %dma_wait3A_204 = tpu.memref_slice %arg10[%dma_wait3A_203] : memref<512xi32, #tpu.memory_space<vmem>> -> memref<128xi32, #tpu.memory_space<vmem>>
    %dma_wait3A_205 = arith.constant 0 : i32
    %dma_wait3A_206 = arith.constant 0 : i32
    %dma_wait3A_207 = tpu.memref_slice %arg5[%dma_wait3A_205, %dma_wait3A_206] : memref<100000x128xf32, #tpu.memory_space<hbm>> -> memref<100000x128xf32, #tpu.memory_space<hbm>>
    tpu.wait_indirect_dma semaphore(%arg19 : memref<!tpu.dma_semaphore, #tpu.memory_space<semaphore_mem>>) src(%dma_wait3A_207 : memref<100000x128xf32, #tpu.memory_space<hbm>>) dst(%dma_wait3A_202 : memref<128x128xf32, #tpu.memory_space<vmem>>)
    %scan3A_208 = arith.constant 0 : i32
    %scan3A_209 = arith.constant 0 : i32
    %scan3A_210 = arith.constant 8 : i32
    %scan3A_211 = arith.addi %scan3A_209, %scan3A_210 : i32
    %scan3A_212 = arith.constant 1 : i32
    scf.for %scan3A_420 = %scan3A_209 to %scan3A_211 step %scan3A_212  : i32 {
      %mul3A_421 = arith.constant 16 : i32
      %mul3A_422 = arith.muli %scan3A_420, %mul3A_421 : i32
      %multiple_of3A_423 = tpu.assume_multiple %mul3A_422, 16 : i32
      %scan3A_424 = arith.constant 0 : i32
      %scan3A_425 = arith.constant 0 : i32
      %scan3A_426 = arith.constant 16 : i32
      %scan3A_427 = arith.addi %scan3A_425, %scan3A_426 : i32
      %scan3A_428 = arith.constant 1 : i32
      scf.for %scan3A_558 = %scan3A_425 to %scan3A_427 step %scan3A_428  : i32 {
        %add3A_559 = arith.addi %multiple_of3A_423, %scan3A_558 : i32
        %broadcast_in_dim3A = arith.constant 0.000000e+00 : f32
        %broadcast_in_dim3A_560 = vector.broadcast %broadcast_in_dim3A : f32 to vector<16xf32>
        %get3A = arith.index_cast %add3A_559 : i32 to index
        %get3A_561 = arith.constant 0 : index
        %get3A_562 = tpu.vector_load %arg11[%get3A, %get3A_561] {strides = array<i32>} : memref<128x128xf32, #tpu.memory_space<vmem>>, vector<16xf32>,
        %get3A_563 = arith.index_cast %add3A_559 : i32 to index
        %get3A_564 = arith.constant 0 : index
        %get3A_565 = tpu.vector_load %arg12[%get3A_563, %get3A_564] {strides = array<i32>} : memref<128x128xf32, #tpu.memory_space<vmem>>, vector<16xf32>,
        %add3A_566 = arith.addf %get3A_562, %get3A_565 : vector<16xf32>
        %get3A_567 = arith.index_cast %add3A_559 : i32 to index
        %get3A_568 = arith.constant 0 : index
        %get3A_569 = tpu.vector_load %arg13[%get3A_567, %get3A_568] {strides = array<i32>} : memref<128x128xf32, #tpu.memory_space<vmem>>, vector<16xf32>,
        %sub3A = arith.subf %add3A_566, %get3A_569 : vector<16xf32>
        %abs3A = math.absf %sub3A : vector<16xf32>
        %add3A_570 = arith.addf %broadcast_in_dim3A_560, %abs3A : vector<16xf32>
        %get3A_571 = arith.index_cast %add3A_559 : i32 to index
        %get3A_572 = arith.constant 16 : index
        %get3A_573 = tpu.vector_load %arg11[%get3A_571, %get3A_572] {strides = array<i32>} : memref<128x128xf32, #tpu.memory_space<vmem>>, vector<16xf32>,
        %get3A_574 = arith.index_cast %add3A_559 : i32 to index
        %get3A_575 = arith.constant 16 : index
        %get3A_576 = tpu.vector_load %arg12[%get3A_574, %get3A_575] {strides = array<i32>} : memref<128x128xf32, #tpu.memory_space<vmem>>, vector<16xf32>,
        %add3A_577 = arith.addf %get3A_573, %get3A_576 : vector<16xf32>
        %get3A_578 = arith.index_cast %add3A_559 : i32 to index
        %get3A_579 = arith.constant 16 : index
        %get3A_580 = tpu.vector_load %arg13[%get3A_578, %get3A_579] {strides = array<i32>} : memref<128x128xf32, #tpu.memory_space<vmem>>, vector<16xf32>,
        %sub3A_581 = arith.subf %add3A_577, %get3A_580 : vector<16xf32>
        %abs3A_582 = math.absf %sub3A_581 : vector<16xf32>
        %add3A_583 = arith.addf %add3A_570, %abs3A_582 : vector<16xf32>
        %get3A_584 = arith.index_cast %add3A_559 : i32 to index
        %get3A_585 = arith.constant 32 : index
        %get3A_586 = tpu.vector_load %arg11[%get3A_584, %get3A_585] {strides = array<i32>} : memref<128x128xf32, #tpu.memory_space<vmem>>, vector<16xf32>,
        %get3A_587 = arith.index_cast %add3A_559 : i32 to index
        %get3A_588 = arith.constant 32 : index
        %get3A_589 = tpu.vector_load %arg12[%get3A_587, %get3A_588] {strides = array<i32>} : memref<128x128xf32, #tpu.memory_space<vmem>>, vector<16xf32>,
        %add3A_590 = arith.addf %get3A_586, %get3A_589 : vector<16xf32>
        %get3A_591 = arith.index_cast %add3A_559 : i32 to index
        %get3A_592 = arith.constant 32 : index
        %get3A_593 = tpu.vector_load %arg13[%get3A_591, %get3A_592] {strides = array<i32>} : memref<128x128xf32, #tpu.memory_space<vmem>>, vector<16xf32>,
        %sub3A_594 = arith.subf %add3A_590, %get3A_593 : vector<16xf32>
        %abs3A_595 = math.absf %sub3A_594 : vector<16xf32>
        %add3A_596 = arith.addf %add3A_583, %abs3A_595 : vector<16xf32>
        %get3A_597 = arith.index_cast %add3A_559 : i32 to index
        %get3A_598 = arith.constant 48 : index
        %get3A_599 = tpu.vector_load %arg11[%get3A_597, %get3A_598] {strides = array<i32>} : memref<128x128xf32, #tpu.memory_space<vmem>>, vector<16xf32>,
        %get3A_600 = arith.index_cast %add3A_559 : i32 to index
        %get3A_601 = arith.constant 48 : index
        %get3A_602 = tpu.vector_load %arg12[%get3A_600, %get3A_601] {strides = array<i32>} : memref<128x128xf32, #tpu.memory_space<vmem>>, vector<16xf32>,
        %add3A_603 = arith.addf %get3A_599, %get3A_602 : vector<16xf32>
        %get3A_604 = arith.index_cast %add3A_559 : i32 to index
        %get3A_605 = arith.constant 48 : index
        %get3A_606 = tpu.vector_load %arg13[%get3A_604, %get3A_605] {strides = array<i32>} : memref<128x128xf32, #tpu.memory_space<vmem>>, vector<16xf32>,
        %sub3A_607 = arith.subf %add3A_603, %get3A_606 : vector<16xf32>
        %abs3A_608 = math.absf %sub3A_607 : vector<16xf32>
        %add3A_609 = arith.addf %add3A_596, %abs3A_608 : vector<16xf32>
        %get3A_610 = arith.index_cast %add3A_559 : i32 to index
        %get3A_611 = arith.constant 64 : index
        %get3A_612 = tpu.vector_load %arg11[%get3A_610, %get3A_611] {strides = array<i32>} : memref<128x128xf32, #tpu.memory_space<vmem>>, vector<16xf32>,
        %get3A_613 = arith.index_cast %add3A_559 : i32 to index
        %get3A_614 = arith.constant 64 : index
        %get3A_615 = tpu.vector_load %arg12[%get3A_613, %get3A_614] {strides = array<i32>} : memref<128x128xf32, #tpu.memory_space<vmem>>, vector<16xf32>,
        %add3A_616 = arith.addf %get3A_612, %get3A_615 : vector<16xf32>
        %get3A_617 = arith.index_cast %add3A_559 : i32 to index
        %get3A_618 = arith.constant 64 : index
        %get3A_619 = tpu.vector_load %arg13[%get3A_617, %get3A_618] {strides = array<i32>} : memref<128x128xf32, #tpu.memory_space<vmem>>, vector<16xf32>,
        %sub3A_620 = arith.subf %add3A_616, %get3A_619 : vector<16xf32>
        %abs3A_621 = math.absf %sub3A_620 : vector<16xf32>
        %add3A_622 = arith.addf %add3A_609, %abs3A_621 : vector<16xf32>
        %get3A_623 = arith.index_cast %add3A_559 : i32 to index
        %get3A_624 = arith.constant 80 : index
        %get3A_625 = tpu.vector_load %arg11[%get3A_623, %get3A_624] {strides = array<i32>} : memref<128x128xf32, #tpu.memory_space<vmem>>, vector<16xf32>,
        %get3A_626 = arith.index_cast %add3A_559 : i32 to index
        %get3A_627 = arith.constant 80 : index
        %get3A_628 = tpu.vector_load %arg12[%get3A_626, %get3A_627] {strides = array<i32>} : memref<128x128xf32, #tpu.memory_space<vmem>>, vector<16xf32>,
        %add3A_629 = arith.addf %get3A_625, %get3A_628 : vector<16xf32>
        %get3A_630 = arith.index_cast %add3A_559 : i32 to index
        %get3A_631 = arith.constant 80 : index
        %get3A_632 = tpu.vector_load %arg13[%get3A_630, %get3A_631] {strides = array<i32>} : memref<128x128xf32, #tpu.memory_space<vmem>>, vector<16xf32>,
        %sub3A_633 = arith.subf %add3A_629, %get3A_632 : vector<16xf32>
        %abs3A_634 = math.absf %sub3A_633 : vector<16xf32>
        %add3A_635 = arith.addf %add3A_622, %abs3A_634 : vector<16xf32>
        %get3A_636 = arith.index_cast %add3A_559 : i32 to index
        %get3A_637 = arith.constant 96 : index
        %get3A_638 = tpu.vector_load %arg11[%get3A_636, %get3A_637] {strides = array<i32>} : memref<128x128xf32, #tpu.memory_space<vmem>>, vector<16xf32>,
        %get3A_639 = arith.index_cast %add3A_559 : i32 to index
        %get3A_640 = arith.constant 96 : index
        %get3A_641 = tpu.vector_load %arg12[%get3A_639, %get3A_640] {strides = array<i32>} : memref<128x128xf32, #tpu.memory_space<vmem>>, vector<16xf32>,
        %add3A_642 = arith.addf %get3A_638, %get3A_641 : vector<16xf32>
        %get3A_643 = arith.index_cast %add3A_559 : i32 to index
        %get3A_644 = arith.constant 96 : index
        %get3A_645 = tpu.vector_load %arg13[%get3A_643, %get3A_644] {strides = array<i32>} : memref<128x128xf32, #tpu.memory_space<vmem>>, vector<16xf32>,
        %sub3A_646 = arith.subf %add3A_642, %get3A_645 : vector<16xf32>
        %abs3A_647 = math.absf %sub3A_646 : vector<16xf32>
        %add3A_648 = arith.addf %add3A_635, %abs3A_647 : vector<16xf32>
        %get3A_649 = arith.index_cast %add3A_559 : i32 to index
        %get3A_650 = arith.constant 112 : index
        %get3A_651 = tpu.vector_load %arg11[%get3A_649, %get3A_650] {strides = array<i32>} : memref<128x128xf32, #tpu.memory_space<vmem>>, vector<16xf32>,
        %get3A_652 = arith.index_cast %add3A_559 : i32 to index
        %get3A_653 = arith.constant 112 : index
        %get3A_654 = tpu.vector_load %arg12[%get3A_652, %get3A_653] {strides = array<i32>} : memref<128x128xf32, #tpu.memory_space<vmem>>, vector<16xf32>,
        %add3A_655 = arith.addf %get3A_651, %get3A_654 : vector<16xf32>
        %get3A_656 = arith.index_cast %add3A_559 : i32 to index
        %get3A_657 = arith.constant 112 : index
        %get3A_658 = tpu.vector_load %arg13[%get3A_656, %get3A_657] {strides = array<i32>} : memref<128x128xf32, #tpu.memory_space<vmem>>, vector<16xf32>,
        %sub3A_659 = arith.subf %add3A_655, %get3A_658 : vector<16xf32>
        %abs3A_660 = math.absf %sub3A_659 : vector<16xf32>
        %add3A_661 = arith.addf %add3A_648, %abs3A_660 : vector<16xf32>
        %mul3A_662 = arith.constant 24 : i32
        %mul3A_663 = arith.muli %scan3A_558, %mul3A_662 : i32
        %swap3A_664 = arith.index_cast %mul3A_663 : i32 to index
        %swap3A_665 = tpu.vector_load %arg18[%swap3A_664] {strides = array<i32>} : memref<384xf32, #tpu.memory_space<vmem>>, vector<16xf32>,
        tpu.vector_store %arg18[%swap3A_664], %add3A_661 {strides = array<i32>} : memref<384xf32, #tpu.memory_space<vmem>>, vector<16xf32>,
      }
      %scan3A_429 = arith.constant 16 : i32
      %mul3A_430 = arith.constant 24 : i32
      %mul3A_431 = vector.broadcast %mul3A_430 : i32 to vector<16xi32>
      %mul3A_432 = arith.muli %iota3A, %mul3A_431 : vector<16xi32>
      %gather3A = tpu.vector_load_idx %arg18[%mul3A_432] : memref<384xf32, #tpu.memory_space<vmem>>[vector<16xi32>], vector<16xf32>,
      %mul3A_433 = arith.constant 24 : i32
      %mul3A_434 = vector.broadcast %mul3A_433 : i32 to vector<16xi32>
      %mul3A_435 = arith.muli %iota3A, %mul3A_434 : vector<16xi32>
      %add3A_436 = arith.constant 1 : i32
      %add3A_437 = vector.broadcast %add3A_436 : i32 to vector<16xi32>
      %add3A_438 = arith.addi %mul3A_435, %add3A_437 : vector<16xi32>
      %gather3A_439 = tpu.vector_load_idx %arg18[%add3A_438] : memref<384xf32, #tpu.memory_space<vmem>>[vector<16xi32>], vector<16xf32>,
      %add3A_440 = arith.addf %gather3A, %gather3A_439 : vector<16xf32>
      %mul3A_441 = arith.constant 24 : i32
      %mul3A_442 = vector.broadcast %mul3A_441 : i32 to vector<16xi32>
      %mul3A_443 = arith.muli %iota3A, %mul3A_442 : vector<16xi32>
      %add3A_444 = arith.constant 2 : i32
      %add3A_445 = vector.broadcast %add3A_444 : i32 to vector<16xi32>
      %add3A_446 = arith.addi %mul3A_443, %add3A_445 : vector<16xi32>
      %gather3A_447 = tpu.vector_load_idx %arg18[%add3A_446] : memref<384xf32, #tpu.memory_space<vmem>>[vector<16xi32>], vector<16xf32>,
      %add3A_448 = arith.addf %add3A_440, %gather3A_447 : vector<16xf32>
      %mul3A_449 = arith.constant 24 : i32
      %mul3A_450 = vector.broadcast %mul3A_449 : i32 to vector<16xi32>
      %mul3A_451 = arith.muli %iota3A, %mul3A_450 : vector<16xi32>
      %add3A_452 = arith.constant 3 : i32
      %add3A_453 = vector.broadcast %add3A_452 : i32 to vector<16xi32>
      %add3A_454 = arith.addi %mul3A_451, %add3A_453 : vector<16xi32>
      %gather3A_455 = tpu.vector_load_idx %arg18[%add3A_454] : memref<384xf32, #tpu.memory_space<vmem>>[vector<16xi32>], vector<16xf32>,
      %add3A_456 = arith.addf %add3A_448, %gather3A_455 : vector<16xf32>
      %mul3A_457 = arith.constant 24 : i32
      %mul3A_458 = vector.broadcast %mul3A_457 : i32 to vector<16xi32>
      %mul3A_459 = arith.muli %iota3A, %mul3A_458 : vector<16xi32>
      %add3A_460 = arith.constant 4 : i32
      %add3A_461 = vector.broadcast %add3A_460 : i32 to vector<16xi32>
      %add3A_462 = arith.addi %mul3A_459, %add3A_461 : vector<16xi32>
      %gather3A_463 = tpu.vector_load_idx %arg18[%add3A_462] : memref<384xf32, #tpu.memory_space<vmem>>[vector<16xi32>], vector<16xf32>,
      %add3A_464 = arith.addf %add3A_456, %gather3A_463 : vector<16xf32>
      %mul3A_465 = arith.constant 24 : i32
      %mul3A_466 = vector.broadcast %mul3A_465 : i32 to vector<16xi32>
      %mul3A_467 = arith.muli %iota3A, %mul3A_466 : vector<16xi32>
      %add3A_468 = arith.constant 5 : i32
      %add3A_469 = vector.broadcast %add3A_468 : i32 to vector<16xi32>
      %add3A_470 = arith.addi %mul3A_467, %add3A_469 : vector<16xi32>
      %gather3A_471 = tpu.vector_load_idx %arg18[%add3A_470] : memref<384xf32, #tpu.memory_space<vmem>>[vector<16xi32>], vector<16xf32>,
      %add3A_472 = arith.addf %add3A_464, %gather3A_471 : vector<16xf32>
      %mul3A_473 = arith.constant 24 : i32
      %mul3A_474 = vector.broadcast %mul3A_473 : i32 to vector<16xi32>
      %mul3A_475 = arith.muli %iota3A, %mul3A_474 : vector<16xi32>
      %add3A_476 = arith.constant 6 : i32
      %add3A_477 = vector.broadcast %add3A_476 : i32 to vector<16xi32>
      %add3A_478 = arith.addi %mul3A_475, %add3A_477 : vector<16xi32>
      %gather3A_479 = tpu.vector_load_idx %arg18[%add3A_478] : memref<384xf32, #tpu.memory_space<vmem>>[vector<16xi32>], vector<16xf32>,
      %add3A_480 = arith.addf %add3A_472, %gather3A_479 : vector<16xf32>
      %mul3A_481 = arith.constant 24 : i32
      %mul3A_482 = vector.broadcast %mul3A_481 : i32 to vector<16xi32>
      %mul3A_483 = arith.muli %iota3A, %mul3A_482 : vector<16xi32>
      %add3A_484 = arith.constant 7 : i32
      %add3A_485 = vector.broadcast %add3A_484 : i32 to vector<16xi32>
      %add3A_486 = arith.addi %mul3A_483, %add3A_485 : vector<16xi32>
      %gather3A_487 = tpu.vector_load_idx %arg18[%add3A_486] : memref<384xf32, #tpu.memory_space<vmem>>[vector<16xi32>], vector<16xf32>,
      %add3A_488 = arith.addf %add3A_480, %gather3A_487 : vector<16xf32>
      %mul3A_489 = arith.constant 24 : i32
      %mul3A_490 = vector.broadcast %mul3A_489 : i32 to vector<16xi32>
      %mul3A_491 = arith.muli %iota3A, %mul3A_490 : vector<16xi32>
      %add3A_492 = arith.constant 8 : i32
      %add3A_493 = vector.broadcast %add3A_492 : i32 to vector<16xi32>
      %add3A_494 = arith.addi %mul3A_491, %add3A_493 : vector<16xi32>
      %gather3A_495 = tpu.vector_load_idx %arg18[%add3A_494] : memref<384xf32, #tpu.memory_space<vmem>>[vector<16xi32>], vector<16xf32>,
      %add3A_496 = arith.addf %add3A_488, %gather3A_495 : vector<16xf32>
      %mul3A_497 = arith.constant 24 : i32
      %mul3A_498 = vector.broadcast %mul3A_497 : i32 to vector<16xi32>
      %mul3A_499 = arith.muli %iota3A, %mul3A_498 : vector<16xi32>
      %add3A_500 = arith.constant 9 : i32
      %add3A_501 = vector.broadcast %add3A_500 : i32 to vector<16xi32>
      %add3A_502 = arith.addi %mul3A_499, %add3A_501 : vector<16xi32>
      %gather3A_503 = tpu.vector_load_idx %arg18[%add3A_502] : memref<384xf32, #tpu.memory_space<vmem>>[vector<16xi32>], vector<16xf32>,
      %add3A_504 = arith.addf %add3A_496, %gather3A_503 : vector<16xf32>
      %mul3A_505 = arith.constant 24 : i32
      %mul3A_506 = vector.broadcast %mul3A_505 : i32 to vector<16xi32>
      %mul3A_507 = arith.muli %iota3A, %mul3A_506 : vector<16xi32>
      %add3A_508 = arith.constant 10 : i32
      %add3A_509 = vector.broadcast %add3A_508 : i32 to vector<16xi32>
      %add3A_510 = arith.addi %mul3A_507, %add3A_509 : vector<16xi32>
      %gather3A_511 = tpu.vector_load_idx %arg18[%add3A_510] : memref<384xf32, #tpu.memory_space<vmem>>[vector<16xi32>], vector<16xf32>,
      %add3A_512 = arith.addf %add3A_504, %gather3A_511 : vector<16xf32>
      %mul3A_513 = arith.constant 24 : i32
      %mul3A_514 = vector.broadcast %mul3A_513 : i32 to vector<16xi32>
      %mul3A_515 = arith.muli %iota3A, %mul3A_514 : vector<16xi32>
      %add3A_516 = arith.constant 11 : i32
      %add3A_517 = vector.broadcast %add3A_516 : i32 to vector<16xi32>
      %add3A_518 = arith.addi %mul3A_515, %add3A_517 : vector<16xi32>
      %gather3A_519 = tpu.vector_load_idx %arg18[%add3A_518] : memref<384xf32, #tpu.memory_space<vmem>>[vector<16xi32>], vector<16xf32>,
      %add3A_520 = arith.addf %add3A_512, %gather3A_519 : vector<16xf32>
      %mul3A_521 = arith.constant 24 : i32
      %mul3A_522 = vector.broadcast %mul3A_521 : i32 to vector<16xi32>
      %mul3A_523 = arith.muli %iota3A, %mul3A_522 : vector<16xi32>
      %add3A_524 = arith.constant 12 : i32
      %add3A_525 = vector.broadcast %add3A_524 : i32 to vector<16xi32>
      %add3A_526 = arith.addi %mul3A_523, %add3A_525 : vector<16xi32>
      %gather3A_527 = tpu.vector_load_idx %arg18[%add3A_526] : memref<384xf32, #tpu.memory_space<vmem>>[vector<16xi32>], vector<16xf32>,
      %add3A_528 = arith.addf %add3A_520, %gather3A_527 : vector<16xf32>
      %mul3A_529 = arith.constant 24 : i32
      %mul3A_530 = vector.broadcast %mul3A_529 : i32 to vector<16xi32>
      %mul3A_531 = arith.muli %iota3A, %mul3A_530 : vector<16xi32>
      %add3A_532 = arith.constant 13 : i32
      %add3A_533 = vector.broadcast %add3A_532 : i32 to vector<16xi32>
      %add3A_534 = arith.addi %mul3A_531, %add3A_533 : vector<16xi32>
      %gather3A_535 = tpu.vector_load_idx %arg18[%add3A_534] : memref<384xf32, #tpu.memory_space<vmem>>[vector<16xi32>], vector<16xf32>,
      %add3A_536 = arith.addf %add3A_528, %gather3A_535 : vector<16xf32>
      %mul3A_537 = arith.constant 24 : i32
      %mul3A_538 = vector.broadcast %mul3A_537 : i32 to vector<16xi32>
      %mul3A_539 = arith.muli %iota3A, %mul3A_538 : vector<16xi32>
      %add3A_540 = arith.constant 14 : i32
      %add3A_541 = vector.broadcast %add3A_540 : i32 to vector<16xi32>
      %add3A_542 = arith.addi %mul3A_539, %add3A_541 : vector<16xi32>
      %gather3A_543 = tpu.vector_load_idx %arg18[%add3A_542] : memref<384xf32, #tpu.memory_space<vmem>>[vector<16xi32>], vector<16xf32>,
      %add3A_544 = arith.addf %add3A_536, %gather3A_543 : vector<16xf32>
      %mul3A_545 = arith.constant 24 : i32
      %mul3A_546 = vector.broadcast %mul3A_545 : i32 to vector<16xi32>
      %mul3A_547 = arith.muli %iota3A, %mul3A_546 : vector<16xi32>
      %add3A_548 = arith.constant 15 : i32
      %add3A_549 = vector.broadcast %add3A_548 : i32 to vector<16xi32>
      %add3A_550 = arith.addi %mul3A_547, %add3A_549 : vector<16xi32>
      %gather3A_551 = tpu.vector_load_idx %arg18[%add3A_550] : memref<384xf32, #tpu.memory_space<vmem>>[vector<16xi32>], vector<16xf32>,
      %add3A_552 = arith.addf %add3A_544, %gather3A_551 : vector<16xf32>
      %neg3A = arith.constant 0.000000e+00 : f32
      %neg3A_553 = vector.broadcast %neg3A : f32 to vector<16xf32>
      %neg3A_554 = arith.subf %neg3A_553, %add3A_552 : vector<16xf32>
      %add3A_555 = arith.constant 128 : i32
      %add3A_556 = arith.addi %add3A_555, %multiple_of3A_423 : i32
      %swap3A = arith.index_cast %add3A_556 : i32 to index
      %swap3A_557 = tpu.vector_load %arg17[%swap3A] {strides = array<i32>} : memref<512xf32, #tpu.memory_space<vmem>>, vector<16xf32>,
      tpu.vector_store %arg17[%swap3A], %neg3A_554 {strides = array<i32>} : memref<512xf32, #tpu.memory_space<vmem>>, vector<16xf32>,
    }
    %scan3A_213 = arith.constant 8 : i32
    %add3A_214 = arith.constant 128 : i32
    %add3A_215 = arith.addi %multiple_of3A, %add3A_214 : i32
    %dma_start3A_216 = arith.constant 128 : i32
    %dma_start3A_217 = tpu.memref_slice %arg17[%dma_start3A_216] : memref<512xf32, #tpu.memory_space<vmem>> -> memref<128xf32, #tpu.memory_space<vmem>>
    %dma_start3A_218 = tpu.memref_slice %arg7[%add3A_215] : memref<16384xf32, #tpu.memory_space<hbm>> -> memref<128xf32, #tpu.memory_space<hbm>>
    %dma_start3A_219 = tpu.memref_slice %arg7[%add3A_215] : memref<16384xf32, #tpu.memory_space<hbm>> -> memref<128xf32, #tpu.memory_space<hbm>>
    %dma_start3A_220 = arith.constant 128 : i32
    %dma_start3A_221 = tpu.memref_slice %arg17[%dma_start3A_220] : memref<512xf32, #tpu.memory_space<vmem>> -> memref<128xf32, #tpu.memory_space<vmem>>
    tpu.enqueue_dma source(%dma_start3A_221 : memref<128xf32, #tpu.memory_space<vmem>>) target(%dma_start3A_219 : memref<128xf32, #tpu.memory_space<hbm>>) target_semaphore(%arg21 : memref<!tpu.dma_semaphore, #tpu.memory_space<semaphore_mem>>)
    %dma_start3A_222 = arith.constant 0 : i32
    %dma_start3A_223 = arith.constant 0 : i32
    %dma_start3A_224 = tpu.memref_slice %arg11[%dma_start3A_222, %dma_start3A_223] : memref<128x128xf32, #tpu.memory_space<vmem>> -> memref<96x128xf32, #tpu.memory_space<vmem>>
    %dma_start3A_225 = arith.constant 384 : i32
    %dma_start3A_226 = tpu.memref_slice %arg8[%dma_start3A_225] : memref<512xi32, #tpu.memory_space<vmem>> -> memref<96xi32, #tpu.memory_space<vmem>>
    %dma_start3A_227 = arith.constant 0 : i32
    %dma_start3A_228 = arith.constant 0 : i32
    %dma_start3A_229 = tpu.memref_slice %arg5[%dma_start3A_227, %dma_start3A_228] : memref<100000x128xf32, #tpu.memory_space<hbm>> -> memref<100000x128xf32, #tpu.memory_space<hbm>>
    tpu.enqueue_indirect_dma source(%dma_start3A_229 : memref<100000x128xf32, #tpu.memory_space<hbm>>) target(%dma_start3A_224 : memref<96x128xf32, #tpu.memory_space<vmem>>) offsets(%dma_start3A_226 : memref<96xi32, #tpu.memory_space<vmem>>) semaphore(%arg19 : memref<!tpu.dma_semaphore, #tpu.memory_space<semaphore_mem>>)
    %dma_start3A_230 = arith.constant 0 : i32
    %dma_start3A_231 = arith.constant 0 : i32
    %dma_start3A_232 = tpu.memref_slice %arg12[%dma_start3A_230, %dma_start3A_231] : memref<128x128xf32, #tpu.memory_space<vmem>> -> memref<96x128xf32, #tpu.memory_space<vmem>>
    %dma_start3A_233 = arith.constant 384 : i32
    %dma_start3A_234 = tpu.memref_slice %arg9[%dma_start3A_233] : memref<512xi32, #tpu.memory_space<vmem>> -> memref<96xi32, #tpu.memory_space<vmem>>
    %dma_start3A_235 = arith.constant 0 : i32
    %dma_start3A_236 = arith.constant 0 : i32
    %dma_start3A_237 = tpu.memref_slice %arg6[%dma_start3A_235, %dma_start3A_236] : memref<1000x128xf32, #tpu.memory_space<hbm>> -> memref<1000x128xf32, #tpu.memory_space<hbm>>
    tpu.enqueue_indirect_dma source(%dma_start3A_237 : memref<1000x128xf32, #tpu.memory_space<hbm>>) target(%dma_start3A_232 : memref<96x128xf32, #tpu.memory_space<vmem>>) offsets(%dma_start3A_234 : memref<96xi32, #tpu.memory_space<vmem>>) semaphore(%arg19 : memref<!tpu.dma_semaphore, #tpu.memory_space<semaphore_mem>>)
    %dma_start3A_238 = arith.constant 0 : i32
    %dma_start3A_239 = arith.constant 0 : i32
    %dma_start3A_240 = tpu.memref_slice %arg13[%dma_start3A_238, %dma_start3A_239] : memref<128x128xf32, #tpu.memory_space<vmem>> -> memref<96x128xf32, #tpu.memory_space<vmem>>
    %dma_start3A_241 = arith.constant 384 : i32
    %dma_start3A_242 = tpu.memref_slice %arg10[%dma_start3A_241] : memref<512xi32, #tpu.memory_space<vmem>> -> memref<96xi32, #tpu.memory_space<vmem>>
    %dma_start3A_243 = arith.constant 0 : i32
    %dma_start3A_244 = arith.constant 0 : i32
    %dma_start3A_245 = tpu.memref_slice %arg5[%dma_start3A_243, %dma_start3A_244] : memref<100000x128xf32, #tpu.memory_space<hbm>> -> memref<100000x128xf32, #tpu.memory_space<hbm>>
    tpu.enqueue_indirect_dma source(%dma_start3A_245 : memref<100000x128xf32, #tpu.memory_space<hbm>>) target(%dma_start3A_240 : memref<96x128xf32, #tpu.memory_space<vmem>>) offsets(%dma_start3A_242 : memref<96xi32, #tpu.memory_space<vmem>>) semaphore(%arg19 : memref<!tpu.dma_semaphore, #tpu.memory_space<semaphore_mem>>)
    %dma_wait3A_246 = arith.constant 0 : i32
    %dma_wait3A_247 = arith.constant 0 : i32
    %dma_wait3A_248 = tpu.memref_slice %arg14[%dma_wait3A_246, %dma_wait3A_247] : memref<128x128xf32, #tpu.memory_space<vmem>> -> memref<128x128xf32, #tpu.memory_space<vmem>>
    %dma_wait3A_249 = arith.constant 256 : i32
    %dma_wait3A_250 = tpu.memref_slice %arg8[%dma_wait3A_249] : memref<512xi32, #tpu.memory_space<vmem>> -> memref<128xi32, #tpu.memory_space<vmem>>
    %dma_wait3A_251 = arith.constant 0 : i32
    %dma_wait3A_252 = arith.constant 0 : i32
    %dma_wait3A_253 = tpu.memref_slice %arg5[%dma_wait3A_251, %dma_wait3A_252] : memref<100000x128xf32, #tpu.memory_space<hbm>> -> memref<100000x128xf32, #tpu.memory_space<hbm>>
    tpu.wait_indirect_dma semaphore(%arg20 : memref<!tpu.dma_semaphore, #tpu.memory_space<semaphore_mem>>) src(%dma_wait3A_253 : memref<100000x128xf32, #tpu.memory_space<hbm>>) dst(%dma_wait3A_248 : memref<128x128xf32, #tpu.memory_space<vmem>>)
    %dma_wait3A_254 = arith.constant 0 : i32
    %dma_wait3A_255 = arith.constant 0 : i32
    %dma_wait3A_256 = tpu.memref_slice %arg15[%dma_wait3A_254, %dma_wait3A_255] : memref<128x128xf32, #tpu.memory_space<vmem>> -> memref<128x128xf32, #tpu.memory_space<vmem>>
    %dma_wait3A_257 = arith.constant 256 : i32
    %dma_wait3A_258 = tpu.memref_slice %arg9[%dma_wait3A_257] : memref<512xi32, #tpu.memory_space<vmem>> -> memref<128xi32, #tpu.memory_space<vmem>>
    %dma_wait3A_259 = arith.constant 0 : i32
    %dma_wait3A_260 = arith.constant 0 : i32
    %dma_wait3A_261 = tpu.memref_slice %arg6[%dma_wait3A_259, %dma_wait3A_260] : memref<1000x128xf32, #tpu.memory_space<hbm>> -> memref<1000x128xf32, #tpu.memory_space<hbm>>
    tpu.wait_indirect_dma semaphore(%arg20 : memref<!tpu.dma_semaphore, #tpu.memory_space<semaphore_mem>>) src(%dma_wait3A_261 : memref<1000x128xf32, #tpu.memory_space<hbm>>) dst(%dma_wait3A_256 : memref<128x128xf32, #tpu.memory_space<vmem>>)
    %dma_wait3A_262 = arith.constant 0 : i32
    %dma_wait3A_263 = arith.constant 0 : i32
    %dma_wait3A_264 = tpu.memref_slice %arg16[%dma_wait3A_262, %dma_wait3A_263] : memref<128x128xf32, #tpu.memory_space<vmem>> -> memref<128x128xf32, #tpu.memory_space<vmem>>
    %dma_wait3A_265 = arith.constant 256 : i32
    %dma_wait3A_266 = tpu.memref_slice %arg10[%dma_wait3A_265] : memref<512xi32, #tpu.memory_space<vmem>> -> memref<128xi32, #tpu.memory_space<vmem>>
    %dma_wait3A_267 = arith.constant 0 : i32
    %dma_wait3A_268 = arith.constant 0 : i32
    %dma_wait3A_269 = tpu.memref_slice %arg5[%dma_wait3A_267, %dma_wait3A_268] : memref<100000x128xf32, #tpu.memory_space<hbm>> -> memref<100000x128xf32, #tpu.memory_space<hbm>>
    tpu.wait_indirect_dma semaphore(%arg20 : memref<!tpu.dma_semaphore, #tpu.memory_space<semaphore_mem>>) src(%dma_wait3A_269 : memref<100000x128xf32, #tpu.memory_space<hbm>>) dst(%dma_wait3A_264 : memref<128x128xf32, #tpu.memory_space<vmem>>)
    %scan3A_270 = arith.constant 0 : i32
    %scan3A_271 = arith.constant 0 : i32
    %scan3A_272 = arith.constant 8 : i32
    %scan3A_273 = arith.addi %scan3A_271, %scan3A_272 : i32
    %scan3A_274 = arith.constant 1 : i32
    scf.for %scan3A_420 = %scan3A_271 to %scan3A_273 step %scan3A_274  : i32 {
      %mul3A_421 = arith.constant 16 : i32
      %mul3A_422 = arith.muli %scan3A_420, %mul3A_421 : i32
      %multiple_of3A_423 = tpu.assume_multiple %mul3A_422, 16 : i32
      %scan3A_424 = arith.constant 0 : i32
      %scan3A_425 = arith.constant 0 : i32
      %scan3A_426 = arith.constant 16 : i32
      %scan3A_427 = arith.addi %scan3A_425, %scan3A_426 : i32
      %scan3A_428 = arith.constant 1 : i32
      scf.for %scan3A_558 = %scan3A_425 to %scan3A_427 step %scan3A_428  : i32 {
        %add3A_559 = arith.addi %multiple_of3A_423, %scan3A_558 : i32
        %broadcast_in_dim3A = arith.constant 0.000000e+00 : f32
        %broadcast_in_dim3A_560 = vector.broadcast %broadcast_in_dim3A : f32 to vector<16xf32>
        %get3A = arith.index_cast %add3A_559 : i32 to index
        %get3A_561 = arith.constant 0 : index
        %get3A_562 = tpu.vector_load %arg14[%get3A, %get3A_561] {strides = array<i32>} : memref<128x128xf32, #tpu.memory_space<vmem>>, vector<16xf32>,
        %get3A_563 = arith.index_cast %add3A_559 : i32 to index
        %get3A_564 = arith.constant 0 : index
        %get3A_565 = tpu.vector_load %arg15[%get3A_563, %get3A_564] {strides = array<i32>} : memref<128x128xf32, #tpu.memory_space<vmem>>, vector<16xf32>,
        %add3A_566 = arith.addf %get3A_562, %get3A_565 : vector<16xf32>
        %get3A_567 = arith.index_cast %add3A_559 : i32 to index
        %get3A_568 = arith.constant 0 : index
        %get3A_569 = tpu.vector_load %arg16[%get3A_567, %get3A_568] {strides = array<i32>} : memref<128x128xf32, #tpu.memory_space<vmem>>, vector<16xf32>,
        %sub3A = arith.subf %add3A_566, %get3A_569 : vector<16xf32>
        %abs3A = math.absf %sub3A : vector<16xf32>
        %add3A_570 = arith.addf %broadcast_in_dim3A_560, %abs3A : vector<16xf32>
        %get3A_571 = arith.index_cast %add3A_559 : i32 to index
        %get3A_572 = arith.constant 16 : index
        %get3A_573 = tpu.vector_load %arg14[%get3A_571, %get3A_572] {strides = array<i32>} : memref<128x128xf32, #tpu.memory_space<vmem>>, vector<16xf32>,
        %get3A_574 = arith.index_cast %add3A_559 : i32 to index
        %get3A_575 = arith.constant 16 : index
        %get3A_576 = tpu.vector_load %arg15[%get3A_574, %get3A_575] {strides = array<i32>} : memref<128x128xf32, #tpu.memory_space<vmem>>, vector<16xf32>,
        %add3A_577 = arith.addf %get3A_573, %get3A_576 : vector<16xf32>
        %get3A_578 = arith.index_cast %add3A_559 : i32 to index
        %get3A_579 = arith.constant 16 : index
        %get3A_580 = tpu.vector_load %arg16[%get3A_578, %get3A_579] {strides = array<i32>} : memref<128x128xf32, #tpu.memory_space<vmem>>, vector<16xf32>,
        %sub3A_581 = arith.subf %add3A_577, %get3A_580 : vector<16xf32>
        %abs3A_582 = math.absf %sub3A_581 : vector<16xf32>
        %add3A_583 = arith.addf %add3A_570, %abs3A_582 : vector<16xf32>
        %get3A_584 = arith.index_cast %add3A_559 : i32 to index
        %get3A_585 = arith.constant 32 : index
        %get3A_586 = tpu.vector_load %arg14[%get3A_584, %get3A_585] {strides = array<i32>} : memref<128x128xf32, #tpu.memory_space<vmem>>, vector<16xf32>,
        %get3A_587 = arith.index_cast %add3A_559 : i32 to index
        %get3A_588 = arith.constant 32 : index
        %get3A_589 = tpu.vector_load %arg15[%get3A_587, %get3A_588] {strides = array<i32>} : memref<128x128xf32, #tpu.memory_space<vmem>>, vector<16xf32>,
        %add3A_590 = arith.addf %get3A_586, %get3A_589 : vector<16xf32>
        %get3A_591 = arith.index_cast %add3A_559 : i32 to index
        %get3A_592 = arith.constant 32 : index
        %get3A_593 = tpu.vector_load %arg16[%get3A_591, %get3A_592] {strides = array<i32>} : memref<128x128xf32, #tpu.memory_space<vmem>>, vector<16xf32>,
        %sub3A_594 = arith.subf %add3A_590, %get3A_593 : vector<16xf32>
        %abs3A_595 = math.absf %sub3A_594 : vector<16xf32>
        %add3A_596 = arith.addf %add3A_583, %abs3A_595 : vector<16xf32>
        %get3A_597 = arith.index_cast %add3A_559 : i32 to index
        %get3A_598 = arith.constant 48 : index
        %get3A_599 = tpu.vector_load %arg14[%get3A_597, %get3A_598] {strides = array<i32>} : memref<128x128xf32, #tpu.memory_space<vmem>>, vector<16xf32>,
        %get3A_600 = arith.index_cast %add3A_559 : i32 to index
        %get3A_601 = arith.constant 48 : index
        %get3A_602 = tpu.vector_load %arg15[%get3A_600, %get3A_601] {strides = array<i32>} : memref<128x128xf32, #tpu.memory_space<vmem>>, vector<16xf32>,
        %add3A_603 = arith.addf %get3A_599, %get3A_602 : vector<16xf32>
        %get3A_604 = arith.index_cast %add3A_559 : i32 to index
        %get3A_605 = arith.constant 48 : index
        %get3A_606 = tpu.vector_load %arg16[%get3A_604, %get3A_605] {strides = array<i32>} : memref<128x128xf32, #tpu.memory_space<vmem>>, vector<16xf32>,
        %sub3A_607 = arith.subf %add3A_603, %get3A_606 : vector<16xf32>
        %abs3A_608 = math.absf %sub3A_607 : vector<16xf32>
        %add3A_609 = arith.addf %add3A_596, %abs3A_608 : vector<16xf32>
        %get3A_610 = arith.index_cast %add3A_559 : i32 to index
        %get3A_611 = arith.constant 64 : index
        %get3A_612 = tpu.vector_load %arg14[%get3A_610, %get3A_611] {strides = array<i32>} : memref<128x128xf32, #tpu.memory_space<vmem>>, vector<16xf32>,
        %get3A_613 = arith.index_cast %add3A_559 : i32 to index
        %get3A_614 = arith.constant 64 : index
        %get3A_615 = tpu.vector_load %arg15[%get3A_613, %get3A_614] {strides = array<i32>} : memref<128x128xf32, #tpu.memory_space<vmem>>, vector<16xf32>,
        %add3A_616 = arith.addf %get3A_612, %get3A_615 : vector<16xf32>
        %get3A_617 = arith.index_cast %add3A_559 : i32 to index
        %get3A_618 = arith.constant 64 : index
        %get3A_619 = tpu.vector_load %arg16[%get3A_617, %get3A_618] {strides = array<i32>} : memref<128x128xf32, #tpu.memory_space<vmem>>, vector<16xf32>,
        %sub3A_620 = arith.subf %add3A_616, %get3A_619 : vector<16xf32>
        %abs3A_621 = math.absf %sub3A_620 : vector<16xf32>
        %add3A_622 = arith.addf %add3A_609, %abs3A_621 : vector<16xf32>
        %get3A_623 = arith.index_cast %add3A_559 : i32 to index
        %get3A_624 = arith.constant 80 : index
        %get3A_625 = tpu.vector_load %arg14[%get3A_623, %get3A_624] {strides = array<i32>} : memref<128x128xf32, #tpu.memory_space<vmem>>, vector<16xf32>,
        %get3A_626 = arith.index_cast %add3A_559 : i32 to index
        %get3A_627 = arith.constant 80 : index
        %get3A_628 = tpu.vector_load %arg15[%get3A_626, %get3A_627] {strides = array<i32>} : memref<128x128xf32, #tpu.memory_space<vmem>>, vector<16xf32>,
        %add3A_629 = arith.addf %get3A_625, %get3A_628 : vector<16xf32>
        %get3A_630 = arith.index_cast %add3A_559 : i32 to index
        %get3A_631 = arith.constant 80 : index
        %get3A_632 = tpu.vector_load %arg16[%get3A_630, %get3A_631] {strides = array<i32>} : memref<128x128xf32, #tpu.memory_space<vmem>>, vector<16xf32>,
        %sub3A_633 = arith.subf %add3A_629, %get3A_632 : vector<16xf32>
        %abs3A_634 = math.absf %sub3A_633 : vector<16xf32>
        %add3A_635 = arith.addf %add3A_622, %abs3A_634 : vector<16xf32>
        %get3A_636 = arith.index_cast %add3A_559 : i32 to index
        %get3A_637 = arith.constant 96 : index
        %get3A_638 = tpu.vector_load %arg14[%get3A_636, %get3A_637] {strides = array<i32>} : memref<128x128xf32, #tpu.memory_space<vmem>>, vector<16xf32>,
        %get3A_639 = arith.index_cast %add3A_559 : i32 to index
        %get3A_640 = arith.constant 96 : index
        %get3A_641 = tpu.vector_load %arg15[%get3A_639, %get3A_640] {strides = array<i32>} : memref<128x128xf32, #tpu.memory_space<vmem>>, vector<16xf32>,
        %add3A_642 = arith.addf %get3A_638, %get3A_641 : vector<16xf32>
        %get3A_643 = arith.index_cast %add3A_559 : i32 to index
        %get3A_644 = arith.constant 96 : index
        %get3A_645 = tpu.vector_load %arg16[%get3A_643, %get3A_644] {strides = array<i32>} : memref<128x128xf32, #tpu.memory_space<vmem>>, vector<16xf32>,
        %sub3A_646 = arith.subf %add3A_642, %get3A_645 : vector<16xf32>
        %abs3A_647 = math.absf %sub3A_646 : vector<16xf32>
        %add3A_648 = arith.addf %add3A_635, %abs3A_647 : vector<16xf32>
        %get3A_649 = arith.index_cast %add3A_559 : i32 to index
        %get3A_650 = arith.constant 112 : index
        %get3A_651 = tpu.vector_load %arg14[%get3A_649, %get3A_650] {strides = array<i32>} : memref<128x128xf32, #tpu.memory_space<vmem>>, vector<16xf32>,
        %get3A_652 = arith.index_cast %add3A_559 : i32 to index
        %get3A_653 = arith.constant 112 : index
        %get3A_654 = tpu.vector_load %arg15[%get3A_652, %get3A_653] {strides = array<i32>} : memref<128x128xf32, #tpu.memory_space<vmem>>, vector<16xf32>,
        %add3A_655 = arith.addf %get3A_651, %get3A_654 : vector<16xf32>
        %get3A_656 = arith.index_cast %add3A_559 : i32 to index
        %get3A_657 = arith.constant 112 : index
        %get3A_658 = tpu.vector_load %arg16[%get3A_656, %get3A_657] {strides = array<i32>} : memref<128x128xf32, #tpu.memory_space<vmem>>, vector<16xf32>,
        %sub3A_659 = arith.subf %add3A_655, %get3A_658 : vector<16xf32>
        %abs3A_660 = math.absf %sub3A_659 : vector<16xf32>
        %add3A_661 = arith.addf %add3A_648, %abs3A_660 : vector<16xf32>
        %mul3A_662 = arith.constant 24 : i32
        %mul3A_663 = arith.muli %scan3A_558, %mul3A_662 : i32
        %swap3A_664 = arith.index_cast %mul3A_663 : i32 to index
        %swap3A_665 = tpu.vector_load %arg18[%swap3A_664] {strides = array<i32>} : memref<384xf32, #tpu.memory_space<vmem>>, vector<16xf32>,
        tpu.vector_store %arg18[%swap3A_664], %add3A_661 {strides = array<i32>} : memref<384xf32, #tpu.memory_space<vmem>>, vector<16xf32>,
      }
      %scan3A_429 = arith.constant 16 : i32
      %mul3A_430 = arith.constant 24 : i32
      %mul3A_431 = vector.broadcast %mul3A_430 : i32 to vector<16xi32>
      %mul3A_432 = arith.muli %iota3A, %mul3A_431 : vector<16xi32>
      %gather3A = tpu.vector_load_idx %arg18[%mul3A_432] : memref<384xf32, #tpu.memory_space<vmem>>[vector<16xi32>], vector<16xf32>,
      %mul3A_433 = arith.constant 24 : i32
      %mul3A_434 = vector.broadcast %mul3A_433 : i32 to vector<16xi32>
      %mul3A_435 = arith.muli %iota3A, %mul3A_434 : vector<16xi32>
      %add3A_436 = arith.constant 1 : i32
      %add3A_437 = vector.broadcast %add3A_436 : i32 to vector<16xi32>
      %add3A_438 = arith.addi %mul3A_435, %add3A_437 : vector<16xi32>
      %gather3A_439 = tpu.vector_load_idx %arg18[%add3A_438] : memref<384xf32, #tpu.memory_space<vmem>>[vector<16xi32>], vector<16xf32>,
      %add3A_440 = arith.addf %gather3A, %gather3A_439 : vector<16xf32>
      %mul3A_441 = arith.constant 24 : i32
      %mul3A_442 = vector.broadcast %mul3A_441 : i32 to vector<16xi32>
      %mul3A_443 = arith.muli %iota3A, %mul3A_442 : vector<16xi32>
      %add3A_444 = arith.constant 2 : i32
      %add3A_445 = vector.broadcast %add3A_444 : i32 to vector<16xi32>
      %add3A_446 = arith.addi %mul3A_443, %add3A_445 : vector<16xi32>
      %gather3A_447 = tpu.vector_load_idx %arg18[%add3A_446] : memref<384xf32, #tpu.memory_space<vmem>>[vector<16xi32>], vector<16xf32>,
      %add3A_448 = arith.addf %add3A_440, %gather3A_447 : vector<16xf32>
      %mul3A_449 = arith.constant 24 : i32
      %mul3A_450 = vector.broadcast %mul3A_449 : i32 to vector<16xi32>
      %mul3A_451 = arith.muli %iota3A, %mul3A_450 : vector<16xi32>
      %add3A_452 = arith.constant 3 : i32
      %add3A_453 = vector.broadcast %add3A_452 : i32 to vector<16xi32>
      %add3A_454 = arith.addi %mul3A_451, %add3A_453 : vector<16xi32>
      %gather3A_455 = tpu.vector_load_idx %arg18[%add3A_454] : memref<384xf32, #tpu.memory_space<vmem>>[vector<16xi32>], vector<16xf32>,
      %add3A_456 = arith.addf %add3A_448, %gather3A_455 : vector<16xf32>
      %mul3A_457 = arith.constant 24 : i32
      %mul3A_458 = vector.broadcast %mul3A_457 : i32 to vector<16xi32>
      %mul3A_459 = arith.muli %iota3A, %mul3A_458 : vector<16xi32>
      %add3A_460 = arith.constant 4 : i32
      %add3A_461 = vector.broadcast %add3A_460 : i32 to vector<16xi32>
      %add3A_462 = arith.addi %mul3A_459, %add3A_461 : vector<16xi32>
      %gather3A_463 = tpu.vector_load_idx %arg18[%add3A_462] : memref<384xf32, #tpu.memory_space<vmem>>[vector<16xi32>], vector<16xf32>,
      %add3A_464 = arith.addf %add3A_456, %gather3A_463 : vector<16xf32>
      %mul3A_465 = arith.constant 24 : i32
      %mul3A_466 = vector.broadcast %mul3A_465 : i32 to vector<16xi32>
      %mul3A_467 = arith.muli %iota3A, %mul3A_466 : vector<16xi32>
      %add3A_468 = arith.constant 5 : i32
      %add3A_469 = vector.broadcast %add3A_468 : i32 to vector<16xi32>
      %add3A_470 = arith.addi %mul3A_467, %add3A_469 : vector<16xi32>
      %gather3A_471 = tpu.vector_load_idx %arg18[%add3A_470] : memref<384xf32, #tpu.memory_space<vmem>>[vector<16xi32>], vector<16xf32>,
      %add3A_472 = arith.addf %add3A_464, %gather3A_471 : vector<16xf32>
      %mul3A_473 = arith.constant 24 : i32
      %mul3A_474 = vector.broadcast %mul3A_473 : i32 to vector<16xi32>
      %mul3A_475 = arith.muli %iota3A, %mul3A_474 : vector<16xi32>
      %add3A_476 = arith.constant 6 : i32
      %add3A_477 = vector.broadcast %add3A_476 : i32 to vector<16xi32>
      %add3A_478 = arith.addi %mul3A_475, %add3A_477 : vector<16xi32>
      %gather3A_479 = tpu.vector_load_idx %arg18[%add3A_478] : memref<384xf32, #tpu.memory_space<vmem>>[vector<16xi32>], vector<16xf32>,
      %add3A_480 = arith.addf %add3A_472, %gather3A_479 : vector<16xf32>
      %mul3A_481 = arith.constant 24 : i32
      %mul3A_482 = vector.broadcast %mul3A_481 : i32 to vector<16xi32>
      %mul3A_483 = arith.muli %iota3A, %mul3A_482 : vector<16xi32>
      %add3A_484 = arith.constant 7 : i32
      %add3A_485 = vector.broadcast %add3A_484 : i32 to vector<16xi32>
      %add3A_486 = arith.addi %mul3A_483, %add3A_485 : vector<16xi32>
      %gather3A_487 = tpu.vector_load_idx %arg18[%add3A_486] : memref<384xf32, #tpu.memory_space<vmem>>[vector<16xi32>], vector<16xf32>,
      %add3A_488 = arith.addf %add3A_480, %gather3A_487 : vector<16xf32>
      %mul3A_489 = arith.constant 24 : i32
      %mul3A_490 = vector.broadcast %mul3A_489 : i32 to vector<16xi32>
      %mul3A_491 = arith.muli %iota3A, %mul3A_490 : vector<16xi32>
      %add3A_492 = arith.constant 8 : i32
      %add3A_493 = vector.broadcast %add3A_492 : i32 to vector<16xi32>
      %add3A_494 = arith.addi %mul3A_491, %add3A_493 : vector<16xi32>
      %gather3A_495 = tpu.vector_load_idx %arg18[%add3A_494] : memref<384xf32, #tpu.memory_space<vmem>>[vector<16xi32>], vector<16xf32>,
      %add3A_496 = arith.addf %add3A_488, %gather3A_495 : vector<16xf32>
      %mul3A_497 = arith.constant 24 : i32
      %mul3A_498 = vector.broadcast %mul3A_497 : i32 to vector<16xi32>
      %mul3A_499 = arith.muli %iota3A, %mul3A_498 : vector<16xi32>
      %add3A_500 = arith.constant 9 : i32
      %add3A_501 = vector.broadcast %add3A_500 : i32 to vector<16xi32>
      %add3A_502 = arith.addi %mul3A_499, %add3A_501 : vector<16xi32>
      %gather3A_503 = tpu.vector_load_idx %arg18[%add3A_502] : memref<384xf32, #tpu.memory_space<vmem>>[vector<16xi32>], vector<16xf32>,
      %add3A_504 = arith.addf %add3A_496, %gather3A_503 : vector<16xf32>
      %mul3A_505 = arith.constant 24 : i32
      %mul3A_506 = vector.broadcast %mul3A_505 : i32 to vector<16xi32>
      %mul3A_507 = arith.muli %iota3A, %mul3A_506 : vector<16xi32>
      %add3A_508 = arith.constant 10 : i32
      %add3A_509 = vector.broadcast %add3A_508 : i32 to vector<16xi32>
      %add3A_510 = arith.addi %mul3A_507, %add3A_509 : vector<16xi32>
      %gather3A_511 = tpu.vector_load_idx %arg18[%add3A_510] : memref<384xf32, #tpu.memory_space<vmem>>[vector<16xi32>], vector<16xf32>,
      %add3A_512 = arith.addf %add3A_504, %gather3A_511 : vector<16xf32>
      %mul3A_513 = arith.constant 24 : i32
      %mul3A_514 = vector.broadcast %mul3A_513 : i32 to vector<16xi32>
      %mul3A_515 = arith.muli %iota3A, %mul3A_514 : vector<16xi32>
      %add3A_516 = arith.constant 11 : i32
      %add3A_517 = vector.broadcast %add3A_516 : i32 to vector<16xi32>
      %add3A_518 = arith.addi %mul3A_515, %add3A_517 : vector<16xi32>
      %gather3A_519 = tpu.vector_load_idx %arg18[%add3A_518] : memref<384xf32, #tpu.memory_space<vmem>>[vector<16xi32>], vector<16xf32>,
      %add3A_520 = arith.addf %add3A_512, %gather3A_519 : vector<16xf32>
      %mul3A_521 = arith.constant 24 : i32
      %mul3A_522 = vector.broadcast %mul3A_521 : i32 to vector<16xi32>
      %mul3A_523 = arith.muli %iota3A, %mul3A_522 : vector<16xi32>
      %add3A_524 = arith.constant 12 : i32
      %add3A_525 = vector.broadcast %add3A_524 : i32 to vector<16xi32>
      %add3A_526 = arith.addi %mul3A_523, %add3A_525 : vector<16xi32>
      %gather3A_527 = tpu.vector_load_idx %arg18[%add3A_526] : memref<384xf32, #tpu.memory_space<vmem>>[vector<16xi32>], vector<16xf32>,
      %add3A_528 = arith.addf %add3A_520, %gather3A_527 : vector<16xf32>
      %mul3A_529 = arith.constant 24 : i32
      %mul3A_530 = vector.broadcast %mul3A_529 : i32 to vector<16xi32>
      %mul3A_531 = arith.muli %iota3A, %mul3A_530 : vector<16xi32>
      %add3A_532 = arith.constant 13 : i32
      %add3A_533 = vector.broadcast %add3A_532 : i32 to vector<16xi32>
      %add3A_534 = arith.addi %mul3A_531, %add3A_533 : vector<16xi32>
      %gather3A_535 = tpu.vector_load_idx %arg18[%add3A_534] : memref<384xf32, #tpu.memory_space<vmem>>[vector<16xi32>], vector<16xf32>,
      %add3A_536 = arith.addf %add3A_528, %gather3A_535 : vector<16xf32>
      %mul3A_537 = arith.constant 24 : i32
      %mul3A_538 = vector.broadcast %mul3A_537 : i32 to vector<16xi32>
      %mul3A_539 = arith.muli %iota3A, %mul3A_538 : vector<16xi32>
      %add3A_540 = arith.constant 14 : i32
      %add3A_541 = vector.broadcast %add3A_540 : i32 to vector<16xi32>
      %add3A_542 = arith.addi %mul3A_539, %add3A_541 : vector<16xi32>
      %gather3A_543 = tpu.vector_load_idx %arg18[%add3A_542] : memref<384xf32, #tpu.memory_space<vmem>>[vector<16xi32>], vector<16xf32>,
      %add3A_544 = arith.addf %add3A_536, %gather3A_543 : vector<16xf32>
      %mul3A_545 = arith.constant 24 : i32
      %mul3A_546 = vector.broadcast %mul3A_545 : i32 to vector<16xi32>
      %mul3A_547 = arith.muli %iota3A, %mul3A_546 : vector<16xi32>
      %add3A_548 = arith.constant 15 : i32
      %add3A_549 = vector.broadcast %add3A_548 : i32 to vector<16xi32>
      %add3A_550 = arith.addi %mul3A_547, %add3A_549 : vector<16xi32>
      %gather3A_551 = tpu.vector_load_idx %arg18[%add3A_550] : memref<384xf32, #tpu.memory_space<vmem>>[vector<16xi32>], vector<16xf32>,
      %add3A_552 = arith.addf %add3A_544, %gather3A_551 : vector<16xf32>
      %neg3A = arith.constant 0.000000e+00 : f32
      %neg3A_553 = vector.broadcast %neg3A : f32 to vector<16xf32>
      %neg3A_554 = arith.subf %neg3A_553, %add3A_552 : vector<16xf32>
      %add3A_555 = arith.constant 256 : i32
      %add3A_556 = arith.addi %add3A_555, %multiple_of3A_423 : i32
      %swap3A = arith.index_cast %add3A_556 : i32 to index
      %swap3A_557 = tpu.vector_load %arg17[%swap3A] {strides = array<i32>} : memref<512xf32, #tpu.memory_space<vmem>>, vector<16xf32>,
      tpu.vector_store %arg17[%swap3A], %neg3A_554 {strides = array<i32>} : memref<512xf32, #tpu.memory_space<vmem>>, vector<16xf32>,
    }
    %scan3A_275 = arith.constant 8 : i32
    %add3A_276 = arith.constant 256 : i32
    %add3A_277 = arith.addi %multiple_of3A, %add3A_276 : i32
    %dma_start3A_278 = arith.constant 256 : i32
    %dma_start3A_279 = tpu.memref_slice %arg17[%dma_start3A_278] : memref<512xf32, #tpu.memory_space<vmem>> -> memref<128xf32, #tpu.memory_space<vmem>>
    %dma_start3A_280 = tpu.memref_slice %arg7[%add3A_277] : memref<16384xf32, #tpu.memory_space<hbm>> -> memref<128xf32, #tpu.memory_space<hbm>>
    %dma_start3A_281 = tpu.memref_slice %arg7[%add3A_277] : memref<16384xf32, #tpu.memory_space<hbm>> -> memref<128xf32, #tpu.memory_space<hbm>>
    %dma_start3A_282 = arith.constant 256 : i32
    %dma_start3A_283 = tpu.memref_slice %arg17[%dma_start3A_282] : memref<512xf32, #tpu.memory_space<vmem>> -> memref<128xf32, #tpu.memory_space<vmem>>
    tpu.enqueue_dma source(%dma_start3A_283 : memref<128xf32, #tpu.memory_space<vmem>>) target(%dma_start3A_281 : memref<128xf32, #tpu.memory_space<hbm>>) target_semaphore(%arg21 : memref<!tpu.dma_semaphore, #tpu.memory_space<semaphore_mem>>)
    %dma_start3A_284 = arith.constant 0 : i32
    %dma_start3A_285 = arith.constant 0 : i32
    %dma_start3A_286 = tpu.memref_slice %arg14[%dma_start3A_284, %dma_start3A_285] : memref<128x128xf32, #tpu.memory_space<vmem>> -> memref<32x128xf32, #tpu.memory_space<vmem>>
    %dma_start3A_287 = arith.constant 480 : i32
    %dma_start3A_288 = tpu.memref_slice %arg8[%dma_start3A_287] : memref<512xi32, #tpu.memory_space<vmem>> -> memref<32xi32, #tpu.memory_space<vmem>>
    %dma_start3A_289 = arith.constant 0 : i32
    %dma_start3A_290 = arith.constant 0 : i32
    %dma_start3A_291 = tpu.memref_slice %arg5[%dma_start3A_289, %dma_start3A_290] : memref<100000x128xf32, #tpu.memory_space<hbm>> -> memref<100000x128xf32, #tpu.memory_space<hbm>>
    tpu.enqueue_indirect_dma source(%dma_start3A_291 : memref<100000x128xf32, #tpu.memory_space<hbm>>) target(%dma_start3A_286 : memref<32x128xf32, #tpu.memory_space<vmem>>) offsets(%dma_start3A_288 : memref<32xi32, #tpu.memory_space<vmem>>) semaphore(%arg20 : memref<!tpu.dma_semaphore, #tpu.memory_space<semaphore_mem>>)
    %dma_start3A_292 = arith.constant 0 : i32
    %dma_start3A_293 = arith.constant 0 : i32
    %dma_start3A_294 = tpu.memref_slice %arg15[%dma_start3A_292, %dma_start3A_293] : memref<128x128xf32, #tpu.memory_space<vmem>> -> memref<32x128xf32, #tpu.memory_space<vmem>>
    %dma_start3A_295 = arith.constant 480 : i32
    %dma_start3A_296 = tpu.memref_slice %arg9[%dma_start3A_295] : memref<512xi32, #tpu.memory_space<vmem>> -> memref<32xi32, #tpu.memory_space<vmem>>
    %dma_start3A_297 = arith.constant 0 : i32
    %dma_start3A_298 = arith.constant 0 : i32
    %dma_start3A_299 = tpu.memref_slice %arg6[%dma_start3A_297, %dma_start3A_298] : memref<1000x128xf32, #tpu.memory_space<hbm>> -> memref<1000x128xf32, #tpu.memory_space<hbm>>
    tpu.enqueue_indirect_dma source(%dma_start3A_299 : memref<1000x128xf32, #tpu.memory_space<hbm>>) target(%dma_start3A_294 : memref<32x128xf32, #tpu.memory_space<vmem>>) offsets(%dma_start3A_296 : memref<32xi32, #tpu.memory_space<vmem>>) semaphore(%arg20 : memref<!tpu.dma_semaphore, #tpu.memory_space<semaphore_mem>>)
    %dma_start3A_300 = arith.constant 0 : i32
    %dma_start3A_301 = arith.constant 0 : i32
    %dma_start3A_302 = tpu.memref_slice %arg16[%dma_start3A_300, %dma_start3A_301] : memref<128x128xf32, #tpu.memory_space<vmem>> -> memref<32x128xf32, #tpu.memory_space<vmem>>
    %dma_start3A_303 = arith.constant 480 : i32
    %dma_start3A_304 = tpu.memref_slice %arg10[%dma_start3A_303] : memref<512xi32, #tpu.memory_space<vmem>> -> memref<32xi32, #tpu.memory_space<vmem>>
    %dma_start3A_305 = arith.constant 0 : i32
    %dma_start3A_306 = arith.constant 0 : i32
    %dma_start3A_307 = tpu.memref_slice %arg5[%dma_start3A_305, %dma_start3A_306] : memref<100000x128xf32, #tpu.memory_space<hbm>> -> memref<100000x128xf32, #tpu.memory_space<hbm>>
    tpu.enqueue_indirect_dma source(%dma_start3A_307 : memref<100000x128xf32, #tpu.memory_space<hbm>>) target(%dma_start3A_302 : memref<32x128xf32, #tpu.memory_space<vmem>>) offsets(%dma_start3A_304 : memref<32xi32, #tpu.memory_space<vmem>>) semaphore(%arg20 : memref<!tpu.dma_semaphore, #tpu.memory_space<semaphore_mem>>)
    %dma_wait3A_308 = arith.constant 0 : i32
    %dma_wait3A_309 = arith.constant 0 : i32
    %dma_wait3A_310 = tpu.memref_slice %arg11[%dma_wait3A_308, %dma_wait3A_309] : memref<128x128xf32, #tpu.memory_space<vmem>> -> memref<96x128xf32, #tpu.memory_space<vmem>>
    %dma_wait3A_311 = arith.constant 384 : i32
    %dma_wait3A_312 = tpu.memref_slice %arg8[%dma_wait3A_311] : memref<512xi32, #tpu.memory_space<vmem>> -> memref<96xi32, #tpu.memory_space<vmem>>
    %dma_wait3A_313 = arith.constant 0 : i32
    %dma_wait3A_314 = arith.constant 0 : i32
    %dma_wait3A_315 = tpu.memref_slice %arg5[%dma_wait3A_313, %dma_wait3A_314] : memref<100000x128xf32, #tpu.memory_space<hbm>> -> memref<100000x128xf32, #tpu.memory_space<hbm>>
    tpu.wait_indirect_dma semaphore(%arg19 : memref<!tpu.dma_semaphore, #tpu.memory_space<semaphore_mem>>) src(%dma_wait3A_315 : memref<100000x128xf32, #tpu.memory_space<hbm>>) dst(%dma_wait3A_310 : memref<96x128xf32, #tpu.memory_space<vmem>>)
    %dma_wait3A_316 = arith.constant 0 : i32
    %dma_wait3A_317 = arith.constant 0 : i32
    %dma_wait3A_318 = tpu.memref_slice %arg12[%dma_wait3A_316, %dma_wait3A_317] : memref<128x128xf32, #tpu.memory_space<vmem>> -> memref<96x128xf32, #tpu.memory_space<vmem>>
    %dma_wait3A_319 = arith.constant 384 : i32
    %dma_wait3A_320 = tpu.memref_slice %arg9[%dma_wait3A_319] : memref<512xi32, #tpu.memory_space<vmem>> -> memref<96xi32, #tpu.memory_space<vmem>>
    %dma_wait3A_321 = arith.constant 0 : i32
    %dma_wait3A_322 = arith.constant 0 : i32
    %dma_wait3A_323 = tpu.memref_slice %arg6[%dma_wait3A_321, %dma_wait3A_322] : memref<1000x128xf32, #tpu.memory_space<hbm>> -> memref<1000x128xf32, #tpu.memory_space<hbm>>
    tpu.wait_indirect_dma semaphore(%arg19 : memref<!tpu.dma_semaphore, #tpu.memory_space<semaphore_mem>>) src(%dma_wait3A_323 : memref<1000x128xf32, #tpu.memory_space<hbm>>) dst(%dma_wait3A_318 : memref<96x128xf32, #tpu.memory_space<vmem>>)
    %dma_wait3A_324 = arith.constant 0 : i32
    %dma_wait3A_325 = arith.constant 0 : i32
    %dma_wait3A_326 = tpu.memref_slice %arg13[%dma_wait3A_324, %dma_wait3A_325] : memref<128x128xf32, #tpu.memory_space<vmem>> -> memref<96x128xf32, #tpu.memory_space<vmem>>
    %dma_wait3A_327 = arith.constant 384 : i32
    %dma_wait3A_328 = tpu.memref_slice %arg10[%dma_wait3A_327] : memref<512xi32, #tpu.memory_space<vmem>> -> memref<96xi32, #tpu.memory_space<vmem>>
    %dma_wait3A_329 = arith.constant 0 : i32
    %dma_wait3A_330 = arith.constant 0 : i32
    %dma_wait3A_331 = tpu.memref_slice %arg5[%dma_wait3A_329, %dma_wait3A_330] : memref<100000x128xf32, #tpu.memory_space<hbm>> -> memref<100000x128xf32, #tpu.memory_space<hbm>>
    tpu.wait_indirect_dma semaphore(%arg19 : memref<!tpu.dma_semaphore, #tpu.memory_space<semaphore_mem>>) src(%dma_wait3A_331 : memref<100000x128xf32, #tpu.memory_space<hbm>>) dst(%dma_wait3A_326 : memref<96x128xf32, #tpu.memory_space<vmem>>)
    %scan3A_332 = arith.constant 0 : i32
    %scan3A_333 = arith.constant 0 : i32
    %scan3A_334 = arith.constant 6 : i32
    %scan3A_335 = arith.addi %scan3A_333, %scan3A_334 : i32
    %scan3A_336 = arith.constant 1 : i32
    scf.for %scan3A_420 = %scan3A_333 to %scan3A_335 step %scan3A_336  : i32 {
      %mul3A_421 = arith.constant 16 : i32
      %mul3A_422 = arith.muli %scan3A_420, %mul3A_421 : i32
      %multiple_of3A_423 = tpu.assume_multiple %mul3A_422, 16 : i32
      %scan3A_424 = arith.constant 0 : i32
      %scan3A_425 = arith.constant 0 : i32
      %scan3A_426 = arith.constant 16 : i32
      %scan3A_427 = arith.addi %scan3A_425, %scan3A_426 : i32
      %scan3A_428 = arith.constant 1 : i32
      scf.for %scan3A_558 = %scan3A_425 to %scan3A_427 step %scan3A_428  : i32 {
        %add3A_559 = arith.addi %multiple_of3A_423, %scan3A_558 : i32
        %broadcast_in_dim3A = arith.constant 0.000000e+00 : f32
        %broadcast_in_dim3A_560 = vector.broadcast %broadcast_in_dim3A : f32 to vector<16xf32>
        %get3A = arith.index_cast %add3A_559 : i32 to index
        %get3A_561 = arith.constant 0 : index
        %get3A_562 = tpu.vector_load %arg11[%get3A, %get3A_561] {strides = array<i32>} : memref<128x128xf32, #tpu.memory_space<vmem>>, vector<16xf32>,
        %get3A_563 = arith.index_cast %add3A_559 : i32 to index
        %get3A_564 = arith.constant 0 : index
        %get3A_565 = tpu.vector_load %arg12[%get3A_563, %get3A_564] {strides = array<i32>} : memref<128x128xf32, #tpu.memory_space<vmem>>, vector<16xf32>,
        %add3A_566 = arith.addf %get3A_562, %get3A_565 : vector<16xf32>
        %get3A_567 = arith.index_cast %add3A_559 : i32 to index
        %get3A_568 = arith.constant 0 : index
        %get3A_569 = tpu.vector_load %arg13[%get3A_567, %get3A_568] {strides = array<i32>} : memref<128x128xf32, #tpu.memory_space<vmem>>, vector<16xf32>,
        %sub3A = arith.subf %add3A_566, %get3A_569 : vector<16xf32>
        %abs3A = math.absf %sub3A : vector<16xf32>
        %add3A_570 = arith.addf %broadcast_in_dim3A_560, %abs3A : vector<16xf32>
        %get3A_571 = arith.index_cast %add3A_559 : i32 to index
        %get3A_572 = arith.constant 16 : index
        %get3A_573 = tpu.vector_load %arg11[%get3A_571, %get3A_572] {strides = array<i32>} : memref<128x128xf32, #tpu.memory_space<vmem>>, vector<16xf32>,
        %get3A_574 = arith.index_cast %add3A_559 : i32 to index
        %get3A_575 = arith.constant 16 : index
        %get3A_576 = tpu.vector_load %arg12[%get3A_574, %get3A_575] {strides = array<i32>} : memref<128x128xf32, #tpu.memory_space<vmem>>, vector<16xf32>,
        %add3A_577 = arith.addf %get3A_573, %get3A_576 : vector<16xf32>
        %get3A_578 = arith.index_cast %add3A_559 : i32 to index
        %get3A_579 = arith.constant 16 : index
        %get3A_580 = tpu.vector_load %arg13[%get3A_578, %get3A_579] {strides = array<i32>} : memref<128x128xf32, #tpu.memory_space<vmem>>, vector<16xf32>,
        %sub3A_581 = arith.subf %add3A_577, %get3A_580 : vector<16xf32>
        %abs3A_582 = math.absf %sub3A_581 : vector<16xf32>
        %add3A_583 = arith.addf %add3A_570, %abs3A_582 : vector<16xf32>
        %get3A_584 = arith.index_cast %add3A_559 : i32 to index
        %get3A_585 = arith.constant 32 : index
        %get3A_586 = tpu.vector_load %arg11[%get3A_584, %get3A_585] {strides = array<i32>} : memref<128x128xf32, #tpu.memory_space<vmem>>, vector<16xf32>,
        %get3A_587 = arith.index_cast %add3A_559 : i32 to index
        %get3A_588 = arith.constant 32 : index
        %get3A_589 = tpu.vector_load %arg12[%get3A_587, %get3A_588] {strides = array<i32>} : memref<128x128xf32, #tpu.memory_space<vmem>>, vector<16xf32>,
        %add3A_590 = arith.addf %get3A_586, %get3A_589 : vector<16xf32>
        %get3A_591 = arith.index_cast %add3A_559 : i32 to index
        %get3A_592 = arith.constant 32 : index
        %get3A_593 = tpu.vector_load %arg13[%get3A_591, %get3A_592] {strides = array<i32>} : memref<128x128xf32, #tpu.memory_space<vmem>>, vector<16xf32>,
        %sub3A_594 = arith.subf %add3A_590, %get3A_593 : vector<16xf32>
        %abs3A_595 = math.absf %sub3A_594 : vector<16xf32>
        %add3A_596 = arith.addf %add3A_583, %abs3A_595 : vector<16xf32>
        %get3A_597 = arith.index_cast %add3A_559 : i32 to index
        %get3A_598 = arith.constant 48 : index
        %get3A_599 = tpu.vector_load %arg11[%get3A_597, %get3A_598] {strides = array<i32>} : memref<128x128xf32, #tpu.memory_space<vmem>>, vector<16xf32>,
        %get3A_600 = arith.index_cast %add3A_559 : i32 to index
        %get3A_601 = arith.constant 48 : index
        %get3A_602 = tpu.vector_load %arg12[%get3A_600, %get3A_601] {strides = array<i32>} : memref<128x128xf32, #tpu.memory_space<vmem>>, vector<16xf32>,
        %add3A_603 = arith.addf %get3A_599, %get3A_602 : vector<16xf32>
        %get3A_604 = arith.index_cast %add3A_559 : i32 to index
        %get3A_605 = arith.constant 48 : index
        %get3A_606 = tpu.vector_load %arg13[%get3A_604, %get3A_605] {strides = array<i32>} : memref<128x128xf32, #tpu.memory_space<vmem>>, vector<16xf32>,
        %sub3A_607 = arith.subf %add3A_603, %get3A_606 : vector<16xf32>
        %abs3A_608 = math.absf %sub3A_607 : vector<16xf32>
        %add3A_609 = arith.addf %add3A_596, %abs3A_608 : vector<16xf32>
        %get3A_610 = arith.index_cast %add3A_559 : i32 to index
        %get3A_611 = arith.constant 64 : index
        %get3A_612 = tpu.vector_load %arg11[%get3A_610, %get3A_611] {strides = array<i32>} : memref<128x128xf32, #tpu.memory_space<vmem>>, vector<16xf32>,
        %get3A_613 = arith.index_cast %add3A_559 : i32 to index
        %get3A_614 = arith.constant 64 : index
        %get3A_615 = tpu.vector_load %arg12[%get3A_613, %get3A_614] {strides = array<i32>} : memref<128x128xf32, #tpu.memory_space<vmem>>, vector<16xf32>,
        %add3A_616 = arith.addf %get3A_612, %get3A_615 : vector<16xf32>
        %get3A_617 = arith.index_cast %add3A_559 : i32 to index
        %get3A_618 = arith.constant 64 : index
        %get3A_619 = tpu.vector_load %arg13[%get3A_617, %get3A_618] {strides = array<i32>} : memref<128x128xf32, #tpu.memory_space<vmem>>, vector<16xf32>,
        %sub3A_620 = arith.subf %add3A_616, %get3A_619 : vector<16xf32>
        %abs3A_621 = math.absf %sub3A_620 : vector<16xf32>
        %add3A_622 = arith.addf %add3A_609, %abs3A_621 : vector<16xf32>
        %get3A_623 = arith.index_cast %add3A_559 : i32 to index
        %get3A_624 = arith.constant 80 : index
        %get3A_625 = tpu.vector_load %arg11[%get3A_623, %get3A_624] {strides = array<i32>} : memref<128x128xf32, #tpu.memory_space<vmem>>, vector<16xf32>,
        %get3A_626 = arith.index_cast %add3A_559 : i32 to index
        %get3A_627 = arith.constant 80 : index
        %get3A_628 = tpu.vector_load %arg12[%get3A_626, %get3A_627] {strides = array<i32>} : memref<128x128xf32, #tpu.memory_space<vmem>>, vector<16xf32>,
        %add3A_629 = arith.addf %get3A_625, %get3A_628 : vector<16xf32>
        %get3A_630 = arith.index_cast %add3A_559 : i32 to index
        %get3A_631 = arith.constant 80 : index
        %get3A_632 = tpu.vector_load %arg13[%get3A_630, %get3A_631] {strides = array<i32>} : memref<128x128xf32, #tpu.memory_space<vmem>>, vector<16xf32>,
        %sub3A_633 = arith.subf %add3A_629, %get3A_632 : vector<16xf32>
        %abs3A_634 = math.absf %sub3A_633 : vector<16xf32>
        %add3A_635 = arith.addf %add3A_622, %abs3A_634 : vector<16xf32>
        %get3A_636 = arith.index_cast %add3A_559 : i32 to index
        %get3A_637 = arith.constant 96 : index
        %get3A_638 = tpu.vector_load %arg11[%get3A_636, %get3A_637] {strides = array<i32>} : memref<128x128xf32, #tpu.memory_space<vmem>>, vector<16xf32>,
        %get3A_639 = arith.index_cast %add3A_559 : i32 to index
        %get3A_640 = arith.constant 96 : index
        %get3A_641 = tpu.vector_load %arg12[%get3A_639, %get3A_640] {strides = array<i32>} : memref<128x128xf32, #tpu.memory_space<vmem>>, vector<16xf32>,
        %add3A_642 = arith.addf %get3A_638, %get3A_641 : vector<16xf32>
        %get3A_643 = arith.index_cast %add3A_559 : i32 to index
        %get3A_644 = arith.constant 96 : index
        %get3A_645 = tpu.vector_load %arg13[%get3A_643, %get3A_644] {strides = array<i32>} : memref<128x128xf32, #tpu.memory_space<vmem>>, vector<16xf32>,
        %sub3A_646 = arith.subf %add3A_642, %get3A_645 : vector<16xf32>
        %abs3A_647 = math.absf %sub3A_646 : vector<16xf32>
        %add3A_648 = arith.addf %add3A_635, %abs3A_647 : vector<16xf32>
        %get3A_649 = arith.index_cast %add3A_559 : i32 to index
        %get3A_650 = arith.constant 112 : index
        %get3A_651 = tpu.vector_load %arg11[%get3A_649, %get3A_650] {strides = array<i32>} : memref<128x128xf32, #tpu.memory_space<vmem>>, vector<16xf32>,
        %get3A_652 = arith.index_cast %add3A_559 : i32 to index
        %get3A_653 = arith.constant 112 : index
        %get3A_654 = tpu.vector_load %arg12[%get3A_652, %get3A_653] {strides = array<i32>} : memref<128x128xf32, #tpu.memory_space<vmem>>, vector<16xf32>,
        %add3A_655 = arith.addf %get3A_651, %get3A_654 : vector<16xf32>
        %get3A_656 = arith.index_cast %add3A_559 : i32 to index
        %get3A_657 = arith.constant 112 : index
        %get3A_658 = tpu.vector_load %arg13[%get3A_656, %get3A_657] {strides = array<i32>} : memref<128x128xf32, #tpu.memory_space<vmem>>, vector<16xf32>,
        %sub3A_659 = arith.subf %add3A_655, %get3A_658 : vector<16xf32>
        %abs3A_660 = math.absf %sub3A_659 : vector<16xf32>
        %add3A_661 = arith.addf %add3A_648, %abs3A_660 : vector<16xf32>
        %mul3A_662 = arith.constant 24 : i32
        %mul3A_663 = arith.muli %scan3A_558, %mul3A_662 : i32
        %swap3A_664 = arith.index_cast %mul3A_663 : i32 to index
        %swap3A_665 = tpu.vector_load %arg18[%swap3A_664] {strides = array<i32>} : memref<384xf32, #tpu.memory_space<vmem>>, vector<16xf32>,
        tpu.vector_store %arg18[%swap3A_664], %add3A_661 {strides = array<i32>} : memref<384xf32, #tpu.memory_space<vmem>>, vector<16xf32>,
      }
      %scan3A_429 = arith.constant 16 : i32
      %mul3A_430 = arith.constant 24 : i32
      %mul3A_431 = vector.broadcast %mul3A_430 : i32 to vector<16xi32>
      %mul3A_432 = arith.muli %iota3A, %mul3A_431 : vector<16xi32>
      %gather3A = tpu.vector_load_idx %arg18[%mul3A_432] : memref<384xf32, #tpu.memory_space<vmem>>[vector<16xi32>], vector<16xf32>,
      %mul3A_433 = arith.constant 24 : i32
      %mul3A_434 = vector.broadcast %mul3A_433 : i32 to vector<16xi32>
      %mul3A_435 = arith.muli %iota3A, %mul3A_434 : vector<16xi32>
      %add3A_436 = arith.constant 1 : i32
      %add3A_437 = vector.broadcast %add3A_436 : i32 to vector<16xi32>
      %add3A_438 = arith.addi %mul3A_435, %add3A_437 : vector<16xi32>
      %gather3A_439 = tpu.vector_load_idx %arg18[%add3A_438] : memref<384xf32, #tpu.memory_space<vmem>>[vector<16xi32>], vector<16xf32>,
      %add3A_440 = arith.addf %gather3A, %gather3A_439 : vector<16xf32>
      %mul3A_441 = arith.constant 24 : i32
      %mul3A_442 = vector.broadcast %mul3A_441 : i32 to vector<16xi32>
      %mul3A_443 = arith.muli %iota3A, %mul3A_442 : vector<16xi32>
      %add3A_444 = arith.constant 2 : i32
      %add3A_445 = vector.broadcast %add3A_444 : i32 to vector<16xi32>
      %add3A_446 = arith.addi %mul3A_443, %add3A_445 : vector<16xi32>
      %gather3A_447 = tpu.vector_load_idx %arg18[%add3A_446] : memref<384xf32, #tpu.memory_space<vmem>>[vector<16xi32>], vector<16xf32>,
      %add3A_448 = arith.addf %add3A_440, %gather3A_447 : vector<16xf32>
      %mul3A_449 = arith.constant 24 : i32
      %mul3A_450 = vector.broadcast %mul3A_449 : i32 to vector<16xi32>
      %mul3A_451 = arith.muli %iota3A, %mul3A_450 : vector<16xi32>
      %add3A_452 = arith.constant 3 : i32
      %add3A_453 = vector.broadcast %add3A_452 : i32 to vector<16xi32>
      %add3A_454 = arith.addi %mul3A_451, %add3A_453 : vector<16xi32>
      %gather3A_455 = tpu.vector_load_idx %arg18[%add3A_454] : memref<384xf32, #tpu.memory_space<vmem>>[vector<16xi32>], vector<16xf32>,
      %add3A_456 = arith.addf %add3A_448, %gather3A_455 : vector<16xf32>
      %mul3A_457 = arith.constant 24 : i32
      %mul3A_458 = vector.broadcast %mul3A_457 : i32 to vector<16xi32>
      %mul3A_459 = arith.muli %iota3A, %mul3A_458 : vector<16xi32>
      %add3A_460 = arith.constant 4 : i32
      %add3A_461 = vector.broadcast %add3A_460 : i32 to vector<16xi32>
      %add3A_462 = arith.addi %mul3A_459, %add3A_461 : vector<16xi32>
      %gather3A_463 = tpu.vector_load_idx %arg18[%add3A_462] : memref<384xf32, #tpu.memory_space<vmem>>[vector<16xi32>], vector<16xf32>,
      %add3A_464 = arith.addf %add3A_456, %gather3A_463 : vector<16xf32>
      %mul3A_465 = arith.constant 24 : i32
      %mul3A_466 = vector.broadcast %mul3A_465 : i32 to vector<16xi32>
      %mul3A_467 = arith.muli %iota3A, %mul3A_466 : vector<16xi32>
      %add3A_468 = arith.constant 5 : i32
      %add3A_469 = vector.broadcast %add3A_468 : i32 to vector<16xi32>
      %add3A_470 = arith.addi %mul3A_467, %add3A_469 : vector<16xi32>
      %gather3A_471 = tpu.vector_load_idx %arg18[%add3A_470] : memref<384xf32, #tpu.memory_space<vmem>>[vector<16xi32>], vector<16xf32>,
      %add3A_472 = arith.addf %add3A_464, %gather3A_471 : vector<16xf32>
      %mul3A_473 = arith.constant 24 : i32
      %mul3A_474 = vector.broadcast %mul3A_473 : i32 to vector<16xi32>
      %mul3A_475 = arith.muli %iota3A, %mul3A_474 : vector<16xi32>
      %add3A_476 = arith.constant 6 : i32
      %add3A_477 = vector.broadcast %add3A_476 : i32 to vector<16xi32>
      %add3A_478 = arith.addi %mul3A_475, %add3A_477 : vector<16xi32>
      %gather3A_479 = tpu.vector_load_idx %arg18[%add3A_478] : memref<384xf32, #tpu.memory_space<vmem>>[vector<16xi32>], vector<16xf32>,
      %add3A_480 = arith.addf %add3A_472, %gather3A_479 : vector<16xf32>
      %mul3A_481 = arith.constant 24 : i32
      %mul3A_482 = vector.broadcast %mul3A_481 : i32 to vector<16xi32>
      %mul3A_483 = arith.muli %iota3A, %mul3A_482 : vector<16xi32>
      %add3A_484 = arith.constant 7 : i32
      %add3A_485 = vector.broadcast %add3A_484 : i32 to vector<16xi32>
      %add3A_486 = arith.addi %mul3A_483, %add3A_485 : vector<16xi32>
      %gather3A_487 = tpu.vector_load_idx %arg18[%add3A_486] : memref<384xf32, #tpu.memory_space<vmem>>[vector<16xi32>], vector<16xf32>,
      %add3A_488 = arith.addf %add3A_480, %gather3A_487 : vector<16xf32>
      %mul3A_489 = arith.constant 24 : i32
      %mul3A_490 = vector.broadcast %mul3A_489 : i32 to vector<16xi32>
      %mul3A_491 = arith.muli %iota3A, %mul3A_490 : vector<16xi32>
      %add3A_492 = arith.constant 8 : i32
      %add3A_493 = vector.broadcast %add3A_492 : i32 to vector<16xi32>
      %add3A_494 = arith.addi %mul3A_491, %add3A_493 : vector<16xi32>
      %gather3A_495 = tpu.vector_load_idx %arg18[%add3A_494] : memref<384xf32, #tpu.memory_space<vmem>>[vector<16xi32>], vector<16xf32>,
      %add3A_496 = arith.addf %add3A_488, %gather3A_495 : vector<16xf32>
      %mul3A_497 = arith.constant 24 : i32
      %mul3A_498 = vector.broadcast %mul3A_497 : i32 to vector<16xi32>
      %mul3A_499 = arith.muli %iota3A, %mul3A_498 : vector<16xi32>
      %add3A_500 = arith.constant 9 : i32
      %add3A_501 = vector.broadcast %add3A_500 : i32 to vector<16xi32>
      %add3A_502 = arith.addi %mul3A_499, %add3A_501 : vector<16xi32>
      %gather3A_503 = tpu.vector_load_idx %arg18[%add3A_502] : memref<384xf32, #tpu.memory_space<vmem>>[vector<16xi32>], vector<16xf32>,
      %add3A_504 = arith.addf %add3A_496, %gather3A_503 : vector<16xf32>
      %mul3A_505 = arith.constant 24 : i32
      %mul3A_506 = vector.broadcast %mul3A_505 : i32 to vector<16xi32>
      %mul3A_507 = arith.muli %iota3A, %mul3A_506 : vector<16xi32>
      %add3A_508 = arith.constant 10 : i32
      %add3A_509 = vector.broadcast %add3A_508 : i32 to vector<16xi32>
      %add3A_510 = arith.addi %mul3A_507, %add3A_509 : vector<16xi32>
      %gather3A_511 = tpu.vector_load_idx %arg18[%add3A_510] : memref<384xf32, #tpu.memory_space<vmem>>[vector<16xi32>], vector<16xf32>,
      %add3A_512 = arith.addf %add3A_504, %gather3A_511 : vector<16xf32>
      %mul3A_513 = arith.constant 24 : i32
      %mul3A_514 = vector.broadcast %mul3A_513 : i32 to vector<16xi32>
      %mul3A_515 = arith.muli %iota3A, %mul3A_514 : vector<16xi32>
      %add3A_516 = arith.constant 11 : i32
      %add3A_517 = vector.broadcast %add3A_516 : i32 to vector<16xi32>
      %add3A_518 = arith.addi %mul3A_515, %add3A_517 : vector<16xi32>
      %gather3A_519 = tpu.vector_load_idx %arg18[%add3A_518] : memref<384xf32, #tpu.memory_space<vmem>>[vector<16xi32>], vector<16xf32>,
      %add3A_520 = arith.addf %add3A_512, %gather3A_519 : vector<16xf32>
      %mul3A_521 = arith.constant 24 : i32
      %mul3A_522 = vector.broadcast %mul3A_521 : i32 to vector<16xi32>
      %mul3A_523 = arith.muli %iota3A, %mul3A_522 : vector<16xi32>
      %add3A_524 = arith.constant 12 : i32
      %add3A_525 = vector.broadcast %add3A_524 : i32 to vector<16xi32>
      %add3A_526 = arith.addi %mul3A_523, %add3A_525 : vector<16xi32>
      %gather3A_527 = tpu.vector_load_idx %arg18[%add3A_526] : memref<384xf32, #tpu.memory_space<vmem>>[vector<16xi32>], vector<16xf32>,
      %add3A_528 = arith.addf %add3A_520, %gather3A_527 : vector<16xf32>
      %mul3A_529 = arith.constant 24 : i32
      %mul3A_530 = vector.broadcast %mul3A_529 : i32 to vector<16xi32>
      %mul3A_531 = arith.muli %iota3A, %mul3A_530 : vector<16xi32>
      %add3A_532 = arith.constant 13 : i32
      %add3A_533 = vector.broadcast %add3A_532 : i32 to vector<16xi32>
      %add3A_534 = arith.addi %mul3A_531, %add3A_533 : vector<16xi32>
      %gather3A_535 = tpu.vector_load_idx %arg18[%add3A_534] : memref<384xf32, #tpu.memory_space<vmem>>[vector<16xi32>], vector<16xf32>,
      %add3A_536 = arith.addf %add3A_528, %gather3A_535 : vector<16xf32>
      %mul3A_537 = arith.constant 24 : i32
      %mul3A_538 = vector.broadcast %mul3A_537 : i32 to vector<16xi32>
      %mul3A_539 = arith.muli %iota3A, %mul3A_538 : vector<16xi32>
      %add3A_540 = arith.constant 14 : i32
      %add3A_541 = vector.broadcast %add3A_540 : i32 to vector<16xi32>
      %add3A_542 = arith.addi %mul3A_539, %add3A_541 : vector<16xi32>
      %gather3A_543 = tpu.vector_load_idx %arg18[%add3A_542] : memref<384xf32, #tpu.memory_space<vmem>>[vector<16xi32>], vector<16xf32>,
      %add3A_544 = arith.addf %add3A_536, %gather3A_543 : vector<16xf32>
      %mul3A_545 = arith.constant 24 : i32
      %mul3A_546 = vector.broadcast %mul3A_545 : i32 to vector<16xi32>
      %mul3A_547 = arith.muli %iota3A, %mul3A_546 : vector<16xi32>
      %add3A_548 = arith.constant 15 : i32
      %add3A_549 = vector.broadcast %add3A_548 : i32 to vector<16xi32>
      %add3A_550 = arith.addi %mul3A_547, %add3A_549 : vector<16xi32>
      %gather3A_551 = tpu.vector_load_idx %arg18[%add3A_550] : memref<384xf32, #tpu.memory_space<vmem>>[vector<16xi32>], vector<16xf32>,
      %add3A_552 = arith.addf %add3A_544, %gather3A_551 : vector<16xf32>
      %neg3A = arith.constant 0.000000e+00 : f32
      %neg3A_553 = vector.broadcast %neg3A : f32 to vector<16xf32>
      %neg3A_554 = arith.subf %neg3A_553, %add3A_552 : vector<16xf32>
      %add3A_555 = arith.constant 384 : i32
      %add3A_556 = arith.addi %add3A_555, %multiple_of3A_423 : i32
      %swap3A = arith.index_cast %add3A_556 : i32 to index
      %swap3A_557 = tpu.vector_load %arg17[%swap3A] {strides = array<i32>} : memref<512xf32, #tpu.memory_space<vmem>>, vector<16xf32>,
      tpu.vector_store %arg17[%swap3A], %neg3A_554 {strides = array<i32>} : memref<512xf32, #tpu.memory_space<vmem>>, vector<16xf32>,
    }
    %scan3A_337 = arith.constant 6 : i32
    %add3A_338 = arith.constant 384 : i32
    %add3A_339 = arith.addi %multiple_of3A, %add3A_338 : i32
    %dma_start3A_340 = arith.constant 384 : i32
    %dma_start3A_341 = tpu.memref_slice %arg17[%dma_start3A_340] : memref<512xf32, #tpu.memory_space<vmem>> -> memref<96xf32, #tpu.memory_space<vmem>>
    %dma_start3A_342 = tpu.memref_slice %arg7[%add3A_339] : memref<16384xf32, #tpu.memory_space<hbm>> -> memref<96xf32, #tpu.memory_space<hbm>>
    %dma_start3A_343 = tpu.memref_slice %arg7[%add3A_339] : memref<16384xf32, #tpu.memory_space<hbm>> -> memref<96xf32, #tpu.memory_space<hbm>>
    %dma_start3A_344 = arith.constant 384 : i32
    %dma_start3A_345 = tpu.memref_slice %arg17[%dma_start3A_344] : memref<512xf32, #tpu.memory_space<vmem>> -> memref<96xf32, #tpu.memory_space<vmem>>
    tpu.enqueue_dma source(%dma_start3A_345 : memref<96xf32, #tpu.memory_space<vmem>>) target(%dma_start3A_343 : memref<96xf32, #tpu.memory_space<hbm>>) target_semaphore(%arg21 : memref<!tpu.dma_semaphore, #tpu.memory_space<semaphore_mem>>)
    %dma_wait3A_346 = arith.constant 0 : i32
    %dma_wait3A_347 = arith.constant 0 : i32
    %dma_wait3A_348 = tpu.memref_slice %arg14[%dma_wait3A_346, %dma_wait3A_347] : memref<128x128xf32, #tpu.memory_space<vmem>> -> memref<32x128xf32, #tpu.memory_space<vmem>>
    %dma_wait3A_349 = arith.constant 480 : i32
    %dma_wait3A_350 = tpu.memref_slice %arg8[%dma_wait3A_349] : memref<512xi32, #tpu.memory_space<vmem>> -> memref<32xi32, #tpu.memory_space<vmem>>
    %dma_wait3A_351 = arith.constant 0 : i32
    %dma_wait3A_352 = arith.constant 0 : i32
    %dma_wait3A_353 = tpu.memref_slice %arg5[%dma_wait3A_351, %dma_wait3A_352] : memref<100000x128xf32, #tpu.memory_space<hbm>> -> memref<100000x128xf32, #tpu.memory_space<hbm>>
    tpu.wait_indirect_dma semaphore(%arg20 : memref<!tpu.dma_semaphore, #tpu.memory_space<semaphore_mem>>) src(%dma_wait3A_353 : memref<100000x128xf32, #tpu.memory_space<hbm>>) dst(%dma_wait3A_348 : memref<32x128xf32, #tpu.memory_space<vmem>>)
    %dma_wait3A_354 = arith.constant 0 : i32
    %dma_wait3A_355 = arith.constant 0 : i32
    %dma_wait3A_356 = tpu.memref_slice %arg15[%dma_wait3A_354, %dma_wait3A_355] : memref<128x128xf32, #tpu.memory_space<vmem>> -> memref<32x128xf32, #tpu.memory_space<vmem>>
    %dma_wait3A_357 = arith.constant 480 : i32
    %dma_wait3A_358 = tpu.memref_slice %arg9[%dma_wait3A_357] : memref<512xi32, #tpu.memory_space<vmem>> -> memref<32xi32, #tpu.memory_space<vmem>>
    %dma_wait3A_359 = arith.constant 0 : i32
    %dma_wait3A_360 = arith.constant 0 : i32
    %dma_wait3A_361 = tpu.memref_slice %arg6[%dma_wait3A_359, %dma_wait3A_360] : memref<1000x128xf32, #tpu.memory_space<hbm>> -> memref<1000x128xf32, #tpu.memory_space<hbm>>
    tpu.wait_indirect_dma semaphore(%arg20 : memref<!tpu.dma_semaphore, #tpu.memory_space<semaphore_mem>>) src(%dma_wait3A_361 : memref<1000x128xf32, #tpu.memory_space<hbm>>) dst(%dma_wait3A_356 : memref<32x128xf32, #tpu.memory_space<vmem>>)
    %dma_wait3A_362 = arith.constant 0 : i32
    %dma_wait3A_363 = arith.constant 0 : i32
    %dma_wait3A_364 = tpu.memref_slice %arg16[%dma_wait3A_362, %dma_wait3A_363] : memref<128x128xf32, #tpu.memory_space<vmem>> -> memref<32x128xf32, #tpu.memory_space<vmem>>
    %dma_wait3A_365 = arith.constant 480 : i32
    %dma_wait3A_366 = tpu.memref_slice %arg10[%dma_wait3A_365] : memref<512xi32, #tpu.memory_space<vmem>> -> memref<32xi32, #tpu.memory_space<vmem>>
    %dma_wait3A_367 = arith.constant 0 : i32
    %dma_wait3A_368 = arith.constant 0 : i32
    %dma_wait3A_369 = tpu.memref_slice %arg5[%dma_wait3A_367, %dma_wait3A_368] : memref<100000x128xf32, #tpu.memory_space<hbm>> -> memref<100000x128xf32, #tpu.memory_space<hbm>>
    tpu.wait_indirect_dma semaphore(%arg20 : memref<!tpu.dma_semaphore, #tpu.memory_space<semaphore_mem>>) src(%dma_wait3A_369 : memref<100000x128xf32, #tpu.memory_space<hbm>>) dst(%dma_wait3A_364 : memref<32x128xf32, #tpu.memory_space<vmem>>)
    %scan3A_370 = arith.constant 0 : i32
    %scan3A_371 = arith.constant 0 : i32
    %scan3A_372 = arith.constant 2 : i32
    %scan3A_373 = arith.addi %scan3A_371, %scan3A_372 : i32
    %scan3A_374 = arith.constant 1 : i32
    scf.for %scan3A_420 = %scan3A_371 to %scan3A_373 step %scan3A_374  : i32 {
      %mul3A_421 = arith.constant 16 : i32
      %mul3A_422 = arith.muli %scan3A_420, %mul3A_421 : i32
      %multiple_of3A_423 = tpu.assume_multiple %mul3A_422, 16 : i32
      %scan3A_424 = arith.constant 0 : i32
      %scan3A_425 = arith.constant 0 : i32
      %scan3A_426 = arith.constant 16 : i32
      %scan3A_427 = arith.addi %scan3A_425, %scan3A_426 : i32
      %scan3A_428 = arith.constant 1 : i32
      scf.for %scan3A_558 = %scan3A_425 to %scan3A_427 step %scan3A_428  : i32 {
        %add3A_559 = arith.addi %multiple_of3A_423, %scan3A_558 : i32
        %broadcast_in_dim3A = arith.constant 0.000000e+00 : f32
        %broadcast_in_dim3A_560 = vector.broadcast %broadcast_in_dim3A : f32 to vector<16xf32>
        %get3A = arith.index_cast %add3A_559 : i32 to index
        %get3A_561 = arith.constant 0 : index
        %get3A_562 = tpu.vector_load %arg14[%get3A, %get3A_561] {strides = array<i32>} : memref<128x128xf32, #tpu.memory_space<vmem>>, vector<16xf32>,
        %get3A_563 = arith.index_cast %add3A_559 : i32 to index
        %get3A_564 = arith.constant 0 : index
        %get3A_565 = tpu.vector_load %arg15[%get3A_563, %get3A_564] {strides = array<i32>} : memref<128x128xf32, #tpu.memory_space<vmem>>, vector<16xf32>,
        %add3A_566 = arith.addf %get3A_562, %get3A_565 : vector<16xf32>
        %get3A_567 = arith.index_cast %add3A_559 : i32 to index
        %get3A_568 = arith.constant 0 : index
        %get3A_569 = tpu.vector_load %arg16[%get3A_567, %get3A_568] {strides = array<i32>} : memref<128x128xf32, #tpu.memory_space<vmem>>, vector<16xf32>,
        %sub3A = arith.subf %add3A_566, %get3A_569 : vector<16xf32>
        %abs3A = math.absf %sub3A : vector<16xf32>
        %add3A_570 = arith.addf %broadcast_in_dim3A_560, %abs3A : vector<16xf32>
        %get3A_571 = arith.index_cast %add3A_559 : i32 to index
        %get3A_572 = arith.constant 16 : index
        %get3A_573 = tpu.vector_load %arg14[%get3A_571, %get3A_572] {strides = array<i32>} : memref<128x128xf32, #tpu.memory_space<vmem>>, vector<16xf32>,
        %get3A_574 = arith.index_cast %add3A_559 : i32 to index
        %get3A_575 = arith.constant 16 : index
        %get3A_576 = tpu.vector_load %arg15[%get3A_574, %get3A_575] {strides = array<i32>} : memref<128x128xf32, #tpu.memory_space<vmem>>, vector<16xf32>,
        %add3A_577 = arith.addf %get3A_573, %get3A_576 : vector<16xf32>
        %get3A_578 = arith.index_cast %add3A_559 : i32 to index
        %get3A_579 = arith.constant 16 : index
        %get3A_580 = tpu.vector_load %arg16[%get3A_578, %get3A_579] {strides = array<i32>} : memref<128x128xf32, #tpu.memory_space<vmem>>, vector<16xf32>,
        %sub3A_581 = arith.subf %add3A_577, %get3A_580 : vector<16xf32>
        %abs3A_582 = math.absf %sub3A_581 : vector<16xf32>
        %add3A_583 = arith.addf %add3A_570, %abs3A_582 : vector<16xf32>
        %get3A_584 = arith.index_cast %add3A_559 : i32 to index
        %get3A_585 = arith.constant 32 : index
        %get3A_586 = tpu.vector_load %arg14[%get3A_584, %get3A_585] {strides = array<i32>} : memref<128x128xf32, #tpu.memory_space<vmem>>, vector<16xf32>,
        %get3A_587 = arith.index_cast %add3A_559 : i32 to index
        %get3A_588 = arith.constant 32 : index
        %get3A_589 = tpu.vector_load %arg15[%get3A_587, %get3A_588] {strides = array<i32>} : memref<128x128xf32, #tpu.memory_space<vmem>>, vector<16xf32>,
        %add3A_590 = arith.addf %get3A_586, %get3A_589 : vector<16xf32>
        %get3A_591 = arith.index_cast %add3A_559 : i32 to index
        %get3A_592 = arith.constant 32 : index
        %get3A_593 = tpu.vector_load %arg16[%get3A_591, %get3A_592] {strides = array<i32>} : memref<128x128xf32, #tpu.memory_space<vmem>>, vector<16xf32>,
        %sub3A_594 = arith.subf %add3A_590, %get3A_593 : vector<16xf32>
        %abs3A_595 = math.absf %sub3A_594 : vector<16xf32>
        %add3A_596 = arith.addf %add3A_583, %abs3A_595 : vector<16xf32>
        %get3A_597 = arith.index_cast %add3A_559 : i32 to index
        %get3A_598 = arith.constant 48 : index
        %get3A_599 = tpu.vector_load %arg14[%get3A_597, %get3A_598] {strides = array<i32>} : memref<128x128xf32, #tpu.memory_space<vmem>>, vector<16xf32>,
        %get3A_600 = arith.index_cast %add3A_559 : i32 to index
        %get3A_601 = arith.constant 48 : index
        %get3A_602 = tpu.vector_load %arg15[%get3A_600, %get3A_601] {strides = array<i32>} : memref<128x128xf32, #tpu.memory_space<vmem>>, vector<16xf32>,
        %add3A_603 = arith.addf %get3A_599, %get3A_602 : vector<16xf32>
        %get3A_604 = arith.index_cast %add3A_559 : i32 to index
        %get3A_605 = arith.constant 48 : index
        %get3A_606 = tpu.vector_load %arg16[%get3A_604, %get3A_605] {strides = array<i32>} : memref<128x128xf32, #tpu.memory_space<vmem>>, vector<16xf32>,
        %sub3A_607 = arith.subf %add3A_603, %get3A_606 : vector<16xf32>
        %abs3A_608 = math.absf %sub3A_607 : vector<16xf32>
        %add3A_609 = arith.addf %add3A_596, %abs3A_608 : vector<16xf32>
        %get3A_610 = arith.index_cast %add3A_559 : i32 to index
        %get3A_611 = arith.constant 64 : index
        %get3A_612 = tpu.vector_load %arg14[%get3A_610, %get3A_611] {strides = array<i32>} : memref<128x128xf32, #tpu.memory_space<vmem>>, vector<16xf32>,
        %get3A_613 = arith.index_cast %add3A_559 : i32 to index
        %get3A_614 = arith.constant 64 : index
        %get3A_615 = tpu.vector_load %arg15[%get3A_613, %get3A_614] {strides = array<i32>} : memref<128x128xf32, #tpu.memory_space<vmem>>, vector<16xf32>,
        %add3A_616 = arith.addf %get3A_612, %get3A_615 : vector<16xf32>
        %get3A_617 = arith.index_cast %add3A_559 : i32 to index
        %get3A_618 = arith.constant 64 : index
        %get3A_619 = tpu.vector_load %arg16[%get3A_617, %get3A_618] {strides = array<i32>} : memref<128x128xf32, #tpu.memory_space<vmem>>, vector<16xf32>,
        %sub3A_620 = arith.subf %add3A_616, %get3A_619 : vector<16xf32>
        %abs3A_621 = math.absf %sub3A_620 : vector<16xf32>
        %add3A_622 = arith.addf %add3A_609, %abs3A_621 : vector<16xf32>
        %get3A_623 = arith.index_cast %add3A_559 : i32 to index
        %get3A_624 = arith.constant 80 : index
        %get3A_625 = tpu.vector_load %arg14[%get3A_623, %get3A_624] {strides = array<i32>} : memref<128x128xf32, #tpu.memory_space<vmem>>, vector<16xf32>,
        %get3A_626 = arith.index_cast %add3A_559 : i32 to index
        %get3A_627 = arith.constant 80 : index
        %get3A_628 = tpu.vector_load %arg15[%get3A_626, %get3A_627] {strides = array<i32>} : memref<128x128xf32, #tpu.memory_space<vmem>>, vector<16xf32>,
        %add3A_629 = arith.addf %get3A_625, %get3A_628 : vector<16xf32>
        %get3A_630 = arith.index_cast %add3A_559 : i32 to index
        %get3A_631 = arith.constant 80 : index
        %get3A_632 = tpu.vector_load %arg16[%get3A_630, %get3A_631] {strides = array<i32>} : memref<128x128xf32, #tpu.memory_space<vmem>>, vector<16xf32>,
        %sub3A_633 = arith.subf %add3A_629, %get3A_632 : vector<16xf32>
        %abs3A_634 = math.absf %sub3A_633 : vector<16xf32>
        %add3A_635 = arith.addf %add3A_622, %abs3A_634 : vector<16xf32>
        %get3A_636 = arith.index_cast %add3A_559 : i32 to index
        %get3A_637 = arith.constant 96 : index
        %get3A_638 = tpu.vector_load %arg14[%get3A_636, %get3A_637] {strides = array<i32>} : memref<128x128xf32, #tpu.memory_space<vmem>>, vector<16xf32>,
        %get3A_639 = arith.index_cast %add3A_559 : i32 to index
        %get3A_640 = arith.constant 96 : index
        %get3A_641 = tpu.vector_load %arg15[%get3A_639, %get3A_640] {strides = array<i32>} : memref<128x128xf32, #tpu.memory_space<vmem>>, vector<16xf32>,
        %add3A_642 = arith.addf %get3A_638, %get3A_641 : vector<16xf32>
        %get3A_643 = arith.index_cast %add3A_559 : i32 to index
        %get3A_644 = arith.constant 96 : index
        %get3A_645 = tpu.vector_load %arg16[%get3A_643, %get3A_644] {strides = array<i32>} : memref<128x128xf32, #tpu.memory_space<vmem>>, vector<16xf32>,
        %sub3A_646 = arith.subf %add3A_642, %get3A_645 : vector<16xf32>
        %abs3A_647 = math.absf %sub3A_646 : vector<16xf32>
        %add3A_648 = arith.addf %add3A_635, %abs3A_647 : vector<16xf32>
        %get3A_649 = arith.index_cast %add3A_559 : i32 to index
        %get3A_650 = arith.constant 112 : index
        %get3A_651 = tpu.vector_load %arg14[%get3A_649, %get3A_650] {strides = array<i32>} : memref<128x128xf32, #tpu.memory_space<vmem>>, vector<16xf32>,
        %get3A_652 = arith.index_cast %add3A_559 : i32 to index
        %get3A_653 = arith.constant 112 : index
        %get3A_654 = tpu.vector_load %arg15[%get3A_652, %get3A_653] {strides = array<i32>} : memref<128x128xf32, #tpu.memory_space<vmem>>, vector<16xf32>,
        %add3A_655 = arith.addf %get3A_651, %get3A_654 : vector<16xf32>
        %get3A_656 = arith.index_cast %add3A_559 : i32 to index
        %get3A_657 = arith.constant 112 : index
        %get3A_658 = tpu.vector_load %arg16[%get3A_656, %get3A_657] {strides = array<i32>} : memref<128x128xf32, #tpu.memory_space<vmem>>, vector<16xf32>,
        %sub3A_659 = arith.subf %add3A_655, %get3A_658 : vector<16xf32>
        %abs3A_660 = math.absf %sub3A_659 : vector<16xf32>
        %add3A_661 = arith.addf %add3A_648, %abs3A_660 : vector<16xf32>
        %mul3A_662 = arith.constant 24 : i32
        %mul3A_663 = arith.muli %scan3A_558, %mul3A_662 : i32
        %swap3A_664 = arith.index_cast %mul3A_663 : i32 to index
        %swap3A_665 = tpu.vector_load %arg18[%swap3A_664] {strides = array<i32>} : memref<384xf32, #tpu.memory_space<vmem>>, vector<16xf32>,
        tpu.vector_store %arg18[%swap3A_664], %add3A_661 {strides = array<i32>} : memref<384xf32, #tpu.memory_space<vmem>>, vector<16xf32>,
      }
      %scan3A_429 = arith.constant 16 : i32
      %mul3A_430 = arith.constant 24 : i32
      %mul3A_431 = vector.broadcast %mul3A_430 : i32 to vector<16xi32>
      %mul3A_432 = arith.muli %iota3A, %mul3A_431 : vector<16xi32>
      %gather3A = tpu.vector_load_idx %arg18[%mul3A_432] : memref<384xf32, #tpu.memory_space<vmem>>[vector<16xi32>], vector<16xf32>,
      %mul3A_433 = arith.constant 24 : i32
      %mul3A_434 = vector.broadcast %mul3A_433 : i32 to vector<16xi32>
      %mul3A_435 = arith.muli %iota3A, %mul3A_434 : vector<16xi32>
      %add3A_436 = arith.constant 1 : i32
      %add3A_437 = vector.broadcast %add3A_436 : i32 to vector<16xi32>
      %add3A_438 = arith.addi %mul3A_435, %add3A_437 : vector<16xi32>
      %gather3A_439 = tpu.vector_load_idx %arg18[%add3A_438] : memref<384xf32, #tpu.memory_space<vmem>>[vector<16xi32>], vector<16xf32>,
      %add3A_440 = arith.addf %gather3A, %gather3A_439 : vector<16xf32>
      %mul3A_441 = arith.constant 24 : i32
      %mul3A_442 = vector.broadcast %mul3A_441 : i32 to vector<16xi32>
      %mul3A_443 = arith.muli %iota3A, %mul3A_442 : vector<16xi32>
      %add3A_444 = arith.constant 2 : i32
      %add3A_445 = vector.broadcast %add3A_444 : i32 to vector<16xi32>
      %add3A_446 = arith.addi %mul3A_443, %add3A_445 : vector<16xi32>
      %gather3A_447 = tpu.vector_load_idx %arg18[%add3A_446] : memref<384xf32, #tpu.memory_space<vmem>>[vector<16xi32>], vector<16xf32>,
      %add3A_448 = arith.addf %add3A_440, %gather3A_447 : vector<16xf32>
      %mul3A_449 = arith.constant 24 : i32
      %mul3A_450 = vector.broadcast %mul3A_449 : i32 to vector<16xi32>
      %mul3A_451 = arith.muli %iota3A, %mul3A_450 : vector<16xi32>
      %add3A_452 = arith.constant 3 : i32
      %add3A_453 = vector.broadcast %add3A_452 : i32 to vector<16xi32>
      %add3A_454 = arith.addi %mul3A_451, %add3A_453 : vector<16xi32>
      %gather3A_455 = tpu.vector_load_idx %arg18[%add3A_454] : memref<384xf32, #tpu.memory_space<vmem>>[vector<16xi32>], vector<16xf32>,
      %add3A_456 = arith.addf %add3A_448, %gather3A_455 : vector<16xf32>
      %mul3A_457 = arith.constant 24 : i32
      %mul3A_458 = vector.broadcast %mul3A_457 : i32 to vector<16xi32>
      %mul3A_459 = arith.muli %iota3A, %mul3A_458 : vector<16xi32>
      %add3A_460 = arith.constant 4 : i32
      %add3A_461 = vector.broadcast %add3A_460 : i32 to vector<16xi32>
      %add3A_462 = arith.addi %mul3A_459, %add3A_461 : vector<16xi32>
      %gather3A_463 = tpu.vector_load_idx %arg18[%add3A_462] : memref<384xf32, #tpu.memory_space<vmem>>[vector<16xi32>], vector<16xf32>,
      %add3A_464 = arith.addf %add3A_456, %gather3A_463 : vector<16xf32>
      %mul3A_465 = arith.constant 24 : i32
      %mul3A_466 = vector.broadcast %mul3A_465 : i32 to vector<16xi32>
      %mul3A_467 = arith.muli %iota3A, %mul3A_466 : vector<16xi32>
      %add3A_468 = arith.constant 5 : i32
      %add3A_469 = vector.broadcast %add3A_468 : i32 to vector<16xi32>
      %add3A_470 = arith.addi %mul3A_467, %add3A_469 : vector<16xi32>
      %gather3A_471 = tpu.vector_load_idx %arg18[%add3A_470] : memref<384xf32, #tpu.memory_space<vmem>>[vector<16xi32>], vector<16xf32>,
      %add3A_472 = arith.addf %add3A_464, %gather3A_471 : vector<16xf32>
      %mul3A_473 = arith.constant 24 : i32
      %mul3A_474 = vector.broadcast %mul3A_473 : i32 to vector<16xi32>
      %mul3A_475 = arith.muli %iota3A, %mul3A_474 : vector<16xi32>
      %add3A_476 = arith.constant 6 : i32
      %add3A_477 = vector.broadcast %add3A_476 : i32 to vector<16xi32>
      %add3A_478 = arith.addi %mul3A_475, %add3A_477 : vector<16xi32>
      %gather3A_479 = tpu.vector_load_idx %arg18[%add3A_478] : memref<384xf32, #tpu.memory_space<vmem>>[vector<16xi32>], vector<16xf32>,
      %add3A_480 = arith.addf %add3A_472, %gather3A_479 : vector<16xf32>
      %mul3A_481 = arith.constant 24 : i32
      %mul3A_482 = vector.broadcast %mul3A_481 : i32 to vector<16xi32>
      %mul3A_483 = arith.muli %iota3A, %mul3A_482 : vector<16xi32>
      %add3A_484 = arith.constant 7 : i32
      %add3A_485 = vector.broadcast %add3A_484 : i32 to vector<16xi32>
      %add3A_486 = arith.addi %mul3A_483, %add3A_485 : vector<16xi32>
      %gather3A_487 = tpu.vector_load_idx %arg18[%add3A_486] : memref<384xf32, #tpu.memory_space<vmem>>[vector<16xi32>], vector<16xf32>,
      %add3A_488 = arith.addf %add3A_480, %gather3A_487 : vector<16xf32>
      %mul3A_489 = arith.constant 24 : i32
      %mul3A_490 = vector.broadcast %mul3A_489 : i32 to vector<16xi32>
      %mul3A_491 = arith.muli %iota3A, %mul3A_490 : vector<16xi32>
      %add3A_492 = arith.constant 8 : i32
      %add3A_493 = vector.broadcast %add3A_492 : i32 to vector<16xi32>
      %add3A_494 = arith.addi %mul3A_491, %add3A_493 : vector<16xi32>
      %gather3A_495 = tpu.vector_load_idx %arg18[%add3A_494] : memref<384xf32, #tpu.memory_space<vmem>>[vector<16xi32>], vector<16xf32>,
      %add3A_496 = arith.addf %add3A_488, %gather3A_495 : vector<16xf32>
      %mul3A_497 = arith.constant 24 : i32
      %mul3A_498 = vector.broadcast %mul3A_497 : i32 to vector<16xi32>
      %mul3A_499 = arith.muli %iota3A, %mul3A_498 : vector<16xi32>
      %add3A_500 = arith.constant 9 : i32
      %add3A_501 = vector.broadcast %add3A_500 : i32 to vector<16xi32>
      %add3A_502 = arith.addi %mul3A_499, %add3A_501 : vector<16xi32>
      %gather3A_503 = tpu.vector_load_idx %arg18[%add3A_502] : memref<384xf32, #tpu.memory_space<vmem>>[vector<16xi32>], vector<16xf32>,
      %add3A_504 = arith.addf %add3A_496, %gather3A_503 : vector<16xf32>
      %mul3A_505 = arith.constant 24 : i32
      %mul3A_506 = vector.broadcast %mul3A_505 : i32 to vector<16xi32>
      %mul3A_507 = arith.muli %iota3A, %mul3A_506 : vector<16xi32>
      %add3A_508 = arith.constant 10 : i32
      %add3A_509 = vector.broadcast %add3A_508 : i32 to vector<16xi32>
      %add3A_510 = arith.addi %mul3A_507, %add3A_509 : vector<16xi32>
      %gather3A_511 = tpu.vector_load_idx %arg18[%add3A_510] : memref<384xf32, #tpu.memory_space<vmem>>[vector<16xi32>], vector<16xf32>,
      %add3A_512 = arith.addf %add3A_504, %gather3A_511 : vector<16xf32>
      %mul3A_513 = arith.constant 24 : i32
      %mul3A_514 = vector.broadcast %mul3A_513 : i32 to vector<16xi32>
      %mul3A_515 = arith.muli %iota3A, %mul3A_514 : vector<16xi32>
      %add3A_516 = arith.constant 11 : i32
      %add3A_517 = vector.broadcast %add3A_516 : i32 to vector<16xi32>
      %add3A_518 = arith.addi %mul3A_515, %add3A_517 : vector<16xi32>
      %gather3A_519 = tpu.vector_load_idx %arg18[%add3A_518] : memref<384xf32, #tpu.memory_space<vmem>>[vector<16xi32>], vector<16xf32>,
      %add3A_520 = arith.addf %add3A_512, %gather3A_519 : vector<16xf32>
      %mul3A_521 = arith.constant 24 : i32
      %mul3A_522 = vector.broadcast %mul3A_521 : i32 to vector<16xi32>
      %mul3A_523 = arith.muli %iota3A, %mul3A_522 : vector<16xi32>
      %add3A_524 = arith.constant 12 : i32
      %add3A_525 = vector.broadcast %add3A_524 : i32 to vector<16xi32>
      %add3A_526 = arith.addi %mul3A_523, %add3A_525 : vector<16xi32>
      %gather3A_527 = tpu.vector_load_idx %arg18[%add3A_526] : memref<384xf32, #tpu.memory_space<vmem>>[vector<16xi32>], vector<16xf32>,
      %add3A_528 = arith.addf %add3A_520, %gather3A_527 : vector<16xf32>
      %mul3A_529 = arith.constant 24 : i32
      %mul3A_530 = vector.broadcast %mul3A_529 : i32 to vector<16xi32>
      %mul3A_531 = arith.muli %iota3A, %mul3A_530 : vector<16xi32>
      %add3A_532 = arith.constant 13 : i32
      %add3A_533 = vector.broadcast %add3A_532 : i32 to vector<16xi32>
      %add3A_534 = arith.addi %mul3A_531, %add3A_533 : vector<16xi32>
      %gather3A_535 = tpu.vector_load_idx %arg18[%add3A_534] : memref<384xf32, #tpu.memory_space<vmem>>[vector<16xi32>], vector<16xf32>,
      %add3A_536 = arith.addf %add3A_528, %gather3A_535 : vector<16xf32>
      %mul3A_537 = arith.constant 24 : i32
      %mul3A_538 = vector.broadcast %mul3A_537 : i32 to vector<16xi32>
      %mul3A_539 = arith.muli %iota3A, %mul3A_538 : vector<16xi32>
      %add3A_540 = arith.constant 14 : i32
      %add3A_541 = vector.broadcast %add3A_540 : i32 to vector<16xi32>
      %add3A_542 = arith.addi %mul3A_539, %add3A_541 : vector<16xi32>
      %gather3A_543 = tpu.vector_load_idx %arg18[%add3A_542] : memref<384xf32, #tpu.memory_space<vmem>>[vector<16xi32>], vector<16xf32>,
      %add3A_544 = arith.addf %add3A_536, %gather3A_543 : vector<16xf32>
      %mul3A_545 = arith.constant 24 : i32
      %mul3A_546 = vector.broadcast %mul3A_545 : i32 to vector<16xi32>
      %mul3A_547 = arith.muli %iota3A, %mul3A_546 : vector<16xi32>
      %add3A_548 = arith.constant 15 : i32
      %add3A_549 = vector.broadcast %add3A_548 : i32 to vector<16xi32>
      %add3A_550 = arith.addi %mul3A_547, %add3A_549 : vector<16xi32>
      %gather3A_551 = tpu.vector_load_idx %arg18[%add3A_550] : memref<384xf32, #tpu.memory_space<vmem>>[vector<16xi32>], vector<16xf32>,
      %add3A_552 = arith.addf %add3A_544, %gather3A_551 : vector<16xf32>
      %neg3A = arith.constant 0.000000e+00 : f32
      %neg3A_553 = vector.broadcast %neg3A : f32 to vector<16xf32>
      %neg3A_554 = arith.subf %neg3A_553, %add3A_552 : vector<16xf32>
      %add3A_555 = arith.constant 480 : i32
      %add3A_556 = arith.addi %add3A_555, %multiple_of3A_423 : i32
      %swap3A = arith.index_cast %add3A_556 : i32 to index
      %swap3A_557 = tpu.vector_load %arg17[%swap3A] {strides = array<i32>} : memref<512xf32, #tpu.memory_space<vmem>>, vector<16xf32>,
      tpu.vector_store %arg17[%swap3A], %neg3A_554 {strides = array<i32>} : memref<512xf32, #tpu.memory_space<vmem>>, vector<16xf32>,
    }
    %scan3A_375 = arith.constant 2 : i32
    %add3A_376 = arith.constant 480 : i32
    %add3A_377 = arith.addi %multiple_of3A, %add3A_376 : i32
    %dma_start3A_378 = arith.constant 480 : i32
    %dma_start3A_379 = tpu.memref_slice %arg17[%dma_start3A_378] : memref<512xf32, #tpu.memory_space<vmem>> -> memref<32xf32, #tpu.memory_space<vmem>>
    %dma_start3A_380 = tpu.memref_slice %arg7[%add3A_377] : memref<16384xf32, #tpu.memory_space<hbm>> -> memref<32xf32, #tpu.memory_space<hbm>>
    %dma_start3A_381 = tpu.memref_slice %arg7[%add3A_377] : memref<16384xf32, #tpu.memory_space<hbm>> -> memref<32xf32, #tpu.memory_space<hbm>>
    %dma_start3A_382 = arith.constant 480 : i32
    %dma_start3A_383 = tpu.memref_slice %arg17[%dma_start3A_382] : memref<512xf32, #tpu.memory_space<vmem>> -> memref<32xf32, #tpu.memory_space<vmem>>
    tpu.enqueue_dma source(%dma_start3A_383 : memref<32xf32, #tpu.memory_space<vmem>>) target(%dma_start3A_381 : memref<32xf32, #tpu.memory_space<hbm>>) target_semaphore(%arg21 : memref<!tpu.dma_semaphore, #tpu.memory_space<semaphore_mem>>)
    %dma_wait3A_384 = arith.constant 0 : i32
    %dma_wait3A_385 = tpu.memref_slice %arg17[%dma_wait3A_384] : memref<512xf32, #tpu.memory_space<vmem>> -> memref<32xf32, #tpu.memory_space<vmem>>
    %dma_wait3A_386 = tpu.memref_slice %arg7[%add3A_91] : memref<16384xf32, #tpu.memory_space<hbm>> -> memref<32xf32, #tpu.memory_space<hbm>>
    %dma_wait3A_387 = tpu.memref_slice %arg7[%add3A_91] : memref<16384xf32, #tpu.memory_space<hbm>> -> memref<32xf32, #tpu.memory_space<hbm>>
    %dma_wait3A_388 = arith.constant 0 : i32
    %dma_wait3A_389 = tpu.memref_slice %arg17[%dma_wait3A_388] : memref<512xf32, #tpu.memory_space<vmem>> -> memref<32xf32, #tpu.memory_space<vmem>>
    tpu.wait_dma2 semaphore(%arg21 : memref<!tpu.dma_semaphore, #tpu.memory_space<semaphore_mem>>) src(%dma_wait3A_389 : memref<32xf32, #tpu.memory_space<vmem>>) dst(%dma_wait3A_387 : memref<32xf32, #tpu.memory_space<hbm>>)
    %dma_wait3A_390 = arith.constant 32 : i32
    %dma_wait3A_391 = tpu.memref_slice %arg17[%dma_wait3A_390] : memref<512xf32, #tpu.memory_space<vmem>> -> memref<96xf32, #tpu.memory_space<vmem>>
    %dma_wait3A_392 = tpu.memref_slice %arg7[%add3A_153] : memref<16384xf32, #tpu.memory_space<hbm>> -> memref<96xf32, #tpu.memory_space<hbm>>
    %dma_wait3A_393 = tpu.memref_slice %arg7[%add3A_153] : memref<16384xf32, #tpu.memory_space<hbm>> -> memref<96xf32, #tpu.memory_space<hbm>>
    %dma_wait3A_394 = arith.constant 32 : i32
    %dma_wait3A_395 = tpu.memref_slice %arg17[%dma_wait3A_394] : memref<512xf32, #tpu.memory_space<vmem>> -> memref<96xf32, #tpu.memory_space<vmem>>
    tpu.wait_dma2 semaphore(%arg21 : memref<!tpu.dma_semaphore, #tpu.memory_space<semaphore_mem>>) src(%dma_wait3A_395 : memref<96xf32, #tpu.memory_space<vmem>>) dst(%dma_wait3A_393 : memref<96xf32, #tpu.memory_space<hbm>>)
    %dma_wait3A_396 = arith.constant 128 : i32
    %dma_wait3A_397 = tpu.memref_slice %arg17[%dma_wait3A_396] : memref<512xf32, #tpu.memory_space<vmem>> -> memref<128xf32, #tpu.memory_space<vmem>>
    %dma_wait3A_398 = tpu.memref_slice %arg7[%add3A_215] : memref<16384xf32, #tpu.memory_space<hbm>> -> memref<128xf32, #tpu.memory_space<hbm>>
    %dma_wait3A_399 = tpu.memref_slice %arg7[%add3A_215] : memref<16384xf32, #tpu.memory_space<hbm>> -> memref<128xf32, #tpu.memory_space<hbm>>
    %dma_wait3A_400 = arith.constant 128 : i32
    %dma_wait3A_401 = tpu.memref_slice %arg17[%dma_wait3A_400] : memref<512xf32, #tpu.memory_space<vmem>> -> memref<128xf32, #tpu.memory_space<vmem>>
    tpu.wait_dma2 semaphore(%arg21 : memref<!tpu.dma_semaphore, #tpu.memory_space<semaphore_mem>>) src(%dma_wait3A_401 : memref<128xf32, #tpu.memory_space<vmem>>) dst(%dma_wait3A_399 : memref<128xf32, #tpu.memory_space<hbm>>)
    %dma_wait3A_402 = arith.constant 256 : i32
    %dma_wait3A_403 = tpu.memref_slice %arg17[%dma_wait3A_402] : memref<512xf32, #tpu.memory_space<vmem>> -> memref<128xf32, #tpu.memory_space<vmem>>
    %dma_wait3A_404 = tpu.memref_slice %arg7[%add3A_277] : memref<16384xf32, #tpu.memory_space<hbm>> -> memref<128xf32, #tpu.memory_space<hbm>>
    %dma_wait3A_405 = tpu.memref_slice %arg7[%add3A_277] : memref<16384xf32, #tpu.memory_space<hbm>> -> memref<128xf32, #tpu.memory_space<hbm>>
    %dma_wait3A_406 = arith.constant 256 : i32
    %dma_wait3A_407 = tpu.memref_slice %arg17[%dma_wait3A_406] : memref<512xf32, #tpu.memory_space<vmem>> -> memref<128xf32, #tpu.memory_space<vmem>>
    tpu.wait_dma2 semaphore(%arg21 : memref<!tpu.dma_semaphore, #tpu.memory_space<semaphore_mem>>) src(%dma_wait3A_407 : memref<128xf32, #tpu.memory_space<vmem>>) dst(%dma_wait3A_405 : memref<128xf32, #tpu.memory_space<hbm>>)
    %dma_wait3A_408 = arith.constant 384 : i32
    %dma_wait3A_409 = tpu.memref_slice %arg17[%dma_wait3A_408] : memref<512xf32, #tpu.memory_space<vmem>> -> memref<96xf32, #tpu.memory_space<vmem>>
    %dma_wait3A_410 = tpu.memref_slice %arg7[%add3A_339] : memref<16384xf32, #tpu.memory_space<hbm>> -> memref<96xf32, #tpu.memory_space<hbm>>
    %dma_wait3A_411 = tpu.memref_slice %arg7[%add3A_339] : memref<16384xf32, #tpu.memory_space<hbm>> -> memref<96xf32, #tpu.memory_space<hbm>>
    %dma_wait3A_412 = arith.constant 384 : i32
    %dma_wait3A_413 = tpu.memref_slice %arg17[%dma_wait3A_412] : memref<512xf32, #tpu.memory_space<vmem>> -> memref<96xf32, #tpu.memory_space<vmem>>
    tpu.wait_dma2 semaphore(%arg21 : memref<!tpu.dma_semaphore, #tpu.memory_space<semaphore_mem>>) src(%dma_wait3A_413 : memref<96xf32, #tpu.memory_space<vmem>>) dst(%dma_wait3A_411 : memref<96xf32, #tpu.memory_space<hbm>>)
    %dma_wait3A_414 = arith.constant 480 : i32
    %dma_wait3A_415 = tpu.memref_slice %arg17[%dma_wait3A_414] : memref<512xf32, #tpu.memory_space<vmem>> -> memref<32xf32, #tpu.memory_space<vmem>>
    %dma_wait3A_416 = tpu.memref_slice %arg7[%add3A_377] : memref<16384xf32, #tpu.memory_space<hbm>> -> memref<32xf32, #tpu.memory_space<hbm>>
    %dma_wait3A_417 = tpu.memref_slice %arg7[%add3A_377] : memref<16384xf32, #tpu.memory_space<hbm>> -> memref<32xf32, #tpu.memory_space<hbm>>
    %dma_wait3A_418 = arith.constant 480 : i32
    %dma_wait3A_419 = tpu.memref_slice %arg17[%dma_wait3A_418] : memref<512xf32, #tpu.memory_space<vmem>> -> memref<32xf32, #tpu.memory_space<vmem>>
    tpu.wait_dma2 semaphore(%arg21 : memref<!tpu.dma_semaphore, #tpu.memory_space<semaphore_mem>>) src(%dma_wait3A_419 : memref<32xf32, #tpu.memory_space<vmem>>) dst(%dma_wait3A_417 : memref<32xf32, #tpu.memory_space<hbm>>)
    return
  }
}

</mosaic_0001>

<sc_bundles>
// kernel: kernel.3.cloned.1.call-start
scs
__scs_entry_jumppad:
0x0: {  	(pc) =	sbr.rel $0x88, $3  }
0x1: {  	(tag) =	ssettag $0x0;
	lr =	simm.s32 $0x1  }
0x2: {  	[smem:$0x3F9C] =	sst lr;
	_ =	strace $0xD0000000  }
0x3: {  	_ = 	snop  }
0x4: {  	_ = 	snop  }
0x5: {  	_ = 	snop  }
0x6: {  	_ = 	snop  }
0x7: {  	_ = 	snop  }
__scs_overlays_trampoline_lowered:
0x8: {  	[smem:$0x3FAB] =	sst s0  }
0x9: {  	[smem:$0x3FAC] =	sst s1  }
0xa: {  	[smem:$0x3FAD] =	sst s2  }
0xb: {  	[smem:$0x3FAE] =	sst s3  }
0xc: {  	[smem:$0x3FAF] =	sst s4  }
0xd: {  	[smem:$0x3FB0] =	sst s5  }
0xe: {  	[smem:$0x3FB1] =	sst s6  }
0xf: {  	[smem:$0x3FB2] =	sst s7  }
0x10: {  	[smem:$0x3FB3] =	sst s8  }
0x11: {  	[smem:$0x3FB4] =	sst s9;
	s0 =	simm.s32 @!p0 $0x0  }
0x12: {  	s1 =	sld [smem:$0x3F9A];
	s0 =	simm.s32 @p0 $0x1  }
0x13: {  	[smem:$0x3FB5] =	sst s0;
	s0 =	simm.s32 @!p1 $0x0  }
0x14: {  	s2 =	sld [smem:$0x3F99];
	s0 =	simm.s32 @p1 $0x1  }
0x15: {  	[smem:$0x3FB6] =	sst s0;
	s0 =	simm.s32 @!p2 $0x0  }
0x16: {  	s3 =	sld [smem:$0x3FDB];
	s0 =	simm.s32 @p2 $0x1  }
0x17: {  	s4 =	simm.s32 $0x1BF5;
	[smem:$0x3FB8] =	sst s0  }
0x18: {  	s0 =	sld [smem:$0x3F9B];
	_ =	swait.ge [sflag:s4], $0x0  }
0x19: {  	s7 =	sld [smem:$0x3F9C]  }
0x1a: {  	s8 =	sadd.s32 $0xFFFFE003, lr  }
0x1b: {  	s9 =	sadd.s32 $0xFFFFFEF7, lr;
	s5 =	simm.s32 $0xFFFFFFFF;
	p2 =	slt.u32 s8, $0xFFFFF086  }
0x1c: {  	p1 =	slt.u32 s9, $0xF7A;
	s5 =	simm.s32 @!p2 $0x0  }
0x1d: {  	s5 =	simm.s32 @p1 $0x1;
	p0 =	seq.s32 s7, s2  }
0x1e: {  	s7 =	smul.u32 @!p0 $0xF7A, s2;
	p2 =	seq.s32 @!p0 s5, $0x0  }
0x1f: {  	s9 =	smul.u32 $0xF7A, s1;
	s8 =	simm.s32 @!p0 $0x1BF5;
	p2 =	por !p2, p0  }
0x20: {  	[sflag:s8] =	ssyncset.s32 @!p0 $0xFFFFF086;
	s6 =	sadd.s32 @!p0 s3, s7;
	s7 =	simm.s32 @!p0 $0x108  }
0x21: {  	s3 =	sadd.s32 s3, s9;
	s6 =	sadd.s32 @!p0 $0x88, s6;
	s7 =	simm.s32 @p2 $0x1082  }
0x22: {  	[simem:s7], [sflag:s8] =	dma.local @!p0 [hbm:s6], $0xF7A  }
0x23: {  	s9 =	sor.u32 $0xD0000000, s2;
	s6 =	simm.s32 $0x108;
	_ =	swait.ge @!p0 [sflag:s8], $0x0  }
0x24: {  	s3 =	sadd.s32 $0x88, s3;
	s6 =	simm.s32 @!p1 $0x1082;
	[sflag:s4] =	ssyncset.s32 $0xFFFFF086  }
0x25: {  	[simem:s6], [sflag:s4] =	dma.local [hbm:s3], $0xF7A  }
0x26: {  	[smem:$0x3F9C] =	sst s1;
	(tag) =	ssettag s2;
	_ =	strace s9  }
0x27: {  	s1 =	sld [smem:$0x3FAC]  }
0x28: {  	s2 =	sld [smem:$0x3FAD]  }
0x29: {  	s4 =	sld [smem:$0x3FAF]  }
0x2a: {  	p0 =	seq.s32 s5, $0x0;
	s5 =	sld [smem:$0x3FB0]  }
0x2b: {  	s6 =	sld [smem:$0x3FB1]  }
0x2c: {  	s7 =	sld [smem:$0x3FB2]  }
0x2d: {  	s3 =	simm.s32 $0x108;
	s8 =	sld [smem:$0x3FB3]  }
0x2e: {  	s3 =	simm.s32 @!p0 $0x1082;
	s9 =	sld [smem:$0x3FB4]  }
0x2f: {  	lr =	sadd.s32 s0, s3;
	s0 =	sld [smem:$0x3FAB]  }
0x30: {  	s3 =	sld [smem:$0x3FAE]  }
0x31: {  	[smem:$0x3FB7] =	sst s10  }
0x32: {  	s10 =	sld [smem:$0x3FB5];
	_ =	sdelay $0x3  }
0x33: {  	p0 =	seq.s32 s10, $0x1;
	s10 =	sld [smem:$0x3FB7];
	_ =	sdelay $0x3  }
0x34: {  	[smem:$0x3FB7] =	sst s10  }
0x35: {  	s10 =	sld [smem:$0x3FB6];
	_ =	sdelay $0x3  }
0x36: {  	p1 =	seq.s32 s10, $0x1;
	s10 =	sld [smem:$0x3FB7];
	_ =	sdelay $0x3  }
0x37: {  	[smem:$0x3FB7] =	sst s10  }
0x38: {  	s10 =	sld [smem:$0x3FB8]  }
0x39: {  	_ = 	snop;
	(pc) =	sbr.ind lr, $3  }
0x3a: {  	_ = 	snop  }
0x3b: {  	_ = 	snop  }
0x3c: {  	p2 =	seq.s32 s10, $0x1;
	s10 =	sld [smem:$0x3FB7]  }
0x3d: {  	_ =	shalt  }
0x3e: {  	_ =	shalt  }
0x3f: {  	_ =	shalt  }
0x40: {  	_ =	shalt  }
0x41: {  	_ =	shalt  }
0x42: {  	_ =	shalt  }
0x43: {  	_ =	shalt  }
0x44: {  	_ =	shalt  }
0x45: {  	_ =	shalt  }
0x46: {  	_ =	shalt  }
0x47: {  	_ =	shalt  }
0x48: {  	_ =	shalt  }
0x49: {  	_ =	shalt  }
0x4a: {  	_ =	shalt  }
0x4b: {  	_ =	shalt  }
0x4c: {  	_ =	shalt  }
0x4d: {  	_ =	shalt  }
0x4e: {  	_ =	shalt  }
0x4f: {  	_ =	shalt  }
0x50: {  	_ =	shalt  }
0x51: {  	_ =	shalt  }
0x52: {  	_ =	shalt  }
0x53: {  	_ =	shalt  }
0x54: {  	_ =	shalt  }
0x55: {  	_ =	shalt  }
0x56: {  	_ =	shalt  }
0x57: {  	_ =	shalt  }
0x58: {  	_ =	shalt  }
0x59: {  	_ =	shalt  }
0x5a: {  	_ =	shalt  }
0x5b: {  	_ =	shalt  }
0x5c: {  	_ =	shalt  }
0x5d: {  	_ =	shalt  }
0x5e: {  	_ =	shalt  }
0x5f: {  	_ =	shalt  }
0x60: {  	_ =	shalt  }
0x61: {  	_ =	shalt  }
0x62: {  	_ =	shalt  }
0x63: {  	_ =	shalt  }
0x64: {  	_ =	shalt  }
0x65: {  	_ =	shalt  }
0x66: {  	_ =	shalt  }
0x67: {  	_ =	shalt  }
0x68: {  	_ =	shalt  }
0x69: {  	_ =	shalt  }
0x6a: {  	_ =	shalt  }
0x6b: {  	_ =	shalt  }
0x6c: {  	_ =	shalt  }
0x6d: {  	_ =	shalt  }
0x6e: {  	_ =	shalt  }
0x6f: {  	_ =	shalt  }
0x70: {  	_ =	shalt  }
0x71: {  	_ =	shalt  }
0x72: {  	_ =	shalt  }
0x73: {  	_ =	shalt  }
0x74: {  	_ =	shalt  }
0x75: {  	_ =	shalt  }
0x76: {  	_ =	shalt  }
0x77: {  	_ =	shalt  }
0x78: {  	_ =	shalt  }
0x79: {  	_ =	shalt  }
0x7a: {  	_ =	shalt  }
0x7b: {  	_ =	shalt  }
0x7c: {  	_ =	shalt  }
0x7d: {  	_ =	shalt  }
0x7e: {  	_ =	shalt  }
0x7f: {  	_ =	shalt  }
0x80: {  	_ =	shalt  }
0x81: {  	_ =	shalt  }
0x82: {  	_ =	shalt  }
0x83: {  	_ =	shalt  }
0x84: {  	_ =	shalt  }
0x85: {  	_ =	shalt  }
0x86: {  	_ =	shalt  }
0x87: {  	_ =	shalt  }
.Lfunc_end0:
.L_simem_size_0:
called_computation_lowered:
.L_overlay_start_0:
0x88: {  	s2 =	sld [smem:$0x3FD9]  }
0x89: {  	s3 =	sld [smem:$0x3FFE];
	_ =	sdelay $0x1  }
0x8a: {  	s1 =	srdreg.scid  }
0x8b: {  	s0 =	sand.u32 $0x1, s1  }
0x8c: {  	s18 =	sshll.u32 s0, $0xA;
	s2 =	sadd.s32 s3, s2  }
0x8d: {  	s2 =	sadd.s32 s2, s18  }
0x8e: {  	[smem:$0x3FC3] =	sst s2  }
0x8f: {  	_ = 	snop  }
0x90: {  	s2 =	sld [smem:$0x3FC9]  }
0x91: {  	s19 =	sld [smem:$0x3FC8]  }
0x92: {  	s4 =	sld [smem:$0x3FC7]  }
0x93: {  	s5 =	sld [smem:$0x3FC6]  }
0x94: {  	s6 =	sld [smem:$0x3FC5]  }
0x95: {  	s7 =	sld [smem:$0x3FD0];
	(tm) =	ssettm $0x1  }
0x96: {  	s8 =	sld [smem:$0x3FFB];
	_ =	sdelay $0x3  }
0x97: {  	_ =	strace s8  }
0x98: {  	s8 =	sld [smem:$0x3FFC];
	_ =	sdelay $0x3  }
0x99: {  	_ =	strace s8  }
0x9a: {  	s8 =	sld [smem:$0x3FFD];
	_ =	sdelay $0x3  }
0x9b: {  	_ =	strace s8  }
0x9c: {  	_ =	strace $0x8FFFFFFF  }
0x9d: {  	s20 =	sld [smem:$0x3FDB];
	_ =	sdelay $0x1  }
0x9e: {  	s9 =	simm.s32 $_scs_section_size  }
0x9f: {  	s10 =	simm.s32 $_size__tile_overlayer_lowered;
	s11 =	simm.s32 $_tile_overlayer_lowered  }
0xa0: {  	s23 =	simm.s32 $0x1BFF;
	s22 =	sshll.u32 s11, $0x1;
	s8 =	sadd.s32 s9, s20  }
0xa1: {  	s12 =	simm.s32 $0x0;
	s21 =	sshll.u32 s10, $0x1;
	s10 =	sadd.s32 s22, s8  }
0xa2: {  	[timem:s12], [sflag:s23] =	dma.local [hbm:s10], s21  }
0xa3: {  	_ =	swait.ge [sflag:s23], s21  }
0xa4: {  	s9 =	ssub.s32 $0x0, s21;
	[sflag:s23] =	ssyncset.done $0x0  }
0xa5: {  	[sflag:s23] =	ssyncadd.s32 s9;
	_ =	sdelay $0x1  }
0xa6: {  	s24 =	simm.s32 $0x1B8B  }
0xa7: {  	_ =	swait.ge [sflag:s24], $0x1  }
0xa8: {  	[sflag:s24] =	ssyncset.done $0x0  }
0xa9: {  	s25 =	simm.s32 $0x1B8E;
	[sflag:s24] =	ssyncadd.s32 $0xFFFFFFFF  }
0xaa: {  	s26 =	simm.s32 $execute0_lowered;
	[smem:$0x3FD2] =	sst s25  }
0xab: {  	s9 =	sshll.u32 s26, $0x1;
	_ =	strace $0x80000046;
	[dreg:$0x1] =	wrdreg $0xFFFFFFFF  }
0xac: {  	s28 =	simm.s32 $_size_execute0_lowered;
	s8 =	sadd.s32 s8, s9;
	[dreg:$0x0] =	wrdreg $0x0  }
0xad: {  	s9 =	sshll.u32 s28, $0x1;
	[dreg:$0x2] =	wrdreg s8  }
0xae: {  	[dreg:$0x3] =	wrdreg s9  }
0xaf: {  	[dreg:$0x4] =	wrdreg $0xC0  }
0xb0: {  	_ =	task [dreg:s12], $0x5FFFF  }
0xb1: {  	[dreg:$0x1] =	wrdreg $0xFFFFFFFF  }
0xb2: {  	[dreg:$0x0] =	wrdreg $0x60  }
0xb3: {  	[dreg:$0x2] =	wrdreg s2  }
0xb4: {  	[dreg:$0x3] =	wrdreg s19  }
0xb5: {  	[dreg:$0x4] =	wrdreg s4  }
0xb6: {  	[dreg:$0x5] =	wrdreg s5  }
0xb7: {  	[dreg:$0x6] =	wrdreg s6  }
0xb8: {  	[dreg:$0x7] =	wrdreg s7  }
0xb9: {  	[dreg:$0x8] =	wrdreg $0x9  }
0xba: {  	_ =	task.clear_ibuf [dreg:s12], $0x9FFFF;
	_ =	strace $0x90000046  }
0xbb: {  	s29 =	simm.s32 $0x9;
	_ =	strace $0x80000048  }
0xbc: {  	_ =	swait.ge [sflag:s29], $0x1  }
0xbd: {  	[sflag:s29] =	ssyncadd.s32 $0xFFFFFFFF  }
0xbe: {  	_ =	strace $0x90000048  }
0xbf: {  	_ =	sfence  }
0xc0: {  	s30 =	sld [smem:$0x0];
	_ =	sdelay $0x2  }
0xc1: {  	s31 =	sshll.u32 s1, $0xD;
	s1 =	sshrl.u32 s1, $0x2  }
0xc2: {  	s3 =	sand.u32 $0x4000, s31;
	s1 =	sadd.s32 s1, s30  }
0xc3: {  	s0 =	sor.u32 s3, s0;
	s1 =	sshll.u32 s1, $0x11  }
0xc4: {  	s0 =	sor.u32 s1, s0  }
0xc5: {  	s0 =	sadd.s32 $0x8F2B, s0  }
0xc6: {  	[sflag:s0] =	ssyncadd.remote.s32 $0x1  }
0xc7: {  	_ =	sfence.sel $0xFFFF  }
0xc8: {  	[dreg:$0x0] =	wrdreg $0xFFFFFFFF;
	(pc) =	sbr.abs _section_cstart, $3  }
0xc9: {  	[dreg:$0x1] =	wrdreg $0xFFFFFFFF  }
0xca: {  	_ =	task.clear_ibuf [dreg:s12], $0x2FFFF;
	_ =	strace $0x9FFFFFFF  }
0xcb: {  	(tm) =	ssettm $0x7FFFFFFF  }
tec
execute0_lowered:
.L_overlay_start_1:
0x0: {  	(tag) =	ssettag $0x1  }
0x1: {  	s0 =	rddreg [dreg:$0x0]  }
0x2: {  	s3 =	rddreg [dreg:$0x1]  }
0x3: {  	s5 =	rddreg [dreg:$0x2]  }
0x4: {  	s1 =	rddreg [dreg:$0x3]  }
0x5: {  	s2 =	rddreg [dreg:$0x4]  }
0x6: {  	s6 =	rddreg [dreg:$0x5];
	s7 =	srdreg.scid  }
0x7: {  	s4 =	simm.s32 $0x0;
	s10 =	stileid.u32;
	s17 =	simm.s32 $0x2  }
0x8: {  	s18 =	simm.s32 $0x20;
	s19 =	simm.s32 $0x600;
	s20 =	simm.s32 $0x4600  }
0x9: {  	s21 =	simm.s32 $0x8600;
	s22 =	simm.s32 $0x60;
	s23 =	simm.s32 $0xC600  }
0xa: {  	s28 =	simm.s32 $0x14600;
	s29 =	simm.s32 $0x1;
	s7 =	sand.u32 $0x1, s7  }
0xb: {  	s10 =	sshll.u32 s10, $0x7;
	s8 =	ssub.s32 $0x2, s7;
	s7 =	sshll.u32 s7, $0x6  }
0xc: {  	v0 =	vlaneseq.u32;
	s30 =	simm.s32 $0x18800;
	[smem:$0x7FF] =	sst s4;
	s24 =	sor.u32 s7, s10  }
0xd: {  	v0 =	vmul.u32 $0x18, v0;
	_ =	strace $0x80000047;
	s9 =	sshrl.u32 s8, $0x1;
	s0 =	sadd.s32 s0, s24  }
0xe: {  	s8 =	ssub.s32 s8, s9;
	s25 =	sadd.s32 s3, s24;
	[dreg:$0x7] =	wrdreg s0  }
0xf: {  	v1 =	vor.u32 $0x1, v0;
	v2 =	vor.u32 $0x2, v0;
	v3 =	vor.u32 $0x3, v0;
	s7 =	sadd.s32 s6, s24;
	s26 =	sadd.s32 s5, s24;
	[dreg:$0x8] =	wrdreg s25  }
0x10: {  	v4 =	vor.u32 $0x4, v0;
	v5 =	vor.u32 $0x5, v0;
	v6 =	vor.u32 $0x6, v0;
	s3 =	simm.s32 $0x3;
	s24 =	simm.s32 $0x0;
	[dreg:$0x9] =	wrdreg s26  }
0x11: {  	v7 =	vor.u32 $0x7, v0;
	v8 =	vadd.s32 $0x8, v0;
	v9 =	vadd.s32 $0x9, v0;
	s31 =	sadd.s32 $0x4, s7;
	s10 =	sadd.s32 $0x10, s7;
	s11 =	sadd.s32 $0x20, s7  }
0x12: {  	v10 =	vadd.s32 $0xA, v0;
	v11 =	vadd.s32 $0xB, v0;
	v12 =	vadd.s32 $0xC, v0;
	s12 =	sadd.s32 $0x30, s7;
	s13 =	sadd.s32 $0x3C, s7;
	s14 =	smax.u32 s8, $0x1  }
0x13: {  	v13 =	vadd.s32 $0xD, v0;
	v14 =	vadd.s32 $0xE, v0;
	v15 =	vadd.s32 $0xF, v0;
	s25 =	simm.s32 $0x10600;
	s0 =	simm.s32 $0x80;
	[dreg:$0xa] =	wrdreg s31  }
.LBB2_1:
0x14: {  	s5 =	rddreg [dreg:$0x7]  }
0x15: {  	[tilespmem:s4], [sflag:$0x2] =	stream.linear.gather [hbm4b:s5+s4], $0x200, $0x38;
	[tilespmem:$0x18980] =	vst v63  }
0x16: {  	s15 =	rddreg [dreg:$0x8];
	s6 =	simm.s32 $0x200  }
0x17: {  	[tilespmem:s6], [sflag:$0x2] =	stream.linear.gather [hbm4b:s15+s4], $0x200, $0x38;
	[tilespmem:$0x18980] =	vst v63  }
0x18: {  	s16 =	rddreg [dreg:$0x9];
	s8 =	simm.s32 $0x400  }
0x19: {  	[tilespmem:s8], [sflag:$0x2] =	stream.linear.gather [hbm4b:s16+s4], $0x200, $0x38;
	[tilespmem:$0x18980] =	vst v63  }
0x1a: {  	_ =	swait.ge [sflag:s17], $0x200  }
0x1b: {  	[sflag:s17] =	ssyncset.done $0x0  }
0x1c: {  	[sflag:s17] =	ssyncadd.s32 $0xFFFFFE00  }
0x1d: {  	[tilespmem:s19], [sflag:$0x1] =	stream.indirect.gather [hbm4b:s1+s18], $0x80, s4, s18, $0xb8;
	[tilespmem:$0x18980] =	vst v63  }
0x1e: {  	_ =	swait.ge [sflag:s17], $0x200  }
0x1f: {  	[sflag:s17] =	ssyncset.done $0x0  }
0x20: {  	[sflag:s17] =	ssyncadd.s32 $0xFFFFFE00  }
0x21: {  	[tilespmem:s20], [sflag:$0x1] =	stream.indirect.gather [hbm4b:s2+s18], $0x80, s6, s18, $0xb8;
	[tilespmem:$0x18980] =	vst v63  }
0x22: {  	_ =	swait.ge [sflag:s17], $0x200  }
0x23: {  	[sflag:s17] =	ssyncset.done $0x0  }
0x24: {  	[sflag:s17] =	ssyncadd.s32 $0xFFFFFE00  }
0x25: {  	[tilespmem:s21], [sflag:$0x1] =	stream.indirect.gather [hbm4b:s1+s18], $0x80, s8, s18, $0xb8;
	[tilespmem:$0x18980] =	vst v63  }
0x26: {  	_ = 	snop  }
0x27: {  	[tilespmem:s23], [sflag:$0x2] =	stream.indirect.gather [hbm4b:s1+s22], $0x80, s18, s22, $0xb8;
	[tilespmem:$0x18980] =	vst v63  }
0x28: {  	s26 =	simm.s32 $0x220  }
0x29: {  	[tilespmem:s25], [sflag:$0x2] =	stream.indirect.gather [hbm4b:s2+s22], $0x80, s26, s22, $0xb8;
	[tilespmem:$0x18980] =	vst v63  }
0x2a: {  	s31 =	simm.s32 $0x420  }
0x2b: {  	[tilespmem:s28], [sflag:$0x2] =	stream.indirect.gather [hbm4b:s1+s22], $0x80, s31, s22, $0xb8;
	[tilespmem:$0x18980] =	vst v63  }
0x2c: {  	_ =	swait.ge [sflag:s29], $0x1000  }
0x2d: {  	[sflag:s29] =	ssyncset.done $0x0  }
0x2e: {  	[sflag:s29] =	ssyncadd.s32 $0xFFFFF000  }
0x2f: {  	_ =	swait.ge [sflag:s29], $0x1000  }
0x30: {  	[sflag:s29] =	ssyncset.done $0x0  }
0x31: {  	[sflag:s29] =	ssyncadd.s32 $0xFFFFF000  }
0x32: {  	_ =	swait.ge [sflag:s29], $0x1000  }
0x33: {  	[sflag:s29] =	ssyncset.done $0x0  }
0x34: {  	p1 =	por $0x1, $0x1;
	s26 =	simm.s32 $0x0;
	[sflag:s29] =	ssyncadd.s32 $0xFFFFF000  }
.LBB2_2:
0x35: {  	s5 =	sshll.u32 s26, $0x7  }
0x36: {  	s5 =	sand.u32 $0x3FFFFF80, s5  }
0x37: {  	s6 =	sadd.s32 $0x8670, s5  }
0x38: {  	v16 =	vmov s6;
	_ =	sdelay $0x2  }
0x39: {  	s16 =	sadd.s32 $0x640, s5  }
0x3a: {  	s31 =	simm.s32 $0x0;
	v17 =	vmov s16  }
0x3b: {  	v19 =	vld.idx.msk [tilespmem:v16+s31+$0xFFFFFFF0 ss:$0x1], $0xffff  }
0x3c: {  	s5 =	sadd.s32 $0x4670, s5;
	v20 =	vld.idx.msk [tilespmem:v16+s31+$0xFFFFFFE0 ss:$0x1], $0xffff  }
0x3d: {  	v18 =	vmov s5;
	v21 =	vld.idx.msk [tilespmem:v16+s31+$0xFFFFFFD0 ss:$0x1], $0xffff  }
0x3e: {  	v22 =	vld.idx.msk [tilespmem:v16+s31+$0xFFFFFFC0 ss:$0x1], $0xffff  }
0x3f: {  	v23 =	vld.idx.msk [tilespmem:v17+s31+$0xFFFFFFF0 ss:$0x1], $0xffff  }
0x40: {  	v24 =	vld.idx.msk [tilespmem:v16+s31+$0xFFFFFF90 ss:$0x1], $0xffff  }
0x41: {  	v25 =	vld.idx.msk [tilespmem:v17+s31+$0xFFFFFFE0 ss:$0x1], $0xffff  }
0x42: {  	v26 =	vld.idx.msk [tilespmem:v18+s31+$0xFFFFFF90 ss:$0x1], $0xffff  }
0x43: {  	v27 =	vld.idx.msk [tilespmem:v17+s31+$0xFFFFFFC0 ss:$0x1], $0xffff  }
0x44: {  	v28 =	vld.idx.msk [tilespmem:v17+s31+$0xFFFFFFD0 ss:$0x1], $0xffff  }
0x45: {  	v29 =	vld.idx.msk [tilespmem:v18+s31+$0xFFFFFFA0 ss:$0x1], $0xffff  }
0x46: {  	v30 =	vld.idx.msk [tilespmem:v18+s31+$0xFFFFFFB0 ss:$0x1], $0xffff  }
0x47: {  	v31 =	vld.idx.msk [tilespmem:v16+s31+$0xFFFFFFA0 ss:$0x1], $0xffff  }
0x48: {  	v32 =	vld.idx.msk [tilespmem:v18+s31+$0xFFFFFFC0 ss:$0x1], $0xffff  }
0x49: {  	v33 =	vld.idx.msk [tilespmem:v16+s31+$0xFFFFFFB0 ss:$0x1], $0xffff  }
0x4a: {  	v34 =	vld.idx.msk [tilespmem:v17+s31+$0x0 ss:$0x1], $0xffff;
	v26 =	vadd.f32 v26, v27;
	v27 =	vadd.f32 v29, v28  }
0x4b: {  	v28 =	vld.idx.msk [tilespmem:v18+s31+$0xFFFFFFD0 ss:$0x1], $0xffff;
	v25 =	vadd.f32 v30, v25  }
0x4c: {  	v29 =	vld.idx.msk [tilespmem:v17+s31+$0x10 ss:$0x1], $0xffff;
	v24 =	vsub.f32 v26, v24;
	v26 =	vsub.f32 v27, v31  }
0x4d: {  	v23 =	vadd.f32 v32, v23;
	v27 =	vld.idx.msk [tilespmem:v18+s31+$0xFFFFFFE0 ss:$0x1], $0xffff  }
0x4e: {  	v30 =	vld.idx.msk [tilespmem:v17+s31+$0x20 ss:$0x1], $0xffff;
	v25 =	vsub.f32 v25, v33;
	v24 =	vand.u32 $0x7FFFFFFF, v24;
	v26 =	vand.u32 $0x7FFFFFFF, v26  }
0x4f: {  	v31 =	vld.idx.msk [tilespmem:v18+s31+$0xFFFFFFF0 ss:$0x1], $0xffff;
	v24 =	vadd.f32 v26, v24  }
0x50: {  	v22 =	vsub.f32 v23, v22;
	v25 =	vand.u32 $0x7FFFFFFF, v25;
	v26 =	vld.idx.msk [tilespmem:v17+s31+$0x30 ss:$0x1], $0xffff;
	v23 =	vadd.f32 v28, v34  }
0x51: {  	v28 =	vld.idx.msk [tilespmem:v18+s31+$0x0 ss:$0x1], $0xffff;
	v24 =	vadd.f32 v25, v24  }
0x52: {  	v22 =	vand.u32 $0x7FFFFFFF, v22;
	v21 =	vsub.f32 v23, v21;
	v23 =	vadd.f32 v27, v29  }
0x53: {  	v25 =	vld.idx.msk [tilespmem:v16+s31+$0x0 ss:$0x1], $0xffff;
	v22 =	vadd.f32 v22, v24  }
0x54: {  	v21 =	vand.u32 $0x7FFFFFFF, v21;
	v20 =	vsub.f32 v23, v20;
	v23 =	vadd.f32 v31, v30  }
0x55: {  	v21 =	vadd.f32 v21, v22  }
0x56: {  	v20 =	vand.u32 $0x7FFFFFFF, v20;
	v19 =	vsub.f32 v23, v19;
	v22 =	vadd.f32 v28, v26  }
0x57: {  	v20 =	vadd.f32 v20, v21  }
0x58: {  	v19 =	vand.u32 $0x7FFFFFFF, v19;
	v21 =	vsub.f32 v22, v25  }
0x59: {  	v19 =	vadd.f32 v19, v20  }
0x5a: {  	v20 =	vand.u32 $0x7FFFFFFF, v21  }
0x5b: {  	v19 =	vadd.f32 v20, v19  }
0x5c: {  	s5 =	simm.s32 $0x18800  }
0x5d: {  	s6 =	simm.s32 $0x80;
	[tilespmem:s5+$0x0] =	vst v19  }
0x5e: {  	v19 =	vld.idx.msk [tilespmem:v16+s6+$0xFFFFFFF0 ss:$0x1], $0xffff  }
0x5f: {  	v20 =	vld.idx.msk [tilespmem:v16+s6+$0xFFFFFFE0 ss:$0x1], $0xffff  }
0x60: {  	v21 =	vld.idx.msk [tilespmem:v16+s6+$0xFFFFFFD0 ss:$0x1], $0xffff  }
0x61: {  	v22 =	vld.idx.msk [tilespmem:v16+s6+$0xFFFFFFC0 ss:$0x1], $0xffff  }
0x62: {  	v23 =	vld.idx.msk [tilespmem:v17+s6+$0xFFFFFFF0 ss:$0x1], $0xffff  }
0x63: {  	v24 =	vld.idx.msk [tilespmem:v16+s6+$0xFFFFFF90 ss:$0x1], $0xffff  }
0x64: {  	v25 =	vld.idx.msk [tilespmem:v17+s6+$0xFFFFFFE0 ss:$0x1], $0xffff  }
0x65: {  	v26 =	vld.idx.msk [tilespmem:v18+s6+$0xFFFFFF90 ss:$0x1], $0xffff  }
0x66: {  	v27 =	vld.idx.msk [tilespmem:v17+s6+$0xFFFFFFC0 ss:$0x1], $0xffff  }
0x67: {  	p0 =	por p1, p1;
	s8 =	simm.s32 $0x400;
	v28 =	vld.idx.msk [tilespmem:v17+s6+$0xFFFFFFD0 ss:$0x1], $0xffff  }
.LBB2_3:
0x68: {  	p1 =	sne.s32 s8, $0x1E00;
	v29 =	vld.idx.msk [tilespmem:v18+s6+$0xFFFFFFA0 ss:$0x1], $0xffff  }
0x69: {  	v30 =	vld.idx.msk [tilespmem:v18+s6+$0xFFFFFFB0 ss:$0x1], $0xffff  }
0x6a: {  	v31 =	vld.idx.msk [tilespmem:v16+s6+$0xFFFFFFA0 ss:$0x1], $0xffff  }
0x6b: {  	v32 =	vld.idx.msk [tilespmem:v18+s6+$0xFFFFFFC0 ss:$0x1], $0xffff  }
0x6c: {  	v33 =	vld.idx.msk [tilespmem:v16+s6+$0xFFFFFFB0 ss:$0x1], $0xffff  }
0x6d: {  	v34 =	vld.idx.msk [tilespmem:v17+s6+$0x0 ss:$0x1], $0xffff  }
0x6e: {  	v26 =	vadd.f32 v26, v27;
	v27 =	vadd.f32 v29, v28;
	v28 =	vld.idx.msk [tilespmem:v18+s6+$0xFFFFFFD0 ss:$0x1], $0xffff  }
0x6f: {  	v25 =	vadd.f32 v30, v25;
	v29 =	vld.idx.msk [tilespmem:v17+s6+$0x10 ss:$0x1], $0xffff  }
0x70: {  	v24 =	vsub.f32 v26, v24;
	v26 =	vsub.f32 v27, v31;
	v27 =	vld.idx.msk [tilespmem:v18+s6+$0xFFFFFFE0 ss:$0x1], $0xffff  }
0x71: {  	v23 =	vadd.f32 v32, v23;
	v30 =	vld.idx.msk [tilespmem:v17+s6+$0x20 ss:$0x1], $0xffff  }
0x72: {  	v24 =	vand.u32 $0x7FFFFFFF, v24;
	v26 =	vand.u32 $0x7FFFFFFF, v26;
	v25 =	vsub.f32 v25, v33;
	v31 =	vld.idx.msk [tilespmem:v18+s6+$0xFFFFFFF0 ss:$0x1], $0xffff  }
0x73: {  	v24 =	vadd.f32 v26, v24;
	v26 =	vld.idx.msk [tilespmem:v17+s6+$0x30 ss:$0x1], $0xffff  }
0x74: {  	v22 =	vsub.f32 v23, v22;
	v25 =	vand.u32 $0x7FFFFFFF, v25;
	v23 =	vadd.f32 v28, v34;
	v28 =	vld.idx.msk [tilespmem:v18+s6+$0x0 ss:$0x1], $0xffff  }
0x75: {  	v24 =	vadd.f32 v25, v24  }
0x76: {  	v22 =	vand.u32 $0x7FFFFFFF, v22;
	v21 =	vsub.f32 v23, v21;
	v23 =	vadd.f32 v27, v29;
	v25 =	vld.idx.msk [tilespmem:v16+s6+$0x0 ss:$0x1], $0xffff  }
0x77: {  	v22 =	vadd.f32 v22, v24  }
0x78: {  	v21 =	vand.u32 $0x7FFFFFFF, v21;
	v20 =	vsub.f32 v23, v20;
	v23 =	vadd.f32 v31, v30  }
0x79: {  	v21 =	vadd.f32 v21, v22  }
0x7a: {  	v20 =	vand.u32 $0x7FFFFFFF, v20;
	v19 =	vsub.f32 v23, v19;
	v22 =	vadd.f32 v28, v26  }
0x7b: {  	v20 =	vadd.f32 v20, v21  }
0x7c: {  	v19 =	vand.u32 $0x7FFFFFFF, v19;
	v21 =	vsub.f32 v22, v25  }
0x7d: {  	v19 =	vadd.f32 v19, v20  }
0x7e: {  	v20 =	vand.u32 $0x7FFFFFFF, v21  }
0x7f: {  	v19 =	vadd.f32 v20, v19  }
0x80: {  	s5 =	sadd.s32 $0x18, s5  }
0x81: {  	s6 =	sshra.s32 s8, $0x2;
	[tilespmem:s5+$0x0] =	vst v19  }
0x82: {  	v19 =	vld.idx.msk [tilespmem:v16+s6+$0xFFFFFFF0 ss:$0x1], $0xffff  }
0x83: {  	v20 =	vld.idx.msk [tilespmem:v16+s6+$0xFFFFFFE0 ss:$0x1], $0xffff  }
0x84: {  	v21 =	vld.idx.msk [tilespmem:v16+s6+$0xFFFFFFD0 ss:$0x1], $0xffff  }
0x85: {  	v22 =	vld.idx.msk [tilespmem:v16+s6+$0xFFFFFFC0 ss:$0x1], $0xffff  }
0x86: {  	v23 =	vld.idx.msk [tilespmem:v17+s6+$0xFFFFFFF0 ss:$0x1], $0xffff  }
.Ltmp0:
0x87: {  	v24 =	vld.idx.msk [tilespmem:v16+s6+$0xFFFFFF90 ss:$0x1], $0xffff;
	(pc) =	sbr.rel @p1 .LBB2_3-.Ltmp0, $4  }
0x88: {  	v25 =	vld.idx.msk [tilespmem:v17+s6+$0xFFFFFFE0 ss:$0x1], $0xffff  }
0x89: {  	v26 =	vld.idx.msk [tilespmem:v18+s6+$0xFFFFFF90 ss:$0x1], $0xffff  }
0x8a: {  	v27 =	vld.idx.msk [tilespmem:v17+s6+$0xFFFFFFC0 ss:$0x1], $0xffff  }
0x8b: {  	s8 =	sadd.s32 $0x200, s8;
	v28 =	vld.idx.msk [tilespmem:v17+s6+$0xFFFFFFD0 ss:$0x1], $0xffff  }
0x8c: {  	_ =	sdelay $0x3  }
0x8d: {  	v29 =	vld.idx.msk [tilespmem:v18+s6+$0xFFFFFFA0 ss:$0x1], $0xffff  }
0x8e: {  	v30 =	vld.idx.msk [tilespmem:v18+s6+$0xFFFFFFB0 ss:$0x1], $0xffff  }
0x8f: {  	v31 =	vld.idx.msk [tilespmem:v16+s6+$0xFFFFFFA0 ss:$0x1], $0xffff  }
0x90: {  	v32 =	vld.idx.msk [tilespmem:v18+s6+$0xFFFFFFC0 ss:$0x1], $0xffff  }
0x91: {  	v33 =	vld.idx.msk [tilespmem:v16+s6+$0xFFFFFFB0 ss:$0x1], $0xffff  }
0x92: {  	v34 =	vld.idx.msk [tilespmem:v17+s6+$0x0 ss:$0x1], $0xffff;
	v26 =	vadd.f32 v26, v27;
	v42 =	vadd.f32 v29, v28  }
0x93: {  	v43 =	vld.idx.msk [tilespmem:v18+s6+$0xFFFFFFD0 ss:$0x1], $0xffff;
	v25 =	vadd.f32 v30, v25  }
0x94: {  	v44 =	vld.idx.msk [tilespmem:v17+s6+$0x10 ss:$0x1], $0xffff;
	v24 =	vsub.f32 v26, v24;
	v45 =	vsub.f32 v42, v31  }
0x95: {  	v46 =	vld.idx.msk [tilespmem:v18+s6+$0xFFFFFFE0 ss:$0x1], $0xffff;
	v23 =	vadd.f32 v32, v23  }
0x96: {  	v47 =	vld.idx.msk [tilespmem:v17+s6+$0x20 ss:$0x1], $0xffff;
	v24 =	vand.u32 $0x7FFFFFFF, v24;
	v25 =	vsub.f32 v25, v33;
	v26 =	vand.u32 $0x7FFFFFFF, v45  }
0x97: {  	v48 =	vld.idx.msk [tilespmem:v18+s6+$0xFFFFFFF0 ss:$0x1], $0xffff;
	v24 =	vadd.f32 v26, v24  }
0x98: {  	v17 =	vld.idx.msk [tilespmem:v17+s6+$0x30 ss:$0x1], $0xffff;
	v49 =	vadd.f32 v43, v34;
	v22 =	vsub.f32 v23, v22;
	v25 =	vand.u32 $0x7FFFFFFF, v25  }
0x99: {  	v50 =	vld.idx.msk [tilespmem:v18+s6+$0x0 ss:$0x1], $0xffff;
	v24 =	vadd.f32 v25, v24  }
0x9a: {  	v51 =	vadd.f32 v46, v44;
	v21 =	vsub.f32 v49, v21;
	v22 =	vand.u32 $0x7FFFFFFF, v22  }
0x9b: {  	v16 =	vld.idx.msk [tilespmem:v16+s6+$0x0 ss:$0x1], $0xffff;
	v22 =	vadd.f32 v22, v24  }
0x9c: {  	v52 =	vadd.f32 v48, v47;
	v20 =	vsub.f32 v51, v20;
	v21 =	vand.u32 $0x7FFFFFFF, v21  }
0x9d: {  	v21 =	vadd.f32 v21, v22  }
0x9e: {  	v17 =	vadd.f32 v50, v17;
	v19 =	vsub.f32 v52, v19;
	v20 =	vand.u32 $0x7FFFFFFF, v20  }
0x9f: {  	v53 =	vadd.f32 v20, v21  }
0xa0: {  	v16 =	vsub.f32 v17, v16;
	v19 =	vand.u32 $0x7FFFFFFF, v19  }
0xa1: {  	v17 =	vadd.f32 v19, v53  }
0xa2: {  	v16 =	vand.u32 $0x7FFFFFFF, v16  }
0xa3: {  	v16 =	vadd.f32 v16, v17  }
0xa4: {  	s5 =	sadd.s32 $0x18, s5  }
0xa5: {  	[tilespmem:s5+$0x0] =	vst v16  }
0xa6: {  	v16 =	vld.idx.msk [tilespmem:v0+s30+$0x0], $0xffff  }
0xa7: {  	v17 =	vld.idx.msk [tilespmem:v1+s30+$0x0], $0xffff;
	_ =	sdelay $0x1  }
0xa8: {  	v54 =	vld.idx.msk [tilespmem:v2+s30+$0x0], $0xffff;
	_ =	sdelay $0x1  }
0xa9: {  	v55 =	vld.idx.msk [tilespmem:v3+s30+$0x0], $0xffff  }
0xaa: {  	v16 =	vadd.f32 v17, v16  }
0xab: {  	v17 =	vld.idx.msk [tilespmem:v4+s30+$0x0], $0xffff  }
0xac: {  	v16 =	vadd.f32 v54, v16  }
0xad: {  	v56 =	vld.idx.msk [tilespmem:v5+s30+$0x0], $0xffff  }
0xae: {  	v16 =	vadd.f32 v55, v16  }
0xaf: {  	v57 =	vld.idx.msk [tilespmem:v6+s30+$0x0], $0xffff  }
0xb0: {  	v16 =	vadd.f32 v17, v16  }
0xb1: {  	v17 =	vld.idx.msk [tilespmem:v7+s30+$0x0], $0xffff  }
0xb2: {  	v16 =	vadd.f32 v56, v16  }
0xb3: {  	v58 =	vld.idx.msk [tilespmem:v8+s30+$0x0], $0xffff  }
0xb4: {  	v16 =	vadd.f32 v57, v16  }
0xb5: {  	v59 =	vld.idx.msk [tilespmem:v9+s30+$0x0], $0xffff  }
0xb6: {  	v16 =	vadd.f32 v17, v16  }
0xb7: {  	v17 =	vld.idx.msk [tilespmem:v10+s30+$0x0], $0xffff  }
0xb8: {  	v16 =	vadd.f32 v58, v16  }
0xb9: {  	v60 =	vld.idx.msk [tilespmem:v11+s30+$0x0], $0xffff  }
0xba: {  	v16 =	vadd.f32 v59, v16  }
0xbb: {  	v61 =	vld.idx.msk [tilespmem:v12+s30+$0x0], $0xffff  }
0xbc: {  	v16 =	vadd.f32 v17, v16  }
0xbd: {  	v17 =	vld.idx.msk [tilespmem:v13+s30+$0x0], $0xffff  }
0xbe: {  	v16 =	vadd.f32 v60, v16  }
0xbf: {  	v62 =	vld.idx.msk [tilespmem:v14+s30+$0x0], $0xffff  }
0xc0: {  	v16 =	vadd.f32 v61, v16  }
0xc1: {  	v63 =	vld.idx.msk [tilespmem:v15+s30+$0x0], $0xffff  }
0xc2: {  	v16 =	vadd.f32 v17, v16;
	_ =	sdelay $0x1  }
0xc3: {  	v16 =	vadd.f32 v62, v16;
	_ =	sdelay $0x1  }
.Ltmp1:
0xc4: {  	v16 =	vadd.f32 v63, v16;
	(pc) =	sbr.rel @p0 .LBB2_2-.Ltmp1, $3  }
0xc5: {  	_ = 	snop  }
0xc6: {  	v16 =	vsub.f32 $0.0e+00, v16;
	_ =	sdelay $0x1  }
0xc7: {  	p1 =	por $0x0, $0x0;
	[tilespmem:s26+$0x18600] =	vst v16;
	s26 =	simm.s32 $0x10  }
0xc8: {  	s26 =	simm.s32 $0x0;
	s5 =	simm.s32 $0x18600  }
0xc9: {  	[hbm4b:s7+s26] =	stream.linear.scatter [tilespmem:s5], [sflag:$0x3], $0x20, $0x38;
	[tilespmem:$0x18980] =	vst v63  }
0xca: {  	_ = 	snop  }
0xcb: {  	[tilespmem:s19], [sflag:$0x1] =	stream.indirect.gather [hbm4b:s1+s0], $0x80, s0, s0, $0xb8;
	[tilespmem:$0x18980] =	vst v63  }
0xcc: {  	s15 =	simm.s32 $0x280  }
0xcd: {  	[tilespmem:s20], [sflag:$0x1] =	stream.indirect.gather [hbm4b:s2+s0], $0x80, s15, s0, $0xb8;
	[tilespmem:$0x18980] =	vst v63  }
0xce: {  	s16 =	simm.s32 $0x480  }
0xcf: {  	[tilespmem:s21], [sflag:$0x1] =	stream.indirect.gather [hbm4b:s1+s0], $0x80, s16, s0, $0xb8;
	[tilespmem:$0x18980] =	vst v63  }
0xd0: {  	_ =	swait.ge [sflag:s17], $0x3000  }
0xd1: {  	[sflag:s17] =	ssyncset.done $0x0  }
0xd2: {  	[sflag:s17] =	ssyncadd.s32 $0xFFFFD000  }
0xd3: {  	_ =	swait.ge [sflag:s17], $0x3000  }
0xd4: {  	[sflag:s17] =	ssyncset.done $0x0  }
0xd5: {  	[sflag:s17] =	ssyncadd.s32 $0xFFFFD000  }
0xd6: {  	_ =	swait.ge [sflag:s17], $0x3000  }
0xd7: {  	s31 =	simm.s32 $0xC640;
	[sflag:s17] =	ssyncset.done $0x0  }
0xd8: {  	s15 =	simm.s32 $0x10670;
	s16 =	simm.s32 $0x14670;
	[sflag:s17] =	ssyncadd.s32 $0xFFFFD000  }
.LBB2_6:
0xd9: {  	v16 =	vmov s16;
	_ =	sdelay $0x3  }
0xda: {  	v17 =	vmov s31;
	s5 =	simm.s32 $0x0  }
0xdb: {  	v19 =	vld.idx.msk [tilespmem:v16+s5+$0xFFFFFFF0 ss:$0x1], $0xffff  }
0xdc: {  	v20 =	vld.idx.msk [tilespmem:v16+s5+$0xFFFFFFE0 ss:$0x1], $0xffff  }
0xdd: {  	v18 =	vmov s15;
	v21 =	vld.idx.msk [tilespmem:v16+s5+$0xFFFFFFD0 ss:$0x1], $0xffff  }
0xde: {  	v22 =	vld.idx.msk [tilespmem:v16+s5+$0xFFFFFFC0 ss:$0x1], $0xffff  }
0xdf: {  	v23 =	vld.idx.msk [tilespmem:v17+s5+$0xFFFFFFF0 ss:$0x1], $0xffff  }
0xe0: {  	v24 =	vld.idx.msk [tilespmem:v16+s5+$0xFFFFFF90 ss:$0x1], $0xffff  }
0xe1: {  	v25 =	vld.idx.msk [tilespmem:v17+s5+$0xFFFFFFE0 ss:$0x1], $0xffff  }
0xe2: {  	v26 =	vld.idx.msk [tilespmem:v18+s5+$0xFFFFFF90 ss:$0x1], $0xffff  }
0xe3: {  	v27 =	vld.idx.msk [tilespmem:v17+s5+$0xFFFFFFC0 ss:$0x1], $0xffff  }
0xe4: {  	v28 =	vld.idx.msk [tilespmem:v17+s5+$0xFFFFFFD0 ss:$0x1], $0xffff  }
0xe5: {  	v29 =	vld.idx.msk [tilespmem:v18+s5+$0xFFFFFFA0 ss:$0x1], $0xffff  }
0xe6: {  	v30 =	vld.idx.msk [tilespmem:v18+s5+$0xFFFFFFB0 ss:$0x1], $0xffff  }
0xe7: {  	v31 =	vld.idx.msk [tilespmem:v16+s5+$0xFFFFFFA0 ss:$0x1], $0xffff  }
0xe8: {  	v32 =	vld.idx.msk [tilespmem:v18+s5+$0xFFFFFFC0 ss:$0x1], $0xffff  }
0xe9: {  	v33 =	vld.idx.msk [tilespmem:v16+s5+$0xFFFFFFB0 ss:$0x1], $0xffff  }
0xea: {  	v34 =	vld.idx.msk [tilespmem:v17+s5+$0x0 ss:$0x1], $0xffff;
	v26 =	vadd.f32 v26, v27;
	v27 =	vadd.f32 v29, v28  }
0xeb: {  	v28 =	vld.idx.msk [tilespmem:v18+s5+$0xFFFFFFD0 ss:$0x1], $0xffff;
	v25 =	vadd.f32 v30, v25  }
0xec: {  	v29 =	vld.idx.msk [tilespmem:v17+s5+$0x10 ss:$0x1], $0xffff;
	v24 =	vsub.f32 v26, v24;
	v26 =	vsub.f32 v27, v31  }
0xed: {  	v23 =	vadd.f32 v32, v23;
	v27 =	vld.idx.msk [tilespmem:v18+s5+$0xFFFFFFE0 ss:$0x1], $0xffff  }
0xee: {  	v30 =	vld.idx.msk [tilespmem:v17+s5+$0x20 ss:$0x1], $0xffff;
	v25 =	vsub.f32 v25, v33;
	v24 =	vand.u32 $0x7FFFFFFF, v24;
	v26 =	vand.u32 $0x7FFFFFFF, v26  }
0xef: {  	v31 =	vld.idx.msk [tilespmem:v18+s5+$0xFFFFFFF0 ss:$0x1], $0xffff;
	v24 =	vadd.f32 v26, v24  }
0xf0: {  	v22 =	vsub.f32 v23, v22;
	v25 =	vand.u32 $0x7FFFFFFF, v25;
	v26 =	vld.idx.msk [tilespmem:v17+s5+$0x30 ss:$0x1], $0xffff;
	v23 =	vadd.f32 v28, v34  }
0xf1: {  	v28 =	vld.idx.msk [tilespmem:v18+s5+$0x0 ss:$0x1], $0xffff;
	v24 =	vadd.f32 v25, v24  }
0xf2: {  	v22 =	vand.u32 $0x7FFFFFFF, v22;
	v21 =	vsub.f32 v23, v21;
	v23 =	vadd.f32 v27, v29  }
0xf3: {  	v25 =	vld.idx.msk [tilespmem:v16+s5+$0x0 ss:$0x1], $0xffff;
	v22 =	vadd.f32 v22, v24  }
0xf4: {  	v21 =	vand.u32 $0x7FFFFFFF, v21;
	v20 =	vsub.f32 v23, v20;
	v23 =	vadd.f32 v31, v30  }
0xf5: {  	v21 =	vadd.f32 v21, v22  }
0xf6: {  	v20 =	vand.u32 $0x7FFFFFFF, v20;
	v19 =	vsub.f32 v23, v19;
	v22 =	vadd.f32 v28, v26  }
0xf7: {  	v20 =	vadd.f32 v20, v21  }
0xf8: {  	v19 =	vand.u32 $0x7FFFFFFF, v19;
	v21 =	vsub.f32 v22, v25  }
0xf9: {  	v19 =	vadd.f32 v19, v20  }
0xfa: {  	v20 =	vand.u32 $0x7FFFFFFF, v21  }
0xfb: {  	v19 =	vadd.f32 v20, v19  }
0xfc: {  	s6 =	simm.s32 $0x18800  }
0xfd: {  	s8 =	simm.s32 $0x80;
	[tilespmem:s6+$0x0] =	vst v19  }
0xfe: {  	v19 =	vld.idx.msk [tilespmem:v16+s8+$0xFFFFFFF0 ss:$0x1], $0xffff  }
0xff: {  	v20 =	vld.idx.msk [tilespmem:v16+s8+$0xFFFFFFE0 ss:$0x1], $0xffff  }
0x100: {  	v21 =	vld.idx.msk [tilespmem:v16+s8+$0xFFFFFFD0 ss:$0x1], $0xffff  }
0x101: {  	v22 =	vld.idx.msk [tilespmem:v16+s8+$0xFFFFFFC0 ss:$0x1], $0xffff  }
0x102: {  	v23 =	vld.idx.msk [tilespmem:v17+s8+$0xFFFFFFF0 ss:$0x1], $0xffff  }
0x103: {  	v24 =	vld.idx.msk [tilespmem:v16+s8+$0xFFFFFF90 ss:$0x1], $0xffff  }
0x104: {  	v25 =	vld.idx.msk [tilespmem:v17+s8+$0xFFFFFFE0 ss:$0x1], $0xffff  }
0x105: {  	v26 =	vld.idx.msk [tilespmem:v18+s8+$0xFFFFFF90 ss:$0x1], $0xffff  }
0x106: {  	v27 =	vld.idx.msk [tilespmem:v17+s8+$0xFFFFFFC0 ss:$0x1], $0xffff  }
0x107: {  	s9 =	simm.s32 $0x400;
	s5 =	sshll.u32 s26, $0x4;
	v28 =	vld.idx.msk [tilespmem:v17+s8+$0xFFFFFFD0 ss:$0x1], $0xffff  }
.LBB2_7:
0x108: {  	p0 =	sne.s32 s9, $0x1E00;
	v29 =	vld.idx.msk [tilespmem:v18+s8+$0xFFFFFFA0 ss:$0x1], $0xffff  }
0x109: {  	v30 =	vld.idx.msk [tilespmem:v18+s8+$0xFFFFFFB0 ss:$0x1], $0xffff  }
0x10a: {  	v31 =	vld.idx.msk [tilespmem:v16+s8+$0xFFFFFFA0 ss:$0x1], $0xffff  }
0x10b: {  	v32 =	vld.idx.msk [tilespmem:v18+s8+$0xFFFFFFC0 ss:$0x1], $0xffff  }
0x10c: {  	v33 =	vld.idx.msk [tilespmem:v16+s8+$0xFFFFFFB0 ss:$0x1], $0xffff  }
0x10d: {  	v34 =	vld.idx.msk [tilespmem:v17+s8+$0x0 ss:$0x1], $0xffff  }
0x10e: {  	v26 =	vadd.f32 v26, v27;
	v27 =	vadd.f32 v29, v28;
	v28 =	vld.idx.msk [tilespmem:v18+s8+$0xFFFFFFD0 ss:$0x1], $0xffff  }
0x10f: {  	v25 =	vadd.f32 v30, v25;
	v29 =	vld.idx.msk [tilespmem:v17+s8+$0x10 ss:$0x1], $0xffff  }
0x110: {  	v24 =	vsub.f32 v26, v24;
	v26 =	vsub.f32 v27, v31;
	v27 =	vld.idx.msk [tilespmem:v18+s8+$0xFFFFFFE0 ss:$0x1], $0xffff  }
0x111: {  	v23 =	vadd.f32 v32, v23;
	v30 =	vld.idx.msk [tilespmem:v17+s8+$0x20 ss:$0x1], $0xffff  }
0x112: {  	v24 =	vand.u32 $0x7FFFFFFF, v24;
	v26 =	vand.u32 $0x7FFFFFFF, v26;
	v25 =	vsub.f32 v25, v33;
	v31 =	vld.idx.msk [tilespmem:v18+s8+$0xFFFFFFF0 ss:$0x1], $0xffff  }
0x113: {  	v24 =	vadd.f32 v26, v24;
	v26 =	vld.idx.msk [tilespmem:v17+s8+$0x30 ss:$0x1], $0xffff  }
0x114: {  	v22 =	vsub.f32 v23, v22;
	v25 =	vand.u32 $0x7FFFFFFF, v25;
	v23 =	vadd.f32 v28, v34;
	v28 =	vld.idx.msk [tilespmem:v18+s8+$0x0 ss:$0x1], $0xffff  }
0x115: {  	v24 =	vadd.f32 v25, v24  }
0x116: {  	v22 =	vand.u32 $0x7FFFFFFF, v22;
	v21 =	vsub.f32 v23, v21;
	v23 =	vadd.f32 v27, v29;
	v25 =	vld.idx.msk [tilespmem:v16+s8+$0x0 ss:$0x1], $0xffff  }
0x117: {  	v22 =	vadd.f32 v22, v24  }
0x118: {  	v21 =	vand.u32 $0x7FFFFFFF, v21;
	v20 =	vsub.f32 v23, v20;
	v23 =	vadd.f32 v31, v30  }
0x119: {  	v21 =	vadd.f32 v21, v22  }
0x11a: {  	v20 =	vand.u32 $0x7FFFFFFF, v20;
	v19 =	vsub.f32 v23, v19;
	v22 =	vadd.f32 v28, v26  }
0x11b: {  	v20 =	vadd.f32 v20, v21  }
0x11c: {  	v19 =	vand.u32 $0x7FFFFFFF, v19;
	v21 =	vsub.f32 v22, v25  }
0x11d: {  	v19 =	vadd.f32 v19, v20  }
0x11e: {  	v20 =	vand.u32 $0x7FFFFFFF, v21  }
0x11f: {  	v19 =	vadd.f32 v20, v19  }
0x120: {  	s6 =	sadd.s32 $0x18, s6  }
0x121: {  	s8 =	sshra.s32 s9, $0x2;
	[tilespmem:s6+$0x0] =	vst v19  }
0x122: {  	v19 =	vld.idx.msk [tilespmem:v16+s8+$0xFFFFFFF0 ss:$0x1], $0xffff  }
0x123: {  	v20 =	vld.idx.msk [tilespmem:v16+s8+$0xFFFFFFE0 ss:$0x1], $0xffff  }
0x124: {  	v21 =	vld.idx.msk [tilespmem:v16+s8+$0xFFFFFFD0 ss:$0x1], $0xffff  }
0x125: {  	v22 =	vld.idx.msk [tilespmem:v16+s8+$0xFFFFFFC0 ss:$0x1], $0xffff  }
0x126: {  	v23 =	vld.idx.msk [tilespmem:v17+s8+$0xFFFFFFF0 ss:$0x1], $0xffff  }
.Ltmp2:
0x127: {  	v24 =	vld.idx.msk [tilespmem:v16+s8+$0xFFFFFF90 ss:$0x1], $0xffff;
	(pc) =	sbr.rel @p0 .LBB2_7-.Ltmp2, $4  }
0x128: {  	v25 =	vld.idx.msk [tilespmem:v17+s8+$0xFFFFFFE0 ss:$0x1], $0xffff  }
0x129: {  	v26 =	vld.idx.msk [tilespmem:v18+s8+$0xFFFFFF90 ss:$0x1], $0xffff  }
0x12a: {  	v27 =	vld.idx.msk [tilespmem:v17+s8+$0xFFFFFFC0 ss:$0x1], $0xffff  }
0x12b: {  	s9 =	sadd.s32 $0x200, s9;
	v28 =	vld.idx.msk [tilespmem:v17+s8+$0xFFFFFFD0 ss:$0x1], $0xffff  }
0x12c: {  	_ =	sdelay $0x3  }
0x12d: {  	v29 =	vld.idx.msk [tilespmem:v18+s8+$0xFFFFFFA0 ss:$0x1], $0xffff  }
0x12e: {  	v30 =	vld.idx.msk [tilespmem:v18+s8+$0xFFFFFFB0 ss:$0x1], $0xffff  }
0x12f: {  	v31 =	vld.idx.msk [tilespmem:v16+s8+$0xFFFFFFA0 ss:$0x1], $0xffff  }
0x130: {  	v32 =	vld.idx.msk [tilespmem:v18+s8+$0xFFFFFFC0 ss:$0x1], $0xffff  }
0x131: {  	v33 =	vld.idx.msk [tilespmem:v16+s8+$0xFFFFFFB0 ss:$0x1], $0xffff  }
0x132: {  	v34 =	vld.idx.msk [tilespmem:v17+s8+$0x0 ss:$0x1], $0xffff;
	v26 =	vadd.f32 v26, v27;
	v42 =	vadd.f32 v29, v28  }
0x133: {  	v43 =	vld.idx.msk [tilespmem:v18+s8+$0xFFFFFFD0 ss:$0x1], $0xffff;
	v25 =	vadd.f32 v30, v25  }
0x134: {  	v44 =	vld.idx.msk [tilespmem:v17+s8+$0x10 ss:$0x1], $0xffff;
	v24 =	vsub.f32 v26, v24;
	v45 =	vsub.f32 v42, v31  }
0x135: {  	v46 =	vld.idx.msk [tilespmem:v18+s8+$0xFFFFFFE0 ss:$0x1], $0xffff;
	v23 =	vadd.f32 v32, v23  }
0x136: {  	v47 =	vld.idx.msk [tilespmem:v17+s8+$0x20 ss:$0x1], $0xffff;
	v24 =	vand.u32 $0x7FFFFFFF, v24;
	v25 =	vsub.f32 v25, v33;
	v26 =	vand.u32 $0x7FFFFFFF, v45  }
0x137: {  	v48 =	vld.idx.msk [tilespmem:v18+s8+$0xFFFFFFF0 ss:$0x1], $0xffff;
	v24 =	vadd.f32 v26, v24  }
0x138: {  	v17 =	vld.idx.msk [tilespmem:v17+s8+$0x30 ss:$0x1], $0xffff;
	v49 =	vadd.f32 v43, v34;
	v22 =	vsub.f32 v23, v22;
	v25 =	vand.u32 $0x7FFFFFFF, v25  }
0x139: {  	v50 =	vld.idx.msk [tilespmem:v18+s8+$0x0 ss:$0x1], $0xffff;
	v24 =	vadd.f32 v25, v24  }
0x13a: {  	v51 =	vadd.f32 v46, v44;
	v21 =	vsub.f32 v49, v21;
	v22 =	vand.u32 $0x7FFFFFFF, v22  }
0x13b: {  	v16 =	vld.idx.msk [tilespmem:v16+s8+$0x0 ss:$0x1], $0xffff;
	v22 =	vadd.f32 v22, v24  }
0x13c: {  	v52 =	vadd.f32 v48, v47;
	v20 =	vsub.f32 v51, v20;
	v21 =	vand.u32 $0x7FFFFFFF, v21  }
0x13d: {  	v21 =	vadd.f32 v21, v22  }
0x13e: {  	v17 =	vadd.f32 v50, v17;
	v19 =	vsub.f32 v52, v19;
	v20 =	vand.u32 $0x7FFFFFFF, v20  }
0x13f: {  	v53 =	vadd.f32 v20, v21  }
0x140: {  	v16 =	vsub.f32 v17, v16;
	v19 =	vand.u32 $0x7FFFFFFF, v19  }
0x141: {  	v17 =	vadd.f32 v19, v53  }
0x142: {  	v16 =	vand.u32 $0x7FFFFFFF, v16  }
0x143: {  	v16 =	vadd.f32 v16, v17  }
0x144: {  	s6 =	sadd.s32 $0x18, s6  }
0x145: {  	[tilespmem:s6+$0x0] =	vst v16  }
0x146: {  	v16 =	vld.idx.msk [tilespmem:v0+s30+$0x0], $0xffff  }
0x147: {  	v17 =	vld.idx.msk [tilespmem:v1+s30+$0x0], $0xffff;
	_ =	sdelay $0x1  }
0x148: {  	v54 =	vld.idx.msk [tilespmem:v2+s30+$0x0], $0xffff;
	_ =	sdelay $0x1  }
0x149: {  	v55 =	vld.idx.msk [tilespmem:v3+s30+$0x0], $0xffff  }
0x14a: {  	v16 =	vadd.f32 v17, v16  }
0x14b: {  	v17 =	vld.idx.msk [tilespmem:v4+s30+$0x0], $0xffff  }
0x14c: {  	v16 =	vadd.f32 v54, v16  }
0x14d: {  	v56 =	vld.idx.msk [tilespmem:v5+s30+$0x0], $0xffff  }
0x14e: {  	v16 =	vadd.f32 v55, v16  }
0x14f: {  	v57 =	vld.idx.msk [tilespmem:v6+s30+$0x0], $0xffff  }
0x150: {  	v16 =	vadd.f32 v17, v16  }
0x151: {  	v17 =	vld.idx.msk [tilespmem:v7+s30+$0x0], $0xffff  }
0x152: {  	v16 =	vadd.f32 v56, v16  }
0x153: {  	v58 =	vld.idx.msk [tilespmem:v8+s30+$0x0], $0xffff  }
0x154: {  	v16 =	vadd.f32 v57, v16  }
0x155: {  	v59 =	vld.idx.msk [tilespmem:v9+s30+$0x0], $0xffff  }
0x156: {  	v16 =	vadd.f32 v17, v16  }
0x157: {  	v17 =	vld.idx.msk [tilespmem:v10+s30+$0x0], $0xffff  }
0x158: {  	v16 =	vadd.f32 v58, v16  }
0x159: {  	v60 =	vld.idx.msk [tilespmem:v11+s30+$0x0], $0xffff  }
0x15a: {  	v16 =	vadd.f32 v59, v16  }
0x15b: {  	v61 =	vld.idx.msk [tilespmem:v12+s30+$0x0], $0xffff  }
0x15c: {  	v16 =	vadd.f32 v17, v16  }
0x15d: {  	v17 =	vld.idx.msk [tilespmem:v13+s30+$0x0], $0xffff  }
0x15e: {  	v16 =	vadd.f32 v60, v16  }
0x15f: {  	v62 =	vld.idx.msk [tilespmem:v14+s30+$0x0], $0xffff  }
0x160: {  	v16 =	vadd.f32 v61, v16  }
0x161: {  	v63 =	vld.idx.msk [tilespmem:v15+s30+$0x0], $0xffff  }
0x162: {  	v16 =	vadd.f32 v17, v16;
	_ =	sdelay $0x1  }
0x163: {  	s26 =	sadd.s32 $0x1, s26;
	v16 =	vadd.f32 v62, v16  }
0x164: {  	p0 =	sne.s32 s26, $0x6  }
.Ltmp3:
0x165: {  	v16 =	vadd.f32 v63, v16;
	(pc) =	sbr.rel @p0 .LBB2_6-.Ltmp3, $3  }
0x166: {  	_ = 	snop  }
0x167: {  	v16 =	vsub.f32 $0.0e+00, v16;
	_ =	sdelay $0x1  }
0x168: {  	s31 =	sadd.s32 $0x800, s31;
	s15 =	sadd.s32 $0x800, s15;
	s16 =	sadd.s32 $0x800, s16;
	[tilespmem:s5+$0x18620] =	vst v16  }
0x169: {  	s26 =	simm.s32 $0x0;
	s5 =	rddreg [dreg:$0xa];
	s6 =	simm.s32 $0x18620  }
0x16a: {  	[hbm4b:s5+s26] =	stream.linear.scatter [tilespmem:s6], [sflag:$0x3], $0x60, $0x38;
	[tilespmem:$0x18980] =	vst v63  }
0x16b: {  	s9 =	simm.s32 $0x100  }
0x16c: {  	[tilespmem:s23], [sflag:$0x2] =	stream.indirect.gather [hbm4b:s1+s0], $0x80, s9, s0, $0xb8;
	[tilespmem:$0x18980] =	vst v63  }
0x16d: {  	s15 =	simm.s32 $0x300  }
0x16e: {  	[tilespmem:s25], [sflag:$0x2] =	stream.indirect.gather [hbm4b:s2+s0], $0x80, s15, s0, $0xb8;
	[tilespmem:$0x18980] =	vst v63  }
0x16f: {  	s16 =	simm.s32 $0x500  }
0x170: {  	[tilespmem:s28], [sflag:$0x2] =	stream.indirect.gather [hbm4b:s1+s0], $0x80, s16, s0, $0xb8;
	[tilespmem:$0x18980] =	vst v63  }
0x171: {  	_ =	swait.ge [sflag:s29], $0x4000  }
0x172: {  	[sflag:s29] =	ssyncset.done $0x0  }
0x173: {  	[sflag:s29] =	ssyncadd.s32 $0xFFFFC000  }
0x174: {  	_ =	swait.ge [sflag:s29], $0x4000  }
0x175: {  	[sflag:s29] =	ssyncset.done $0x0  }
0x176: {  	[sflag:s29] =	ssyncadd.s32 $0xFFFFC000  }
0x177: {  	_ =	swait.ge [sflag:s29], $0x4000  }
0x178: {  	s31 =	simm.s32 $0x640;
	[sflag:s29] =	ssyncset.done $0x0  }
0x179: {  	s15 =	simm.s32 $0x4670;
	s16 =	simm.s32 $0x8670;
	[sflag:s29] =	ssyncadd.s32 $0xFFFFC000  }
.LBB2_10:
0x17a: {  	v16 =	vmov s16;
	_ =	sdelay $0x3  }
0x17b: {  	v17 =	vmov s31;
	s5 =	simm.s32 $0x0  }
0x17c: {  	v19 =	vld.idx.msk [tilespmem:v16+s5+$0xFFFFFFF0 ss:$0x1], $0xffff  }
0x17d: {  	v20 =	vld.idx.msk [tilespmem:v16+s5+$0xFFFFFFE0 ss:$0x1], $0xffff  }
0x17e: {  	v18 =	vmov s15;
	v21 =	vld.idx.msk [tilespmem:v16+s5+$0xFFFFFFD0 ss:$0x1], $0xffff  }
0x17f: {  	v22 =	vld.idx.msk [tilespmem:v16+s5+$0xFFFFFFC0 ss:$0x1], $0xffff  }
0x180: {  	v23 =	vld.idx.msk [tilespmem:v17+s5+$0xFFFFFFF0 ss:$0x1], $0xffff  }
0x181: {  	v24 =	vld.idx.msk [tilespmem:v16+s5+$0xFFFFFF90 ss:$0x1], $0xffff  }
0x182: {  	v25 =	vld.idx.msk [tilespmem:v17+s5+$0xFFFFFFE0 ss:$0x1], $0xffff  }
0x183: {  	v26 =	vld.idx.msk [tilespmem:v18+s5+$0xFFFFFF90 ss:$0x1], $0xffff  }
0x184: {  	v27 =	vld.idx.msk [tilespmem:v17+s5+$0xFFFFFFC0 ss:$0x1], $0xffff  }
0x185: {  	v28 =	vld.idx.msk [tilespmem:v17+s5+$0xFFFFFFD0 ss:$0x1], $0xffff  }
0x186: {  	v29 =	vld.idx.msk [tilespmem:v18+s5+$0xFFFFFFA0 ss:$0x1], $0xffff  }
0x187: {  	v30 =	vld.idx.msk [tilespmem:v18+s5+$0xFFFFFFB0 ss:$0x1], $0xffff  }
0x188: {  	v31 =	vld.idx.msk [tilespmem:v16+s5+$0xFFFFFFA0 ss:$0x1], $0xffff  }
0x189: {  	v32 =	vld.idx.msk [tilespmem:v18+s5+$0xFFFFFFC0 ss:$0x1], $0xffff  }
0x18a: {  	v33 =	vld.idx.msk [tilespmem:v16+s5+$0xFFFFFFB0 ss:$0x1], $0xffff  }
0x18b: {  	v34 =	vld.idx.msk [tilespmem:v17+s5+$0x0 ss:$0x1], $0xffff;
	v26 =	vadd.f32 v26, v27;
	v27 =	vadd.f32 v29, v28  }
0x18c: {  	v28 =	vld.idx.msk [tilespmem:v18+s5+$0xFFFFFFD0 ss:$0x1], $0xffff;
	v25 =	vadd.f32 v30, v25  }
0x18d: {  	v29 =	vld.idx.msk [tilespmem:v17+s5+$0x10 ss:$0x1], $0xffff;
	v24 =	vsub.f32 v26, v24;
	v26 =	vsub.f32 v27, v31  }
0x18e: {  	v23 =	vadd.f32 v32, v23;
	v27 =	vld.idx.msk [tilespmem:v18+s5+$0xFFFFFFE0 ss:$0x1], $0xffff  }
0x18f: {  	v30 =	vld.idx.msk [tilespmem:v17+s5+$0x20 ss:$0x1], $0xffff;
	v25 =	vsub.f32 v25, v33;
	v24 =	vand.u32 $0x7FFFFFFF, v24;
	v26 =	vand.u32 $0x7FFFFFFF, v26  }
0x190: {  	v31 =	vld.idx.msk [tilespmem:v18+s5+$0xFFFFFFF0 ss:$0x1], $0xffff;
	v24 =	vadd.f32 v26, v24  }
0x191: {  	v22 =	vsub.f32 v23, v22;
	v25 =	vand.u32 $0x7FFFFFFF, v25;
	v26 =	vld.idx.msk [tilespmem:v17+s5+$0x30 ss:$0x1], $0xffff;
	v23 =	vadd.f32 v28, v34  }
0x192: {  	v28 =	vld.idx.msk [tilespmem:v18+s5+$0x0 ss:$0x1], $0xffff;
	v24 =	vadd.f32 v25, v24  }
0x193: {  	v22 =	vand.u32 $0x7FFFFFFF, v22;
	v21 =	vsub.f32 v23, v21;
	v23 =	vadd.f32 v27, v29  }
0x194: {  	v25 =	vld.idx.msk [tilespmem:v16+s5+$0x0 ss:$0x1], $0xffff;
	v22 =	vadd.f32 v22, v24  }
0x195: {  	v21 =	vand.u32 $0x7FFFFFFF, v21;
	v20 =	vsub.f32 v23, v20;
	v23 =	vadd.f32 v31, v30  }
0x196: {  	v21 =	vadd.f32 v21, v22  }
0x197: {  	v20 =	vand.u32 $0x7FFFFFFF, v20;
	v19 =	vsub.f32 v23, v19;
	v22 =	vadd.f32 v28, v26  }
0x198: {  	v20 =	vadd.f32 v20, v21  }
0x199: {  	v19 =	vand.u32 $0x7FFFFFFF, v19;
	v21 =	vsub.f32 v22, v25  }
0x19a: {  	v19 =	vadd.f32 v19, v20  }
0x19b: {  	v20 =	vand.u32 $0x7FFFFFFF, v21  }
0x19c: {  	v19 =	vadd.f32 v20, v19  }
0x19d: {  	s6 =	simm.s32 $0x18800  }
0x19e: {  	s8 =	simm.s32 $0x80;
	[tilespmem:s6+$0x0] =	vst v19  }
0x19f: {  	v19 =	vld.idx.msk [tilespmem:v16+s8+$0xFFFFFFF0 ss:$0x1], $0xffff  }
0x1a0: {  	v20 =	vld.idx.msk [tilespmem:v16+s8+$0xFFFFFFE0 ss:$0x1], $0xffff  }
0x1a1: {  	v21 =	vld.idx.msk [tilespmem:v16+s8+$0xFFFFFFD0 ss:$0x1], $0xffff  }
0x1a2: {  	v22 =	vld.idx.msk [tilespmem:v16+s8+$0xFFFFFFC0 ss:$0x1], $0xffff  }
0x1a3: {  	v23 =	vld.idx.msk [tilespmem:v17+s8+$0xFFFFFFF0 ss:$0x1], $0xffff  }
0x1a4: {  	v24 =	vld.idx.msk [tilespmem:v16+s8+$0xFFFFFF90 ss:$0x1], $0xffff  }
0x1a5: {  	v25 =	vld.idx.msk [tilespmem:v17+s8+$0xFFFFFFE0 ss:$0x1], $0xffff  }
0x1a6: {  	v26 =	vld.idx.msk [tilespmem:v18+s8+$0xFFFFFF90 ss:$0x1], $0xffff  }
0x1a7: {  	v27 =	vld.idx.msk [tilespmem:v17+s8+$0xFFFFFFC0 ss:$0x1], $0xffff  }
0x1a8: {  	s9 =	simm.s32 $0x400;
	s5 =	sshll.u32 s26, $0x4;
	v28 =	vld.idx.msk [tilespmem:v17+s8+$0xFFFFFFD0 ss:$0x1], $0xffff  }
.LBB2_11:
0x1a9: {  	p0 =	sne.s32 s9, $0x1E00;
	v29 =	vld.idx.msk [tilespmem:v18+s8+$0xFFFFFFA0 ss:$0x1], $0xffff  }
0x1aa: {  	v30 =	vld.idx.msk [tilespmem:v18+s8+$0xFFFFFFB0 ss:$0x1], $0xffff  }
0x1ab: {  	v31 =	vld.idx.msk [tilespmem:v16+s8+$0xFFFFFFA0 ss:$0x1], $0xffff  }
0x1ac: {  	v32 =	vld.idx.msk [tilespmem:v18+s8+$0xFFFFFFC0 ss:$0x1], $0xffff  }
0x1ad: {  	v33 =	vld.idx.msk [tilespmem:v16+s8+$0xFFFFFFB0 ss:$0x1], $0xffff  }
0x1ae: {  	v34 =	vld.idx.msk [tilespmem:v17+s8+$0x0 ss:$0x1], $0xffff  }
0x1af: {  	v26 =	vadd.f32 v26, v27;
	v27 =	vadd.f32 v29, v28;
	v28 =	vld.idx.msk [tilespmem:v18+s8+$0xFFFFFFD0 ss:$0x1], $0xffff  }
0x1b0: {  	v25 =	vadd.f32 v30, v25;
	v29 =	vld.idx.msk [tilespmem:v17+s8+$0x10 ss:$0x1], $0xffff  }
0x1b1: {  	v24 =	vsub.f32 v26, v24;
	v26 =	vsub.f32 v27, v31;
	v27 =	vld.idx.msk [tilespmem:v18+s8+$0xFFFFFFE0 ss:$0x1], $0xffff  }
0x1b2: {  	v23 =	vadd.f32 v32, v23;
	v30 =	vld.idx.msk [tilespmem:v17+s8+$0x20 ss:$0x1], $0xffff  }
0x1b3: {  	v24 =	vand.u32 $0x7FFFFFFF, v24;
	v26 =	vand.u32 $0x7FFFFFFF, v26;
	v25 =	vsub.f32 v25, v33;
	v31 =	vld.idx.msk [tilespmem:v18+s8+$0xFFFFFFF0 ss:$0x1], $0xffff  }
0x1b4: {  	v24 =	vadd.f32 v26, v24;
	v26 =	vld.idx.msk [tilespmem:v17+s8+$0x30 ss:$0x1], $0xffff  }
0x1b5: {  	v22 =	vsub.f32 v23, v22;
	v25 =	vand.u32 $0x7FFFFFFF, v25;
	v23 =	vadd.f32 v28, v34;
	v28 =	vld.idx.msk [tilespmem:v18+s8+$0x0 ss:$0x1], $0xffff  }
0x1b6: {  	v24 =	vadd.f32 v25, v24  }
0x1b7: {  	v22 =	vand.u32 $0x7FFFFFFF, v22;
	v21 =	vsub.f32 v23, v21;
	v23 =	vadd.f32 v27, v29;
	v25 =	vld.idx.msk [tilespmem:v16+s8+$0x0 ss:$0x1], $0xffff  }
0x1b8: {  	v22 =	vadd.f32 v22, v24  }
0x1b9: {  	v21 =	vand.u32 $0x7FFFFFFF, v21;
	v20 =	vsub.f32 v23, v20;
	v23 =	vadd.f32 v31, v30  }
0x1ba: {  	v21 =	vadd.f32 v21, v22  }
0x1bb: {  	v20 =	vand.u32 $0x7FFFFFFF, v20;
	v19 =	vsub.f32 v23, v19;
	v22 =	vadd.f32 v28, v26  }
0x1bc: {  	v20 =	vadd.f32 v20, v21  }
0x1bd: {  	v19 =	vand.u32 $0x7FFFFFFF, v19;
	v21 =	vsub.f32 v22, v25  }
0x1be: {  	v19 =	vadd.f32 v19, v20  }
0x1bf: {  	v20 =	vand.u32 $0x7FFFFFFF, v21  }
0x1c0: {  	v19 =	vadd.f32 v20, v19  }
0x1c1: {  	s6 =	sadd.s32 $0x18, s6  }
0x1c2: {  	s8 =	sshra.s32 s9, $0x2;
	[tilespmem:s6+$0x0] =	vst v19  }
0x1c3: {  	v19 =	vld.idx.msk [tilespmem:v16+s8+$0xFFFFFFF0 ss:$0x1], $0xffff  }
0x1c4: {  	v20 =	vld.idx.msk [tilespmem:v16+s8+$0xFFFFFFE0 ss:$0x1], $0xffff  }
0x1c5: {  	v21 =	vld.idx.msk [tilespmem:v16+s8+$0xFFFFFFD0 ss:$0x1], $0xffff  }
0x1c6: {  	v22 =	vld.idx.msk [tilespmem:v16+s8+$0xFFFFFFC0 ss:$0x1], $0xffff  }
0x1c7: {  	v23 =	vld.idx.msk [tilespmem:v17+s8+$0xFFFFFFF0 ss:$0x1], $0xffff  }
.Ltmp4:
0x1c8: {  	v24 =	vld.idx.msk [tilespmem:v16+s8+$0xFFFFFF90 ss:$0x1], $0xffff;
	(pc) =	sbr.rel @p0 .LBB2_11-.Ltmp4, $4  }
0x1c9: {  	v25 =	vld.idx.msk [tilespmem:v17+s8+$0xFFFFFFE0 ss:$0x1], $0xffff  }
0x1ca: {  	v26 =	vld.idx.msk [tilespmem:v18+s8+$0xFFFFFF90 ss:$0x1], $0xffff  }
0x1cb: {  	v27 =	vld.idx.msk [tilespmem:v17+s8+$0xFFFFFFC0 ss:$0x1], $0xffff  }
0x1cc: {  	s9 =	sadd.s32 $0x200, s9;
	v28 =	vld.idx.msk [tilespmem:v17+s8+$0xFFFFFFD0 ss:$0x1], $0xffff  }
0x1cd: {  	_ =	sdelay $0x3  }
0x1ce: {  	v29 =	vld.idx.msk [tilespmem:v18+s8+$0xFFFFFFA0 ss:$0x1], $0xffff  }
0x1cf: {  	v30 =	vld.idx.msk [tilespmem:v18+s8+$0xFFFFFFB0 ss:$0x1], $0xffff  }
0x1d0: {  	v31 =	vld.idx.msk [tilespmem:v16+s8+$0xFFFFFFA0 ss:$0x1], $0xffff  }
0x1d1: {  	v32 =	vld.idx.msk [tilespmem:v18+s8+$0xFFFFFFC0 ss:$0x1], $0xffff  }
0x1d2: {  	v33 =	vld.idx.msk [tilespmem:v16+s8+$0xFFFFFFB0 ss:$0x1], $0xffff  }
0x1d3: {  	v34 =	vld.idx.msk [tilespmem:v17+s8+$0x0 ss:$0x1], $0xffff;
	v26 =	vadd.f32 v26, v27;
	v42 =	vadd.f32 v29, v28  }
0x1d4: {  	v43 =	vld.idx.msk [tilespmem:v18+s8+$0xFFFFFFD0 ss:$0x1], $0xffff;
	v25 =	vadd.f32 v30, v25  }
0x1d5: {  	v44 =	vld.idx.msk [tilespmem:v17+s8+$0x10 ss:$0x1], $0xffff;
	v24 =	vsub.f32 v26, v24;
	v45 =	vsub.f32 v42, v31  }
0x1d6: {  	v46 =	vld.idx.msk [tilespmem:v18+s8+$0xFFFFFFE0 ss:$0x1], $0xffff;
	v23 =	vadd.f32 v32, v23  }
0x1d7: {  	v47 =	vld.idx.msk [tilespmem:v17+s8+$0x20 ss:$0x1], $0xffff;
	v24 =	vand.u32 $0x7FFFFFFF, v24;
	v25 =	vsub.f32 v25, v33;
	v26 =	vand.u32 $0x7FFFFFFF, v45  }
0x1d8: {  	v48 =	vld.idx.msk [tilespmem:v18+s8+$0xFFFFFFF0 ss:$0x1], $0xffff;
	v24 =	vadd.f32 v26, v24  }
0x1d9: {  	v17 =	vld.idx.msk [tilespmem:v17+s8+$0x30 ss:$0x1], $0xffff;
	v49 =	vadd.f32 v43, v34;
	v22 =	vsub.f32 v23, v22;
	v25 =	vand.u32 $0x7FFFFFFF, v25  }
0x1da: {  	v50 =	vld.idx.msk [tilespmem:v18+s8+$0x0 ss:$0x1], $0xffff;
	v24 =	vadd.f32 v25, v24  }
0x1db: {  	v51 =	vadd.f32 v46, v44;
	v21 =	vsub.f32 v49, v21;
	v22 =	vand.u32 $0x7FFFFFFF, v22  }
0x1dc: {  	v16 =	vld.idx.msk [tilespmem:v16+s8+$0x0 ss:$0x1], $0xffff;
	v22 =	vadd.f32 v22, v24  }
0x1dd: {  	v52 =	vadd.f32 v48, v47;
	v20 =	vsub.f32 v51, v20;
	v21 =	vand.u32 $0x7FFFFFFF, v21  }
0x1de: {  	v21 =	vadd.f32 v21, v22  }
0x1df: {  	v17 =	vadd.f32 v50, v17;
	v19 =	vsub.f32 v52, v19;
	v20 =	vand.u32 $0x7FFFFFFF, v20  }
0x1e0: {  	v53 =	vadd.f32 v20, v21  }
0x1e1: {  	v16 =	vsub.f32 v17, v16;
	v19 =	vand.u32 $0x7FFFFFFF, v19  }
0x1e2: {  	v17 =	vadd.f32 v19, v53  }
0x1e3: {  	v16 =	vand.u32 $0x7FFFFFFF, v16  }
0x1e4: {  	v16 =	vadd.f32 v16, v17  }
0x1e5: {  	s6 =	sadd.s32 $0x18, s6  }
0x1e6: {  	[tilespmem:s6+$0x0] =	vst v16  }
0x1e7: {  	v16 =	vld.idx.msk [tilespmem:v0+s30+$0x0], $0xffff  }
0x1e8: {  	v17 =	vld.idx.msk [tilespmem:v1+s30+$0x0], $0xffff;
	_ =	sdelay $0x1  }
0x1e9: {  	v54 =	vld.idx.msk [tilespmem:v2+s30+$0x0], $0xffff;
	_ =	sdelay $0x1  }
0x1ea: {  	v55 =	vld.idx.msk [tilespmem:v3+s30+$0x0], $0xffff  }
0x1eb: {  	v16 =	vadd.f32 v17, v16  }
0x1ec: {  	v17 =	vld.idx.msk [tilespmem:v4+s30+$0x0], $0xffff  }
0x1ed: {  	v16 =	vadd.f32 v54, v16  }
0x1ee: {  	v56 =	vld.idx.msk [tilespmem:v5+s30+$0x0], $0xffff  }
0x1ef: {  	v16 =	vadd.f32 v55, v16  }
0x1f0: {  	v57 =	vld.idx.msk [tilespmem:v6+s30+$0x0], $0xffff  }
0x1f1: {  	v16 =	vadd.f32 v17, v16  }
0x1f2: {  	v17 =	vld.idx.msk [tilespmem:v7+s30+$0x0], $0xffff  }
0x1f3: {  	v16 =	vadd.f32 v56, v16  }
0x1f4: {  	v58 =	vld.idx.msk [tilespmem:v8+s30+$0x0], $0xffff  }
0x1f5: {  	v16 =	vadd.f32 v57, v16  }
0x1f6: {  	v59 =	vld.idx.msk [tilespmem:v9+s30+$0x0], $0xffff  }
0x1f7: {  	v16 =	vadd.f32 v17, v16  }
0x1f8: {  	v17 =	vld.idx.msk [tilespmem:v10+s30+$0x0], $0xffff  }
0x1f9: {  	v16 =	vadd.f32 v58, v16  }
0x1fa: {  	v60 =	vld.idx.msk [tilespmem:v11+s30+$0x0], $0xffff  }
0x1fb: {  	v16 =	vadd.f32 v59, v16  }
0x1fc: {  	v61 =	vld.idx.msk [tilespmem:v12+s30+$0x0], $0xffff  }
0x1fd: {  	v16 =	vadd.f32 v17, v16  }
0x1fe: {  	v17 =	vld.idx.msk [tilespmem:v13+s30+$0x0], $0xffff  }
0x1ff: {  	v16 =	vadd.f32 v60, v16  }
0x200: {  	v62 =	vld.idx.msk [tilespmem:v14+s30+$0x0], $0xffff  }
0x201: {  	v16 =	vadd.f32 v61, v16  }
0x202: {  	v63 =	vld.idx.msk [tilespmem:v15+s30+$0x0], $0xffff  }
0x203: {  	v16 =	vadd.f32 v17, v16;
	_ =	sdelay $0x1  }
0x204: {  	s26 =	sadd.s32 $0x1, s26;
	v16 =	vadd.f32 v62, v16  }
0x205: {  	p0 =	sne.s32 s26, $0x8  }
.Ltmp5:
0x206: {  	v16 =	vadd.f32 v63, v16;
	(pc) =	sbr.rel @p0 .LBB2_10-.Ltmp5, $3  }
0x207: {  	_ = 	snop  }
0x208: {  	v16 =	vsub.f32 $0.0e+00, v16;
	_ =	sdelay $0x1  }
0x209: {  	s31 =	sadd.s32 $0x800, s31;
	s15 =	sadd.s32 $0x800, s15;
	s16 =	sadd.s32 $0x800, s16;
	[tilespmem:s5+$0x18680] =	vst v16  }
0x20a: {  	s26 =	simm.s32 $0x0;
	s5 =	simm.s32 $0x18680  }
0x20b: {  	[hbm4b:s10+s26] =	stream.linear.scatter [tilespmem:s5], [sflag:$0x3], $0x80, $0x38;
	[tilespmem:$0x18980] =	vst v63  }
0x20c: {  	s9 =	simm.s32 $0x180  }
0x20d: {  	[tilespmem:s19], [sflag:$0x1] =	stream.indirect.gather [hbm4b:s1+s22], $0x80, s9, s22, $0xb8;
	[tilespmem:$0x18980] =	vst v63  }
0x20e: {  	s15 =	simm.s32 $0x380  }
0x20f: {  	[tilespmem:s20], [sflag:$0x1] =	stream.indirect.gather [hbm4b:s2+s22], $0x80, s15, s22, $0xb8;
	[tilespmem:$0x18980] =	vst v63  }
0x210: {  	s16 =	simm.s32 $0x580  }
0x211: {  	[tilespmem:s21], [sflag:$0x1] =	stream.indirect.gather [hbm4b:s1+s22], $0x80, s16, s22, $0xb8;
	[tilespmem:$0x18980] =	vst v63  }
0x212: {  	_ =	swait.ge [sflag:s17], $0x4000  }
0x213: {  	[sflag:s17] =	ssyncset.done $0x0  }
0x214: {  	[sflag:s17] =	ssyncadd.s32 $0xFFFFC000  }
0x215: {  	_ =	swait.ge [sflag:s17], $0x4000  }
0x216: {  	[sflag:s17] =	ssyncset.done $0x0  }
0x217: {  	[sflag:s17] =	ssyncadd.s32 $0xFFFFC000  }
0x218: {  	_ =	swait.ge [sflag:s17], $0x4000  }
0x219: {  	s31 =	simm.s32 $0xC640;
	[sflag:s17] =	ssyncset.done $0x0  }
0x21a: {  	s15 =	simm.s32 $0x10670;
	s16 =	simm.s32 $0x14670;
	[sflag:s17] =	ssyncadd.s32 $0xFFFFC000  }
.LBB2_14:
0x21b: {  	v16 =	vmov s16;
	_ =	sdelay $0x3  }
0x21c: {  	v17 =	vmov s31;
	s5 =	simm.s32 $0x0  }
0x21d: {  	v19 =	vld.idx.msk [tilespmem:v16+s5+$0xFFFFFFF0 ss:$0x1], $0xffff  }
0x21e: {  	v20 =	vld.idx.msk [tilespmem:v16+s5+$0xFFFFFFE0 ss:$0x1], $0xffff  }
0x21f: {  	v18 =	vmov s15;
	v21 =	vld.idx.msk [tilespmem:v16+s5+$0xFFFFFFD0 ss:$0x1], $0xffff  }
0x220: {  	v22 =	vld.idx.msk [tilespmem:v16+s5+$0xFFFFFFC0 ss:$0x1], $0xffff  }
0x221: {  	v23 =	vld.idx.msk [tilespmem:v17+s5+$0xFFFFFFF0 ss:$0x1], $0xffff  }
0x222: {  	v24 =	vld.idx.msk [tilespmem:v16+s5+$0xFFFFFF90 ss:$0x1], $0xffff  }
0x223: {  	v25 =	vld.idx.msk [tilespmem:v17+s5+$0xFFFFFFE0 ss:$0x1], $0xffff  }
0x224: {  	v26 =	vld.idx.msk [tilespmem:v18+s5+$0xFFFFFF90 ss:$0x1], $0xffff  }
0x225: {  	v27 =	vld.idx.msk [tilespmem:v17+s5+$0xFFFFFFC0 ss:$0x1], $0xffff  }
0x226: {  	v28 =	vld.idx.msk [tilespmem:v17+s5+$0xFFFFFFD0 ss:$0x1], $0xffff  }
0x227: {  	v29 =	vld.idx.msk [tilespmem:v18+s5+$0xFFFFFFA0 ss:$0x1], $0xffff  }
0x228: {  	v30 =	vld.idx.msk [tilespmem:v18+s5+$0xFFFFFFB0 ss:$0x1], $0xffff  }
0x229: {  	v31 =	vld.idx.msk [tilespmem:v16+s5+$0xFFFFFFA0 ss:$0x1], $0xffff  }
0x22a: {  	v32 =	vld.idx.msk [tilespmem:v18+s5+$0xFFFFFFC0 ss:$0x1], $0xffff  }
0x22b: {  	v33 =	vld.idx.msk [tilespmem:v16+s5+$0xFFFFFFB0 ss:$0x1], $0xffff  }
0x22c: {  	v34 =	vld.idx.msk [tilespmem:v17+s5+$0x0 ss:$0x1], $0xffff;
	v26 =	vadd.f32 v26, v27;
	v27 =	vadd.f32 v29, v28  }
0x22d: {  	v28 =	vld.idx.msk [tilespmem:v18+s5+$0xFFFFFFD0 ss:$0x1], $0xffff;
	v25 =	vadd.f32 v30, v25  }
0x22e: {  	v29 =	vld.idx.msk [tilespmem:v17+s5+$0x10 ss:$0x1], $0xffff;
	v24 =	vsub.f32 v26, v24;
	v26 =	vsub.f32 v27, v31  }
0x22f: {  	v23 =	vadd.f32 v32, v23;
	v27 =	vld.idx.msk [tilespmem:v18+s5+$0xFFFFFFE0 ss:$0x1], $0xffff  }
0x230: {  	v30 =	vld.idx.msk [tilespmem:v17+s5+$0x20 ss:$0x1], $0xffff;
	v25 =	vsub.f32 v25, v33;
	v24 =	vand.u32 $0x7FFFFFFF, v24;
	v26 =	vand.u32 $0x7FFFFFFF, v26  }
0x231: {  	v31 =	vld.idx.msk [tilespmem:v18+s5+$0xFFFFFFF0 ss:$0x1], $0xffff;
	v24 =	vadd.f32 v26, v24  }
0x232: {  	v22 =	vsub.f32 v23, v22;
	v25 =	vand.u32 $0x7FFFFFFF, v25;
	v26 =	vld.idx.msk [tilespmem:v17+s5+$0x30 ss:$0x1], $0xffff;
	v23 =	vadd.f32 v28, v34  }
0x233: {  	v28 =	vld.idx.msk [tilespmem:v18+s5+$0x0 ss:$0x1], $0xffff;
	v24 =	vadd.f32 v25, v24  }
0x234: {  	v22 =	vand.u32 $0x7FFFFFFF, v22;
	v21 =	vsub.f32 v23, v21;
	v23 =	vadd.f32 v27, v29  }
0x235: {  	v25 =	vld.idx.msk [tilespmem:v16+s5+$0x0 ss:$0x1], $0xffff;
	v22 =	vadd.f32 v22, v24  }
0x236: {  	v21 =	vand.u32 $0x7FFFFFFF, v21;
	v20 =	vsub.f32 v23, v20;
	v23 =	vadd.f32 v31, v30  }
0x237: {  	v21 =	vadd.f32 v21, v22  }
0x238: {  	v20 =	vand.u32 $0x7FFFFFFF, v20;
	v19 =	vsub.f32 v23, v19;
	v22 =	vadd.f32 v28, v26  }
0x239: {  	v20 =	vadd.f32 v20, v21  }
0x23a: {  	v19 =	vand.u32 $0x7FFFFFFF, v19;
	v21 =	vsub.f32 v22, v25  }
0x23b: {  	v19 =	vadd.f32 v19, v20  }
0x23c: {  	v20 =	vand.u32 $0x7FFFFFFF, v21  }
0x23d: {  	v19 =	vadd.f32 v20, v19  }
0x23e: {  	s6 =	simm.s32 $0x18800  }
0x23f: {  	s8 =	simm.s32 $0x80;
	[tilespmem:s6+$0x0] =	vst v19  }
0x240: {  	v19 =	vld.idx.msk [tilespmem:v16+s8+$0xFFFFFFF0 ss:$0x1], $0xffff  }
0x241: {  	v20 =	vld.idx.msk [tilespmem:v16+s8+$0xFFFFFFE0 ss:$0x1], $0xffff  }
0x242: {  	v21 =	vld.idx.msk [tilespmem:v16+s8+$0xFFFFFFD0 ss:$0x1], $0xffff  }
0x243: {  	v22 =	vld.idx.msk [tilespmem:v16+s8+$0xFFFFFFC0 ss:$0x1], $0xffff  }
0x244: {  	v23 =	vld.idx.msk [tilespmem:v17+s8+$0xFFFFFFF0 ss:$0x1], $0xffff  }
0x245: {  	v24 =	vld.idx.msk [tilespmem:v16+s8+$0xFFFFFF90 ss:$0x1], $0xffff  }
0x246: {  	v25 =	vld.idx.msk [tilespmem:v17+s8+$0xFFFFFFE0 ss:$0x1], $0xffff  }
0x247: {  	v26 =	vld.idx.msk [tilespmem:v18+s8+$0xFFFFFF90 ss:$0x1], $0xffff  }
0x248: {  	v27 =	vld.idx.msk [tilespmem:v17+s8+$0xFFFFFFC0 ss:$0x1], $0xffff  }
0x249: {  	s9 =	simm.s32 $0x400;
	s5 =	sshll.u32 s26, $0x4;
	v28 =	vld.idx.msk [tilespmem:v17+s8+$0xFFFFFFD0 ss:$0x1], $0xffff  }
.LBB2_15:
0x24a: {  	p0 =	sne.s32 s9, $0x1E00;
	v29 =	vld.idx.msk [tilespmem:v18+s8+$0xFFFFFFA0 ss:$0x1], $0xffff  }
0x24b: {  	v30 =	vld.idx.msk [tilespmem:v18+s8+$0xFFFFFFB0 ss:$0x1], $0xffff  }
0x24c: {  	v31 =	vld.idx.msk [tilespmem:v16+s8+$0xFFFFFFA0 ss:$0x1], $0xffff  }
0x24d: {  	v32 =	vld.idx.msk [tilespmem:v18+s8+$0xFFFFFFC0 ss:$0x1], $0xffff  }
0x24e: {  	v33 =	vld.idx.msk [tilespmem:v16+s8+$0xFFFFFFB0 ss:$0x1], $0xffff  }
0x24f: {  	v34 =	vld.idx.msk [tilespmem:v17+s8+$0x0 ss:$0x1], $0xffff  }
0x250: {  	v26 =	vadd.f32 v26, v27;
	v27 =	vadd.f32 v29, v28;
	v28 =	vld.idx.msk [tilespmem:v18+s8+$0xFFFFFFD0 ss:$0x1], $0xffff  }
0x251: {  	v25 =	vadd.f32 v30, v25;
	v29 =	vld.idx.msk [tilespmem:v17+s8+$0x10 ss:$0x1], $0xffff  }
0x252: {  	v24 =	vsub.f32 v26, v24;
	v26 =	vsub.f32 v27, v31;
	v27 =	vld.idx.msk [tilespmem:v18+s8+$0xFFFFFFE0 ss:$0x1], $0xffff  }
0x253: {  	v23 =	vadd.f32 v32, v23;
	v30 =	vld.idx.msk [tilespmem:v17+s8+$0x20 ss:$0x1], $0xffff  }
0x254: {  	v24 =	vand.u32 $0x7FFFFFFF, v24;
	v26 =	vand.u32 $0x7FFFFFFF, v26;
	v25 =	vsub.f32 v25, v33;
	v31 =	vld.idx.msk [tilespmem:v18+s8+$0xFFFFFFF0 ss:$0x1], $0xffff  }
0x255: {  	v24 =	vadd.f32 v26, v24;
	v26 =	vld.idx.msk [tilespmem:v17+s8+$0x30 ss:$0x1], $0xffff  }
0x256: {  	v22 =	vsub.f32 v23, v22;
	v25 =	vand.u32 $0x7FFFFFFF, v25;
	v23 =	vadd.f32 v28, v34;
	v28 =	vld.idx.msk [tilespmem:v18+s8+$0x0 ss:$0x1], $0xffff  }
0x257: {  	v24 =	vadd.f32 v25, v24  }
0x258: {  	v22 =	vand.u32 $0x7FFFFFFF, v22;
	v21 =	vsub.f32 v23, v21;
	v23 =	vadd.f32 v27, v29;
	v25 =	vld.idx.msk [tilespmem:v16+s8+$0x0 ss:$0x1], $0xffff  }
0x259: {  	v22 =	vadd.f32 v22, v24  }
0x25a: {  	v21 =	vand.u32 $0x7FFFFFFF, v21;
	v20 =	vsub.f32 v23, v20;
	v23 =	vadd.f32 v31, v30  }
0x25b: {  	v21 =	vadd.f32 v21, v22  }
0x25c: {  	v20 =	vand.u32 $0x7FFFFFFF, v20;
	v19 =	vsub.f32 v23, v19;
	v22 =	vadd.f32 v28, v26  }
0x25d: {  	v20 =	vadd.f32 v20, v21  }
0x25e: {  	v19 =	vand.u32 $0x7FFFFFFF, v19;
	v21 =	vsub.f32 v22, v25  }
0x25f: {  	v19 =	vadd.f32 v19, v20  }
0x260: {  	v20 =	vand.u32 $0x7FFFFFFF, v21  }
0x261: {  	v19 =	vadd.f32 v20, v19  }
0x262: {  	s6 =	sadd.s32 $0x18, s6  }
0x263: {  	s8 =	sshra.s32 s9, $0x2;
	[tilespmem:s6+$0x0] =	vst v19  }
0x264: {  	v19 =	vld.idx.msk [tilespmem:v16+s8+$0xFFFFFFF0 ss:$0x1], $0xffff  }
0x265: {  	v20 =	vld.idx.msk [tilespmem:v16+s8+$0xFFFFFFE0 ss:$0x1], $0xffff  }
0x266: {  	v21 =	vld.idx.msk [tilespmem:v16+s8+$0xFFFFFFD0 ss:$0x1], $0xffff  }
0x267: {  	v22 =	vld.idx.msk [tilespmem:v16+s8+$0xFFFFFFC0 ss:$0x1], $0xffff  }
0x268: {  	v23 =	vld.idx.msk [tilespmem:v17+s8+$0xFFFFFFF0 ss:$0x1], $0xffff  }
.Ltmp6:
0x269: {  	v24 =	vld.idx.msk [tilespmem:v16+s8+$0xFFFFFF90 ss:$0x1], $0xffff;
	(pc) =	sbr.rel @p0 .LBB2_15-.Ltmp6, $4  }
0x26a: {  	v25 =	vld.idx.msk [tilespmem:v17+s8+$0xFFFFFFE0 ss:$0x1], $0xffff  }
0x26b: {  	v26 =	vld.idx.msk [tilespmem:v18+s8+$0xFFFFFF90 ss:$0x1], $0xffff  }
0x26c: {  	v27 =	vld.idx.msk [tilespmem:v17+s8+$0xFFFFFFC0 ss:$0x1], $0xffff  }
0x26d: {  	s9 =	sadd.s32 $0x200, s9;
	v28 =	vld.idx.msk [tilespmem:v17+s8+$0xFFFFFFD0 ss:$0x1], $0xffff  }
0x26e: {  	_ =	sdelay $0x3  }
0x26f: {  	v29 =	vld.idx.msk [tilespmem:v18+s8+$0xFFFFFFA0 ss:$0x1], $0xffff  }
0x270: {  	v30 =	vld.idx.msk [tilespmem:v18+s8+$0xFFFFFFB0 ss:$0x1], $0xffff  }
0x271: {  	v31 =	vld.idx.msk [tilespmem:v16+s8+$0xFFFFFFA0 ss:$0x1], $0xffff  }
0x272: {  	v32 =	vld.idx.msk [tilespmem:v18+s8+$0xFFFFFFC0 ss:$0x1], $0xffff  }
0x273: {  	v33 =	vld.idx.msk [tilespmem:v16+s8+$0xFFFFFFB0 ss:$0x1], $0xffff  }
0x274: {  	v34 =	vld.idx.msk [tilespmem:v17+s8+$0x0 ss:$0x1], $0xffff;
	v26 =	vadd.f32 v26, v27;
	v42 =	vadd.f32 v29, v28  }
0x275: {  	v43 =	vld.idx.msk [tilespmem:v18+s8+$0xFFFFFFD0 ss:$0x1], $0xffff;
	v25 =	vadd.f32 v30, v25  }
0x276: {  	v44 =	vld.idx.msk [tilespmem:v17+s8+$0x10 ss:$0x1], $0xffff;
	v24 =	vsub.f32 v26, v24;
	v45 =	vsub.f32 v42, v31  }
0x277: {  	v46 =	vld.idx.msk [tilespmem:v18+s8+$0xFFFFFFE0 ss:$0x1], $0xffff;
	v23 =	vadd.f32 v32, v23  }
0x278: {  	v47 =	vld.idx.msk [tilespmem:v17+s8+$0x20 ss:$0x1], $0xffff;
	v24 =	vand.u32 $0x7FFFFFFF, v24;
	v25 =	vsub.f32 v25, v33;
	v26 =	vand.u32 $0x7FFFFFFF, v45  }
0x279: {  	v48 =	vld.idx.msk [tilespmem:v18+s8+$0xFFFFFFF0 ss:$0x1], $0xffff;
	v24 =	vadd.f32 v26, v24  }
0x27a: {  	v17 =	vld.idx.msk [tilespmem:v17+s8+$0x30 ss:$0x1], $0xffff;
	v49 =	vadd.f32 v43, v34;
	v22 =	vsub.f32 v23, v22;
	v25 =	vand.u32 $0x7FFFFFFF, v25  }
0x27b: {  	v50 =	vld.idx.msk [tilespmem:v18+s8+$0x0 ss:$0x1], $0xffff;
	v24 =	vadd.f32 v25, v24  }
0x27c: {  	v51 =	vadd.f32 v46, v44;
	v21 =	vsub.f32 v49, v21;
	v22 =	vand.u32 $0x7FFFFFFF, v22  }
0x27d: {  	v16 =	vld.idx.msk [tilespmem:v16+s8+$0x0 ss:$0x1], $0xffff;
	v22 =	vadd.f32 v22, v24  }
0x27e: {  	v52 =	vadd.f32 v48, v47;
	v20 =	vsub.f32 v51, v20;
	v21 =	vand.u32 $0x7FFFFFFF, v21  }
0x27f: {  	v21 =	vadd.f32 v21, v22  }
0x280: {  	v17 =	vadd.f32 v50, v17;
	v19 =	vsub.f32 v52, v19;
	v20 =	vand.u32 $0x7FFFFFFF, v20  }
0x281: {  	v53 =	vadd.f32 v20, v21  }
0x282: {  	v16 =	vsub.f32 v17, v16;
	v19 =	vand.u32 $0x7FFFFFFF, v19  }
0x283: {  	v17 =	vadd.f32 v19, v53  }
0x284: {  	v16 =	vand.u32 $0x7FFFFFFF, v16  }
0x285: {  	v16 =	vadd.f32 v16, v17  }
0x286: {  	s6 =	sadd.s32 $0x18, s6  }
0x287: {  	[tilespmem:s6+$0x0] =	vst v16  }
0x288: {  	v16 =	vld.idx.msk [tilespmem:v0+s30+$0x0], $0xffff  }
0x289: {  	v17 =	vld.idx.msk [tilespmem:v1+s30+$0x0], $0xffff;
	_ =	sdelay $0x1  }
0x28a: {  	v54 =	vld.idx.msk [tilespmem:v2+s30+$0x0], $0xffff;
	_ =	sdelay $0x1  }
0x28b: {  	v55 =	vld.idx.msk [tilespmem:v3+s30+$0x0], $0xffff  }
0x28c: {  	v16 =	vadd.f32 v17, v16  }
0x28d: {  	v17 =	vld.idx.msk [tilespmem:v4+s30+$0x0], $0xffff  }
0x28e: {  	v16 =	vadd.f32 v54, v16  }
0x28f: {  	v56 =	vld.idx.msk [tilespmem:v5+s30+$0x0], $0xffff  }
0x290: {  	v16 =	vadd.f32 v55, v16  }
0x291: {  	v57 =	vld.idx.msk [tilespmem:v6+s30+$0x0], $0xffff  }
0x292: {  	v16 =	vadd.f32 v17, v16  }
0x293: {  	v17 =	vld.idx.msk [tilespmem:v7+s30+$0x0], $0xffff  }
0x294: {  	v16 =	vadd.f32 v56, v16  }
0x295: {  	v58 =	vld.idx.msk [tilespmem:v8+s30+$0x0], $0xffff  }
0x296: {  	v16 =	vadd.f32 v57, v16  }
0x297: {  	v59 =	vld.idx.msk [tilespmem:v9+s30+$0x0], $0xffff  }
0x298: {  	v16 =	vadd.f32 v17, v16  }
0x299: {  	v17 =	vld.idx.msk [tilespmem:v10+s30+$0x0], $0xffff  }
0x29a: {  	v16 =	vadd.f32 v58, v16  }
0x29b: {  	v60 =	vld.idx.msk [tilespmem:v11+s30+$0x0], $0xffff  }
0x29c: {  	v16 =	vadd.f32 v59, v16  }
0x29d: {  	v61 =	vld.idx.msk [tilespmem:v12+s30+$0x0], $0xffff  }
0x29e: {  	v16 =	vadd.f32 v17, v16  }
0x29f: {  	v17 =	vld.idx.msk [tilespmem:v13+s30+$0x0], $0xffff  }
0x2a0: {  	v16 =	vadd.f32 v60, v16  }
0x2a1: {  	v62 =	vld.idx.msk [tilespmem:v14+s30+$0x0], $0xffff  }
0x2a2: {  	v16 =	vadd.f32 v61, v16  }
0x2a3: {  	v63 =	vld.idx.msk [tilespmem:v15+s30+$0x0], $0xffff  }
0x2a4: {  	v16 =	vadd.f32 v17, v16;
	_ =	sdelay $0x1  }
0x2a5: {  	s26 =	sadd.s32 $0x1, s26;
	v16 =	vadd.f32 v62, v16  }
0x2a6: {  	p0 =	sne.s32 s26, $0x8  }
.Ltmp7:
0x2a7: {  	v16 =	vadd.f32 v63, v16;
	(pc) =	sbr.rel @p0 .LBB2_14-.Ltmp7, $3  }
0x2a8: {  	_ = 	snop  }
0x2a9: {  	v16 =	vsub.f32 $0.0e+00, v16;
	_ =	sdelay $0x1  }
0x2aa: {  	s31 =	sadd.s32 $0x800, s31;
	s15 =	sadd.s32 $0x800, s15;
	s16 =	sadd.s32 $0x800, s16;
	[tilespmem:s5+$0x18700] =	vst v16  }
0x2ab: {  	s26 =	simm.s32 $0x0;
	s5 =	simm.s32 $0x18700  }
0x2ac: {  	[hbm4b:s11+s26] =	stream.linear.scatter [tilespmem:s5], [sflag:$0x3], $0x80, $0x38;
	[tilespmem:$0x18980] =	vst v63  }
0x2ad: {  	s9 =	simm.s32 $0x1E0  }
0x2ae: {  	[tilespmem:s23], [sflag:$0x2] =	stream.indirect.gather [hbm4b:s1+s18], $0x80, s9, s18, $0xb8;
	[tilespmem:$0x18980] =	vst v63  }
0x2af: {  	s15 =	simm.s32 $0x3E0  }
0x2b0: {  	[tilespmem:s25], [sflag:$0x2] =	stream.indirect.gather [hbm4b:s2+s18], $0x80, s15, s18, $0xb8;
	[tilespmem:$0x18980] =	vst v63  }
0x2b1: {  	s16 =	simm.s32 $0x5E0  }
0x2b2: {  	[tilespmem:s28], [sflag:$0x2] =	stream.indirect.gather [hbm4b:s1+s18], $0x80, s16, s18, $0xb8;
	[tilespmem:$0x18980] =	vst v63  }
0x2b3: {  	_ =	swait.ge [sflag:s29], $0x3000  }
0x2b4: {  	[sflag:s29] =	ssyncset.done $0x0  }
0x2b5: {  	[sflag:s29] =	ssyncadd.s32 $0xFFFFD000  }
0x2b6: {  	_ =	swait.ge [sflag:s29], $0x3000  }
0x2b7: {  	[sflag:s29] =	ssyncset.done $0x0  }
0x2b8: {  	[sflag:s29] =	ssyncadd.s32 $0xFFFFD000  }
0x2b9: {  	_ =	swait.ge [sflag:s29], $0x3000  }
0x2ba: {  	s31 =	simm.s32 $0x640;
	[sflag:s29] =	ssyncset.done $0x0  }
0x2bb: {  	s15 =	simm.s32 $0x4670;
	s16 =	simm.s32 $0x8670;
	[sflag:s29] =	ssyncadd.s32 $0xFFFFD000  }
.LBB2_18:
0x2bc: {  	v16 =	vmov s16;
	_ =	sdelay $0x3  }
0x2bd: {  	v17 =	vmov s31;
	s5 =	simm.s32 $0x0  }
0x2be: {  	v19 =	vld.idx.msk [tilespmem:v16+s5+$0xFFFFFFF0 ss:$0x1], $0xffff  }
0x2bf: {  	v20 =	vld.idx.msk [tilespmem:v16+s5+$0xFFFFFFE0 ss:$0x1], $0xffff  }
0x2c0: {  	v18 =	vmov s15;
	v21 =	vld.idx.msk [tilespmem:v16+s5+$0xFFFFFFD0 ss:$0x1], $0xffff  }
0x2c1: {  	v22 =	vld.idx.msk [tilespmem:v16+s5+$0xFFFFFFC0 ss:$0x1], $0xffff  }
0x2c2: {  	v23 =	vld.idx.msk [tilespmem:v17+s5+$0xFFFFFFF0 ss:$0x1], $0xffff  }
0x2c3: {  	v24 =	vld.idx.msk [tilespmem:v16+s5+$0xFFFFFF90 ss:$0x1], $0xffff  }
0x2c4: {  	v25 =	vld.idx.msk [tilespmem:v17+s5+$0xFFFFFFE0 ss:$0x1], $0xffff  }
0x2c5: {  	v26 =	vld.idx.msk [tilespmem:v18+s5+$0xFFFFFF90 ss:$0x1], $0xffff  }
0x2c6: {  	v27 =	vld.idx.msk [tilespmem:v17+s5+$0xFFFFFFC0 ss:$0x1], $0xffff  }
0x2c7: {  	v28 =	vld.idx.msk [tilespmem:v17+s5+$0xFFFFFFD0 ss:$0x1], $0xffff  }
0x2c8: {  	v29 =	vld.idx.msk [tilespmem:v18+s5+$0xFFFFFFA0 ss:$0x1], $0xffff  }
0x2c9: {  	v30 =	vld.idx.msk [tilespmem:v18+s5+$0xFFFFFFB0 ss:$0x1], $0xffff  }
0x2ca: {  	v31 =	vld.idx.msk [tilespmem:v16+s5+$0xFFFFFFA0 ss:$0x1], $0xffff  }
0x2cb: {  	v32 =	vld.idx.msk [tilespmem:v18+s5+$0xFFFFFFC0 ss:$0x1], $0xffff  }
0x2cc: {  	v33 =	vld.idx.msk [tilespmem:v16+s5+$0xFFFFFFB0 ss:$0x1], $0xffff  }
0x2cd: {  	v34 =	vld.idx.msk [tilespmem:v17+s5+$0x0 ss:$0x1], $0xffff;
	v26 =	vadd.f32 v26, v27;
	v27 =	vadd.f32 v29, v28  }
0x2ce: {  	v28 =	vld.idx.msk [tilespmem:v18+s5+$0xFFFFFFD0 ss:$0x1], $0xffff;
	v25 =	vadd.f32 v30, v25  }
0x2cf: {  	v29 =	vld.idx.msk [tilespmem:v17+s5+$0x10 ss:$0x1], $0xffff;
	v24 =	vsub.f32 v26, v24;
	v26 =	vsub.f32 v27, v31  }
0x2d0: {  	v23 =	vadd.f32 v32, v23;
	v27 =	vld.idx.msk [tilespmem:v18+s5+$0xFFFFFFE0 ss:$0x1], $0xffff  }
0x2d1: {  	v30 =	vld.idx.msk [tilespmem:v17+s5+$0x20 ss:$0x1], $0xffff;
	v25 =	vsub.f32 v25, v33;
	v24 =	vand.u32 $0x7FFFFFFF, v24;
	v26 =	vand.u32 $0x7FFFFFFF, v26  }
0x2d2: {  	v31 =	vld.idx.msk [tilespmem:v18+s5+$0xFFFFFFF0 ss:$0x1], $0xffff;
	v24 =	vadd.f32 v26, v24  }
0x2d3: {  	v22 =	vsub.f32 v23, v22;
	v25 =	vand.u32 $0x7FFFFFFF, v25;
	v26 =	vld.idx.msk [tilespmem:v17+s5+$0x30 ss:$0x1], $0xffff;
	v23 =	vadd.f32 v28, v34  }
0x2d4: {  	v28 =	vld.idx.msk [tilespmem:v18+s5+$0x0 ss:$0x1], $0xffff;
	v24 =	vadd.f32 v25, v24  }
0x2d5: {  	v22 =	vand.u32 $0x7FFFFFFF, v22;
	v21 =	vsub.f32 v23, v21;
	v23 =	vadd.f32 v27, v29  }
0x2d6: {  	v25 =	vld.idx.msk [tilespmem:v16+s5+$0x0 ss:$0x1], $0xffff;
	v22 =	vadd.f32 v22, v24  }
0x2d7: {  	v21 =	vand.u32 $0x7FFFFFFF, v21;
	v20 =	vsub.f32 v23, v20;
	v23 =	vadd.f32 v31, v30  }
0x2d8: {  	v21 =	vadd.f32 v21, v22  }
0x2d9: {  	v20 =	vand.u32 $0x7FFFFFFF, v20;
	v19 =	vsub.f32 v23, v19;
	v22 =	vadd.f32 v28, v26  }
0x2da: {  	v20 =	vadd.f32 v20, v21  }
0x2db: {  	v19 =	vand.u32 $0x7FFFFFFF, v19;
	v21 =	vsub.f32 v22, v25  }
0x2dc: {  	v19 =	vadd.f32 v19, v20  }
0x2dd: {  	v20 =	vand.u32 $0x7FFFFFFF, v21  }
0x2de: {  	v19 =	vadd.f32 v20, v19  }
0x2df: {  	s6 =	simm.s32 $0x18800  }
0x2e0: {  	s8 =	simm.s32 $0x80;
	[tilespmem:s6+$0x0] =	vst v19  }
0x2e1: {  	v19 =	vld.idx.msk [tilespmem:v16+s8+$0xFFFFFFF0 ss:$0x1], $0xffff  }
0x2e2: {  	v20 =	vld.idx.msk [tilespmem:v16+s8+$0xFFFFFFE0 ss:$0x1], $0xffff  }
0x2e3: {  	v21 =	vld.idx.msk [tilespmem:v16+s8+$0xFFFFFFD0 ss:$0x1], $0xffff  }
0x2e4: {  	v22 =	vld.idx.msk [tilespmem:v16+s8+$0xFFFFFFC0 ss:$0x1], $0xffff  }
0x2e5: {  	v23 =	vld.idx.msk [tilespmem:v17+s8+$0xFFFFFFF0 ss:$0x1], $0xffff  }
0x2e6: {  	v24 =	vld.idx.msk [tilespmem:v16+s8+$0xFFFFFF90 ss:$0x1], $0xffff  }
0x2e7: {  	v25 =	vld.idx.msk [tilespmem:v17+s8+$0xFFFFFFE0 ss:$0x1], $0xffff  }
0x2e8: {  	v26 =	vld.idx.msk [tilespmem:v18+s8+$0xFFFFFF90 ss:$0x1], $0xffff  }
0x2e9: {  	v27 =	vld.idx.msk [tilespmem:v17+s8+$0xFFFFFFC0 ss:$0x1], $0xffff  }
0x2ea: {  	s9 =	simm.s32 $0x400;
	s5 =	sshll.u32 s26, $0x4;
	v28 =	vld.idx.msk [tilespmem:v17+s8+$0xFFFFFFD0 ss:$0x1], $0xffff  }
.LBB2_19:
0x2eb: {  	p0 =	sne.s32 s9, $0x1E00;
	v29 =	vld.idx.msk [tilespmem:v18+s8+$0xFFFFFFA0 ss:$0x1], $0xffff  }
0x2ec: {  	v30 =	vld.idx.msk [tilespmem:v18+s8+$0xFFFFFFB0 ss:$0x1], $0xffff  }
0x2ed: {  	v31 =	vld.idx.msk [tilespmem:v16+s8+$0xFFFFFFA0 ss:$0x1], $0xffff  }
0x2ee: {  	v32 =	vld.idx.msk [tilespmem:v18+s8+$0xFFFFFFC0 ss:$0x1], $0xffff  }
0x2ef: {  	v33 =	vld.idx.msk [tilespmem:v16+s8+$0xFFFFFFB0 ss:$0x1], $0xffff  }
0x2f0: {  	v34 =	vld.idx.msk [tilespmem:v17+s8+$0x0 ss:$0x1], $0xffff  }
0x2f1: {  	v26 =	vadd.f32 v26, v27;
	v27 =	vadd.f32 v29, v28;
	v28 =	vld.idx.msk [tilespmem:v18+s8+$0xFFFFFFD0 ss:$0x1], $0xffff  }
0x2f2: {  	v25 =	vadd.f32 v30, v25;
	v29 =	vld.idx.msk [tilespmem:v17+s8+$0x10 ss:$0x1], $0xffff  }
0x2f3: {  	v24 =	vsub.f32 v26, v24;
	v26 =	vsub.f32 v27, v31;
	v27 =	vld.idx.msk [tilespmem:v18+s8+$0xFFFFFFE0 ss:$0x1], $0xffff  }
0x2f4: {  	v23 =	vadd.f32 v32, v23;
	v30 =	vld.idx.msk [tilespmem:v17+s8+$0x20 ss:$0x1], $0xffff  }
0x2f5: {  	v24 =	vand.u32 $0x7FFFFFFF, v24;
	v26 =	vand.u32 $0x7FFFFFFF, v26;
	v25 =	vsub.f32 v25, v33;
	v31 =	vld.idx.msk [tilespmem:v18+s8+$0xFFFFFFF0 ss:$0x1], $0xffff  }
0x2f6: {  	v24 =	vadd.f32 v26, v24;
	v26 =	vld.idx.msk [tilespmem:v17+s8+$0x30 ss:$0x1], $0xffff  }
0x2f7: {  	v22 =	vsub.f32 v23, v22;
	v25 =	vand.u32 $0x7FFFFFFF, v25;
	v23 =	vadd.f32 v28, v34;
	v28 =	vld.idx.msk [tilespmem:v18+s8+$0x0 ss:$0x1], $0xffff  }
0x2f8: {  	v24 =	vadd.f32 v25, v24  }
0x2f9: {  	v22 =	vand.u32 $0x7FFFFFFF, v22;
	v21 =	vsub.f32 v23, v21;
	v23 =	vadd.f32 v27, v29;
	v25 =	vld.idx.msk [tilespmem:v16+s8+$0x0 ss:$0x1], $0xffff  }
0x2fa: {  	v22 =	vadd.f32 v22, v24  }
0x2fb: {  	v21 =	vand.u32 $0x7FFFFFFF, v21;
	v20 =	vsub.f32 v23, v20;
	v23 =	vadd.f32 v31, v30  }
0x2fc: {  	v21 =	vadd.f32 v21, v22  }
0x2fd: {  	v20 =	vand.u32 $0x7FFFFFFF, v20;
	v19 =	vsub.f32 v23, v19;
	v22 =	vadd.f32 v28, v26  }
0x2fe: {  	v20 =	vadd.f32 v20, v21  }
0x2ff: {  	v19 =	vand.u32 $0x7FFFFFFF, v19;
	v21 =	vsub.f32 v22, v25  }
0x300: {  	v19 =	vadd.f32 v19, v20  }
0x301: {  	v20 =	vand.u32 $0x7FFFFFFF, v21  }
0x302: {  	v19 =	vadd.f32 v20, v19  }
0x303: {  	s6 =	sadd.s32 $0x18, s6  }
0x304: {  	s8 =	sshra.s32 s9, $0x2;
	[tilespmem:s6+$0x0] =	vst v19  }
0x305: {  	v19 =	vld.idx.msk [tilespmem:v16+s8+$0xFFFFFFF0 ss:$0x1], $0xffff  }
0x306: {  	v20 =	vld.idx.msk [tilespmem:v16+s8+$0xFFFFFFE0 ss:$0x1], $0xffff  }
0x307: {  	v21 =	vld.idx.msk [tilespmem:v16+s8+$0xFFFFFFD0 ss:$0x1], $0xffff  }
0x308: {  	v22 =	vld.idx.msk [tilespmem:v16+s8+$0xFFFFFFC0 ss:$0x1], $0xffff  }
0x309: {  	v23 =	vld.idx.msk [tilespmem:v17+s8+$0xFFFFFFF0 ss:$0x1], $0xffff  }
.Ltmp8:
0x30a: {  	v24 =	vld.idx.msk [tilespmem:v16+s8+$0xFFFFFF90 ss:$0x1], $0xffff;
	(pc) =	sbr.rel @p0 .LBB2_19-.Ltmp8, $4  }
0x30b: {  	v25 =	vld.idx.msk [tilespmem:v17+s8+$0xFFFFFFE0 ss:$0x1], $0xffff  }
0x30c: {  	v26 =	vld.idx.msk [tilespmem:v18+s8+$0xFFFFFF90 ss:$0x1], $0xffff  }
0x30d: {  	v27 =	vld.idx.msk [tilespmem:v17+s8+$0xFFFFFFC0 ss:$0x1], $0xffff  }
0x30e: {  	s9 =	sadd.s32 $0x200, s9;
	v28 =	vld.idx.msk [tilespmem:v17+s8+$0xFFFFFFD0 ss:$0x1], $0xffff  }
0x30f: {  	_ =	sdelay $0x3  }
0x310: {  	v29 =	vld.idx.msk [tilespmem:v18+s8+$0xFFFFFFA0 ss:$0x1], $0xffff  }
0x311: {  	v30 =	vld.idx.msk [tilespmem:v18+s8+$0xFFFFFFB0 ss:$0x1], $0xffff  }
0x312: {  	v31 =	vld.idx.msk [tilespmem:v16+s8+$0xFFFFFFA0 ss:$0x1], $0xffff  }
0x313: {  	v32 =	vld.idx.msk [tilespmem:v18+s8+$0xFFFFFFC0 ss:$0x1], $0xffff  }
0x314: {  	v33 =	vld.idx.msk [tilespmem:v16+s8+$0xFFFFFFB0 ss:$0x1], $0xffff  }
0x315: {  	v34 =	vld.idx.msk [tilespmem:v17+s8+$0x0 ss:$0x1], $0xffff;
	v26 =	vadd.f32 v26, v27;
	v42 =	vadd.f32 v29, v28  }
0x316: {  	v43 =	vld.idx.msk [tilespmem:v18+s8+$0xFFFFFFD0 ss:$0x1], $0xffff;
	v25 =	vadd.f32 v30, v25  }
0x317: {  	v44 =	vld.idx.msk [tilespmem:v17+s8+$0x10 ss:$0x1], $0xffff;
	v24 =	vsub.f32 v26, v24;
	v45 =	vsub.f32 v42, v31  }
0x318: {  	v46 =	vld.idx.msk [tilespmem:v18+s8+$0xFFFFFFE0 ss:$0x1], $0xffff;
	v23 =	vadd.f32 v32, v23  }
0x319: {  	v47 =	vld.idx.msk [tilespmem:v17+s8+$0x20 ss:$0x1], $0xffff;
	v24 =	vand.u32 $0x7FFFFFFF, v24;
	v25 =	vsub.f32 v25, v33;
	v26 =	vand.u32 $0x7FFFFFFF, v45  }
0x31a: {  	v48 =	vld.idx.msk [tilespmem:v18+s8+$0xFFFFFFF0 ss:$0x1], $0xffff;
	v24 =	vadd.f32 v26, v24  }
0x31b: {  	v17 =	vld.idx.msk [tilespmem:v17+s8+$0x30 ss:$0x1], $0xffff;
	v49 =	vadd.f32 v43, v34;
	v22 =	vsub.f32 v23, v22;
	v25 =	vand.u32 $0x7FFFFFFF, v25  }
0x31c: {  	v50 =	vld.idx.msk [tilespmem:v18+s8+$0x0 ss:$0x1], $0xffff;
	v24 =	vadd.f32 v25, v24  }
0x31d: {  	v51 =	vadd.f32 v46, v44;
	v21 =	vsub.f32 v49, v21;
	v22 =	vand.u32 $0x7FFFFFFF, v22  }
0x31e: {  	v16 =	vld.idx.msk [tilespmem:v16+s8+$0x0 ss:$0x1], $0xffff;
	v22 =	vadd.f32 v22, v24  }
0x31f: {  	v52 =	vadd.f32 v48, v47;
	v20 =	vsub.f32 v51, v20;
	v21 =	vand.u32 $0x7FFFFFFF, v21  }
0x320: {  	v21 =	vadd.f32 v21, v22  }
0x321: {  	v17 =	vadd.f32 v50, v17;
	v19 =	vsub.f32 v52, v19;
	v20 =	vand.u32 $0x7FFFFFFF, v20  }
0x322: {  	v53 =	vadd.f32 v20, v21  }
0x323: {  	v16 =	vsub.f32 v17, v16;
	v19 =	vand.u32 $0x7FFFFFFF, v19  }
0x324: {  	v17 =	vadd.f32 v19, v53  }
0x325: {  	v16 =	vand.u32 $0x7FFFFFFF, v16  }
0x326: {  	v16 =	vadd.f32 v16, v17  }
0x327: {  	s6 =	sadd.s32 $0x18, s6  }
0x328: {  	[tilespmem:s6+$0x0] =	vst v16  }
0x329: {  	v16 =	vld.idx.msk [tilespmem:v0+s30+$0x0], $0xffff  }
0x32a: {  	v17 =	vld.idx.msk [tilespmem:v1+s30+$0x0], $0xffff;
	_ =	sdelay $0x1  }
0x32b: {  	v54 =	vld.idx.msk [tilespmem:v2+s30+$0x0], $0xffff;
	_ =	sdelay $0x1  }
0x32c: {  	v55 =	vld.idx.msk [tilespmem:v3+s30+$0x0], $0xffff  }
0x32d: {  	v16 =	vadd.f32 v17, v16  }
0x32e: {  	v17 =	vld.idx.msk [tilespmem:v4+s30+$0x0], $0xffff  }
0x32f: {  	v16 =	vadd.f32 v54, v16  }
0x330: {  	v56 =	vld.idx.msk [tilespmem:v5+s30+$0x0], $0xffff  }
0x331: {  	v16 =	vadd.f32 v55, v16  }
0x332: {  	v57 =	vld.idx.msk [tilespmem:v6+s30+$0x0], $0xffff  }
0x333: {  	v16 =	vadd.f32 v17, v16  }
0x334: {  	v17 =	vld.idx.msk [tilespmem:v7+s30+$0x0], $0xffff  }
0x335: {  	v16 =	vadd.f32 v56, v16  }
0x336: {  	v58 =	vld.idx.msk [tilespmem:v8+s30+$0x0], $0xffff  }
0x337: {  	v16 =	vadd.f32 v57, v16  }
0x338: {  	v59 =	vld.idx.msk [tilespmem:v9+s30+$0x0], $0xffff  }
0x339: {  	v16 =	vadd.f32 v17, v16  }
0x33a: {  	v17 =	vld.idx.msk [tilespmem:v10+s30+$0x0], $0xffff  }
0x33b: {  	v16 =	vadd.f32 v58, v16  }
0x33c: {  	v60 =	vld.idx.msk [tilespmem:v11+s30+$0x0], $0xffff  }
0x33d: {  	v16 =	vadd.f32 v59, v16  }
0x33e: {  	v61 =	vld.idx.msk [tilespmem:v12+s30+$0x0], $0xffff  }
0x33f: {  	v16 =	vadd.f32 v17, v16  }
0x340: {  	v17 =	vld.idx.msk [tilespmem:v13+s30+$0x0], $0xffff  }
0x341: {  	v16 =	vadd.f32 v60, v16  }
0x342: {  	v62 =	vld.idx.msk [tilespmem:v14+s30+$0x0], $0xffff  }
0x343: {  	v16 =	vadd.f32 v61, v16  }
0x344: {  	v63 =	vld.idx.msk [tilespmem:v15+s30+$0x0], $0xffff  }
0x345: {  	v16 =	vadd.f32 v17, v16;
	_ =	sdelay $0x1  }
0x346: {  	s26 =	sadd.s32 $0x1, s26;
	v16 =	vadd.f32 v62, v16  }
0x347: {  	p0 =	sne.s32 s26, $0x6  }
.Ltmp9:
0x348: {  	v16 =	vadd.f32 v63, v16;
	(pc) =	sbr.rel @p0 .LBB2_18-.Ltmp9, $3  }
0x349: {  	_ = 	snop  }
0x34a: {  	v16 =	vsub.f32 $0.0e+00, v16;
	_ =	sdelay $0x1  }
0x34b: {  	s31 =	sadd.s32 $0x800, s31;
	s15 =	sadd.s32 $0x800, s15;
	s16 =	sadd.s32 $0x800, s16;
	[tilespmem:s5+$0x18780] =	vst v16  }
0x34c: {  	s26 =	simm.s32 $0x0;
	s5 =	simm.s32 $0x18780  }
0x34d: {  	[hbm4b:s12+s26] =	stream.linear.scatter [tilespmem:s5], [sflag:$0x3], $0x60, $0x38;
	[tilespmem:$0x18980] =	vst v63  }
0x34e: {  	_ =	swait.ge [sflag:s17], $0x1000  }
0x34f: {  	[sflag:s17] =	ssyncset.done $0x0  }
0x350: {  	[sflag:s17] =	ssyncadd.s32 $0xFFFFF000  }
0x351: {  	_ =	swait.ge [sflag:s17], $0x1000  }
0x352: {  	[sflag:s17] =	ssyncset.done $0x0  }
0x353: {  	[sflag:s17] =	ssyncadd.s32 $0xFFFFF000  }
0x354: {  	_ =	swait.ge [sflag:s17], $0x1000  }
0x355: {  	[sflag:s17] =	ssyncset.done $0x0  }
0x356: {  	p1 =	por $0x1, $0x1;
	[sflag:s17] =	ssyncadd.s32 $0xFFFFF000  }
.LBB2_22:
0x357: {  	s5 =	sshll.u32 s26, $0x7  }
0x358: {  	s5 =	sand.u32 $0x3FFFFF80, s5  }
0x359: {  	s6 =	sadd.s32 $0x14670, s5  }
0x35a: {  	v16 =	vmov s6;
	_ =	sdelay $0x2  }
0x35b: {  	s16 =	sadd.s32 $0xC640, s5  }
0x35c: {  	s31 =	simm.s32 $0x0;
	v17 =	vmov s16  }
0x35d: {  	v19 =	vld.idx.msk [tilespmem:v16+s31+$0xFFFFFFF0 ss:$0x1], $0xffff  }
0x35e: {  	s5 =	sadd.s32 $0x10670, s5;
	v20 =	vld.idx.msk [tilespmem:v16+s31+$0xFFFFFFE0 ss:$0x1], $0xffff  }
0x35f: {  	v18 =	vmov s5;
	v21 =	vld.idx.msk [tilespmem:v16+s31+$0xFFFFFFD0 ss:$0x1], $0xffff  }
0x360: {  	v22 =	vld.idx.msk [tilespmem:v16+s31+$0xFFFFFFC0 ss:$0x1], $0xffff  }
0x361: {  	v23 =	vld.idx.msk [tilespmem:v17+s31+$0xFFFFFFF0 ss:$0x1], $0xffff  }
0x362: {  	v24 =	vld.idx.msk [tilespmem:v16+s31+$0xFFFFFF90 ss:$0x1], $0xffff  }
0x363: {  	v25 =	vld.idx.msk [tilespmem:v17+s31+$0xFFFFFFE0 ss:$0x1], $0xffff  }
0x364: {  	v26 =	vld.idx.msk [tilespmem:v18+s31+$0xFFFFFF90 ss:$0x1], $0xffff  }
0x365: {  	v27 =	vld.idx.msk [tilespmem:v17+s31+$0xFFFFFFC0 ss:$0x1], $0xffff  }
0x366: {  	v28 =	vld.idx.msk [tilespmem:v17+s31+$0xFFFFFFD0 ss:$0x1], $0xffff  }
0x367: {  	v29 =	vld.idx.msk [tilespmem:v18+s31+$0xFFFFFFA0 ss:$0x1], $0xffff  }
0x368: {  	v30 =	vld.idx.msk [tilespmem:v18+s31+$0xFFFFFFB0 ss:$0x1], $0xffff  }
0x369: {  	v31 =	vld.idx.msk [tilespmem:v16+s31+$0xFFFFFFA0 ss:$0x1], $0xffff  }
0x36a: {  	v32 =	vld.idx.msk [tilespmem:v18+s31+$0xFFFFFFC0 ss:$0x1], $0xffff  }
0x36b: {  	v33 =	vld.idx.msk [tilespmem:v16+s31+$0xFFFFFFB0 ss:$0x1], $0xffff  }
0x36c: {  	v34 =	vld.idx.msk [tilespmem:v17+s31+$0x0 ss:$0x1], $0xffff;
	v26 =	vadd.f32 v26, v27;
	v27 =	vadd.f32 v29, v28  }
0x36d: {  	v28 =	vld.idx.msk [tilespmem:v18+s31+$0xFFFFFFD0 ss:$0x1], $0xffff;
	v25 =	vadd.f32 v30, v25  }
0x36e: {  	v29 =	vld.idx.msk [tilespmem:v17+s31+$0x10 ss:$0x1], $0xffff;
	v24 =	vsub.f32 v26, v24;
	v26 =	vsub.f32 v27, v31  }
0x36f: {  	v23 =	vadd.f32 v32, v23;
	v27 =	vld.idx.msk [tilespmem:v18+s31+$0xFFFFFFE0 ss:$0x1], $0xffff  }
0x370: {  	v30 =	vld.idx.msk [tilespmem:v17+s31+$0x20 ss:$0x1], $0xffff;
	v25 =	vsub.f32 v25, v33;
	v24 =	vand.u32 $0x7FFFFFFF, v24;
	v26 =	vand.u32 $0x7FFFFFFF, v26  }
0x371: {  	v31 =	vld.idx.msk [tilespmem:v18+s31+$0xFFFFFFF0 ss:$0x1], $0xffff;
	v24 =	vadd.f32 v26, v24  }
0x372: {  	v22 =	vsub.f32 v23, v22;
	v25 =	vand.u32 $0x7FFFFFFF, v25;
	v26 =	vld.idx.msk [tilespmem:v17+s31+$0x30 ss:$0x1], $0xffff;
	v23 =	vadd.f32 v28, v34  }
0x373: {  	v28 =	vld.idx.msk [tilespmem:v18+s31+$0x0 ss:$0x1], $0xffff;
	v24 =	vadd.f32 v25, v24  }
0x374: {  	v22 =	vand.u32 $0x7FFFFFFF, v22;
	v21 =	vsub.f32 v23, v21;
	v23 =	vadd.f32 v27, v29  }
0x375: {  	v25 =	vld.idx.msk [tilespmem:v16+s31+$0x0 ss:$0x1], $0xffff;
	v22 =	vadd.f32 v22, v24  }
0x376: {  	v21 =	vand.u32 $0x7FFFFFFF, v21;
	v20 =	vsub.f32 v23, v20;
	v23 =	vadd.f32 v31, v30  }
0x377: {  	v21 =	vadd.f32 v21, v22  }
0x378: {  	v20 =	vand.u32 $0x7FFFFFFF, v20;
	v19 =	vsub.f32 v23, v19;
	v22 =	vadd.f32 v28, v26  }
0x379: {  	v20 =	vadd.f32 v20, v21  }
0x37a: {  	v19 =	vand.u32 $0x7FFFFFFF, v19;
	v21 =	vsub.f32 v22, v25  }
0x37b: {  	v19 =	vadd.f32 v19, v20  }
0x37c: {  	v20 =	vand.u32 $0x7FFFFFFF, v21  }
0x37d: {  	v19 =	vadd.f32 v20, v19  }
0x37e: {  	s5 =	simm.s32 $0x18800  }
0x37f: {  	s6 =	simm.s32 $0x80;
	[tilespmem:s5+$0x0] =	vst v19  }
0x380: {  	v19 =	vld.idx.msk [tilespmem:v16+s6+$0xFFFFFFF0 ss:$0x1], $0xffff  }
0x381: {  	v20 =	vld.idx.msk [tilespmem:v16+s6+$0xFFFFFFE0 ss:$0x1], $0xffff  }
0x382: {  	v21 =	vld.idx.msk [tilespmem:v16+s6+$0xFFFFFFD0 ss:$0x1], $0xffff  }
0x383: {  	v22 =	vld.idx.msk [tilespmem:v16+s6+$0xFFFFFFC0 ss:$0x1], $0xffff  }
0x384: {  	v23 =	vld.idx.msk [tilespmem:v17+s6+$0xFFFFFFF0 ss:$0x1], $0xffff  }
0x385: {  	v24 =	vld.idx.msk [tilespmem:v16+s6+$0xFFFFFF90 ss:$0x1], $0xffff  }
0x386: {  	v25 =	vld.idx.msk [tilespmem:v17+s6+$0xFFFFFFE0 ss:$0x1], $0xffff  }
0x387: {  	v26 =	vld.idx.msk [tilespmem:v18+s6+$0xFFFFFF90 ss:$0x1], $0xffff  }
0x388: {  	v27 =	vld.idx.msk [tilespmem:v17+s6+$0xFFFFFFC0 ss:$0x1], $0xffff  }
0x389: {  	p0 =	por p1, p1;
	s8 =	simm.s32 $0x400;
	v28 =	vld.idx.msk [tilespmem:v17+s6+$0xFFFFFFD0 ss:$0x1], $0xffff  }
.LBB2_23:
0x38a: {  	p1 =	sne.s32 s8, $0x1E00;
	v29 =	vld.idx.msk [tilespmem:v18+s6+$0xFFFFFFA0 ss:$0x1], $0xffff  }
0x38b: {  	v30 =	vld.idx.msk [tilespmem:v18+s6+$0xFFFFFFB0 ss:$0x1], $0xffff  }
0x38c: {  	v31 =	vld.idx.msk [tilespmem:v16+s6+$0xFFFFFFA0 ss:$0x1], $0xffff  }
0x38d: {  	v32 =	vld.idx.msk [tilespmem:v18+s6+$0xFFFFFFC0 ss:$0x1], $0xffff  }
0x38e: {  	v33 =	vld.idx.msk [tilespmem:v16+s6+$0xFFFFFFB0 ss:$0x1], $0xffff  }
0x38f: {  	v34 =	vld.idx.msk [tilespmem:v17+s6+$0x0 ss:$0x1], $0xffff  }
0x390: {  	v26 =	vadd.f32 v26, v27;
	v27 =	vadd.f32 v29, v28;
	v28 =	vld.idx.msk [tilespmem:v18+s6+$0xFFFFFFD0 ss:$0x1], $0xffff  }
0x391: {  	v25 =	vadd.f32 v30, v25;
	v29 =	vld.idx.msk [tilespmem:v17+s6+$0x10 ss:$0x1], $0xffff  }
0x392: {  	v24 =	vsub.f32 v26, v24;
	v26 =	vsub.f32 v27, v31;
	v27 =	vld.idx.msk [tilespmem:v18+s6+$0xFFFFFFE0 ss:$0x1], $0xffff  }
0x393: {  	v23 =	vadd.f32 v32, v23;
	v30 =	vld.idx.msk [tilespmem:v17+s6+$0x20 ss:$0x1], $0xffff  }
0x394: {  	v24 =	vand.u32 $0x7FFFFFFF, v24;
	v26 =	vand.u32 $0x7FFFFFFF, v26;
	v25 =	vsub.f32 v25, v33;
	v31 =	vld.idx.msk [tilespmem:v18+s6+$0xFFFFFFF0 ss:$0x1], $0xffff  }
0x395: {  	v24 =	vadd.f32 v26, v24;
	v26 =	vld.idx.msk [tilespmem:v17+s6+$0x30 ss:$0x1], $0xffff  }
0x396: {  	v22 =	vsub.f32 v23, v22;
	v25 =	vand.u32 $0x7FFFFFFF, v25;
	v23 =	vadd.f32 v28, v34;
	v28 =	vld.idx.msk [tilespmem:v18+s6+$0x0 ss:$0x1], $0xffff  }
0x397: {  	v24 =	vadd.f32 v25, v24  }
0x398: {  	v22 =	vand.u32 $0x7FFFFFFF, v22;
	v21 =	vsub.f32 v23, v21;
	v23 =	vadd.f32 v27, v29;
	v25 =	vld.idx.msk [tilespmem:v16+s6+$0x0 ss:$0x1], $0xffff  }
0x399: {  	v22 =	vadd.f32 v22, v24  }
0x39a: {  	v21 =	vand.u32 $0x7FFFFFFF, v21;
	v20 =	vsub.f32 v23, v20;
	v23 =	vadd.f32 v31, v30  }
0x39b: {  	v21 =	vadd.f32 v21, v22  }
0x39c: {  	v20 =	vand.u32 $0x7FFFFFFF, v20;
	v19 =	vsub.f32 v23, v19;
	v22 =	vadd.f32 v28, v26  }
0x39d: {  	v20 =	vadd.f32 v20, v21  }
0x39e: {  	v19 =	vand.u32 $0x7FFFFFFF, v19;
	v21 =	vsub.f32 v22, v25  }
0x39f: {  	v19 =	vadd.f32 v19, v20  }
0x3a0: {  	v20 =	vand.u32 $0x7FFFFFFF, v21  }
0x3a1: {  	v19 =	vadd.f32 v20, v19  }
0x3a2: {  	s5 =	sadd.s32 $0x18, s5  }
0x3a3: {  	s6 =	sshra.s32 s8, $0x2;
	[tilespmem:s5+$0x0] =	vst v19  }
0x3a4: {  	v19 =	vld.idx.msk [tilespmem:v16+s6+$0xFFFFFFF0 ss:$0x1], $0xffff  }
0x3a5: {  	v20 =	vld.idx.msk [tilespmem:v16+s6+$0xFFFFFFE0 ss:$0x1], $0xffff  }
0x3a6: {  	v21 =	vld.idx.msk [tilespmem:v16+s6+$0xFFFFFFD0 ss:$0x1], $0xffff  }
0x3a7: {  	v22 =	vld.idx.msk [tilespmem:v16+s6+$0xFFFFFFC0 ss:$0x1], $0xffff  }
0x3a8: {  	v23 =	vld.idx.msk [tilespmem:v17+s6+$0xFFFFFFF0 ss:$0x1], $0xffff  }
.Ltmp10:
0x3a9: {  	v24 =	vld.idx.msk [tilespmem:v16+s6+$0xFFFFFF90 ss:$0x1], $0xffff;
	(pc) =	sbr.rel @p1 .LBB2_23-.Ltmp10, $4  }
0x3aa: {  	v25 =	vld.idx.msk [tilespmem:v17+s6+$0xFFFFFFE0 ss:$0x1], $0xffff  }
0x3ab: {  	v26 =	vld.idx.msk [tilespmem:v18+s6+$0xFFFFFF90 ss:$0x1], $0xffff  }
0x3ac: {  	v27 =	vld.idx.msk [tilespmem:v17+s6+$0xFFFFFFC0 ss:$0x1], $0xffff  }
0x3ad: {  	s8 =	sadd.s32 $0x200, s8;
	v28 =	vld.idx.msk [tilespmem:v17+s6+$0xFFFFFFD0 ss:$0x1], $0xffff  }
0x3ae: {  	_ =	sdelay $0x3  }
0x3af: {  	v29 =	vld.idx.msk [tilespmem:v18+s6+$0xFFFFFFA0 ss:$0x1], $0xffff  }
0x3b0: {  	v30 =	vld.idx.msk [tilespmem:v18+s6+$0xFFFFFFB0 ss:$0x1], $0xffff  }
0x3b1: {  	v31 =	vld.idx.msk [tilespmem:v16+s6+$0xFFFFFFA0 ss:$0x1], $0xffff  }
0x3b2: {  	v32 =	vld.idx.msk [tilespmem:v18+s6+$0xFFFFFFC0 ss:$0x1], $0xffff  }
0x3b3: {  	v33 =	vld.idx.msk [tilespmem:v16+s6+$0xFFFFFFB0 ss:$0x1], $0xffff  }
0x3b4: {  	v34 =	vld.idx.msk [tilespmem:v17+s6+$0x0 ss:$0x1], $0xffff;
	v26 =	vadd.f32 v26, v27;
	v42 =	vadd.f32 v29, v28  }
0x3b5: {  	v43 =	vld.idx.msk [tilespmem:v18+s6+$0xFFFFFFD0 ss:$0x1], $0xffff;
	v25 =	vadd.f32 v30, v25  }
0x3b6: {  	v44 =	vld.idx.msk [tilespmem:v17+s6+$0x10 ss:$0x1], $0xffff;
	v24 =	vsub.f32 v26, v24;
	v45 =	vsub.f32 v42, v31  }
0x3b7: {  	v46 =	vld.idx.msk [tilespmem:v18+s6+$0xFFFFFFE0 ss:$0x1], $0xffff;
	v23 =	vadd.f32 v32, v23  }
0x3b8: {  	v47 =	vld.idx.msk [tilespmem:v17+s6+$0x20 ss:$0x1], $0xffff;
	v24 =	vand.u32 $0x7FFFFFFF, v24;
	v25 =	vsub.f32 v25, v33;
	v26 =	vand.u32 $0x7FFFFFFF, v45  }
0x3b9: {  	v48 =	vld.idx.msk [tilespmem:v18+s6+$0xFFFFFFF0 ss:$0x1], $0xffff;
	v24 =	vadd.f32 v26, v24  }
0x3ba: {  	v17 =	vld.idx.msk [tilespmem:v17+s6+$0x30 ss:$0x1], $0xffff;
	v49 =	vadd.f32 v43, v34;
	v22 =	vsub.f32 v23, v22;
	v25 =	vand.u32 $0x7FFFFFFF, v25  }
0x3bb: {  	v50 =	vld.idx.msk [tilespmem:v18+s6+$0x0 ss:$0x1], $0xffff;
	v24 =	vadd.f32 v25, v24  }
0x3bc: {  	v51 =	vadd.f32 v46, v44;
	v21 =	vsub.f32 v49, v21;
	v22 =	vand.u32 $0x7FFFFFFF, v22  }
0x3bd: {  	v16 =	vld.idx.msk [tilespmem:v16+s6+$0x0 ss:$0x1], $0xffff;
	v22 =	vadd.f32 v22, v24  }
0x3be: {  	v52 =	vadd.f32 v48, v47;
	v20 =	vsub.f32 v51, v20;
	v21 =	vand.u32 $0x7FFFFFFF, v21  }
0x3bf: {  	v21 =	vadd.f32 v21, v22  }
0x3c0: {  	v17 =	vadd.f32 v50, v17;
	v19 =	vsub.f32 v52, v19;
	v20 =	vand.u32 $0x7FFFFFFF, v20  }
0x3c1: {  	v53 =	vadd.f32 v20, v21  }
0x3c2: {  	v16 =	vsub.f32 v17, v16;
	v19 =	vand.u32 $0x7FFFFFFF, v19  }
0x3c3: {  	v17 =	vadd.f32 v19, v53  }
0x3c4: {  	v16 =	vand.u32 $0x7FFFFFFF, v16  }
0x3c5: {  	v16 =	vadd.f32 v16, v17  }
0x3c6: {  	s5 =	sadd.s32 $0x18, s5  }
0x3c7: {  	[tilespmem:s5+$0x0] =	vst v16  }
0x3c8: {  	v16 =	vld.idx.msk [tilespmem:v0+s30+$0x0], $0xffff  }
0x3c9: {  	v17 =	vld.idx.msk [tilespmem:v1+s30+$0x0], $0xffff;
	_ =	sdelay $0x1  }
0x3ca: {  	v54 =	vld.idx.msk [tilespmem:v2+s30+$0x0], $0xffff;
	_ =	sdelay $0x1  }
0x3cb: {  	v55 =	vld.idx.msk [tilespmem:v3+s30+$0x0], $0xffff  }
0x3cc: {  	v16 =	vadd.f32 v17, v16  }
0x3cd: {  	v17 =	vld.idx.msk [tilespmem:v4+s30+$0x0], $0xffff  }
0x3ce: {  	v16 =	vadd.f32 v54, v16  }
0x3cf: {  	v56 =	vld.idx.msk [tilespmem:v5+s30+$0x0], $0xffff  }
0x3d0: {  	v16 =	vadd.f32 v55, v16  }
0x3d1: {  	v57 =	vld.idx.msk [tilespmem:v6+s30+$0x0], $0xffff  }
0x3d2: {  	v16 =	vadd.f32 v17, v16  }
0x3d3: {  	v17 =	vld.idx.msk [tilespmem:v7+s30+$0x0], $0xffff  }
0x3d4: {  	v16 =	vadd.f32 v56, v16  }
0x3d5: {  	v58 =	vld.idx.msk [tilespmem:v8+s30+$0x0], $0xffff  }
0x3d6: {  	v16 =	vadd.f32 v57, v16  }
0x3d7: {  	v59 =	vld.idx.msk [tilespmem:v9+s30+$0x0], $0xffff  }
0x3d8: {  	v16 =	vadd.f32 v17, v16  }
0x3d9: {  	v17 =	vld.idx.msk [tilespmem:v10+s30+$0x0], $0xffff  }
0x3da: {  	v16 =	vadd.f32 v58, v16  }
0x3db: {  	v60 =	vld.idx.msk [tilespmem:v11+s30+$0x0], $0xffff  }
0x3dc: {  	v16 =	vadd.f32 v59, v16  }
0x3dd: {  	v61 =	vld.idx.msk [tilespmem:v12+s30+$0x0], $0xffff  }
0x3de: {  	v16 =	vadd.f32 v17, v16  }
0x3df: {  	v17 =	vld.idx.msk [tilespmem:v13+s30+$0x0], $0xffff  }
0x3e0: {  	v16 =	vadd.f32 v60, v16  }
0x3e1: {  	v62 =	vld.idx.msk [tilespmem:v14+s30+$0x0], $0xffff  }
0x3e2: {  	v16 =	vadd.f32 v61, v16  }
0x3e3: {  	v63 =	vld.idx.msk [tilespmem:v15+s30+$0x0], $0xffff  }
0x3e4: {  	v16 =	vadd.f32 v17, v16;
	_ =	sdelay $0x1  }
0x3e5: {  	v16 =	vadd.f32 v62, v16;
	_ =	sdelay $0x1  }
.Ltmp11:
0x3e6: {  	v16 =	vadd.f32 v63, v16;
	(pc) =	sbr.rel @p0 .LBB2_22-.Ltmp11, $3  }
0x3e7: {  	_ = 	snop  }
0x3e8: {  	v16 =	vsub.f32 $0.0e+00, v16;
	_ =	sdelay $0x1  }
0x3e9: {  	p1 =	por $0x0, $0x0;
	[tilespmem:s26+$0x187E0] =	vst v16;
	s26 =	simm.s32 $0x10  }
0x3ea: {  	s5 =	simm.s32 $0x187E0  }
0x3eb: {  	[hbm4b:s13+s4] =	stream.linear.scatter [tilespmem:s5], [sflag:$0x3], $0x20, $0x38;
	[tilespmem:$0x18980] =	vst v63  }
0x3ec: {  	_ =	swait.ge [sflag:s3], $0x20  }
0x3ed: {  	[sflag:s3] =	ssyncset.done $0x0  }
0x3ee: {  	[sflag:s3] =	ssyncadd.s32 $0xFFFFFFE0  }
0x3ef: {  	_ =	swait.ge [sflag:s3], $0x60  }
0x3f0: {  	[sflag:s3] =	ssyncset.done $0x0  }
0x3f1: {  	[sflag:s3] =	ssyncadd.s32 $0xFFFFFFA0  }
0x3f2: {  	_ =	swait.ge [sflag:s3], $0x80  }
0x3f3: {  	[sflag:s3] =	ssyncset.done $0x0  }
0x3f4: {  	[sflag:s3] =	ssyncadd.s32 $0xFFFFFF80  }
0x3f5: {  	_ =	swait.ge [sflag:s3], $0x80  }
0x3f6: {  	[sflag:s3] =	ssyncset.done $0x0  }
0x3f7: {  	s24 =	sadd.s32 $0x1, s24;
	[sflag:s3] =	ssyncadd.s32 $0xFFFFFF80  }
0x3f8: {  	p0 =	sne.s32 s24, s14;
	_ =	swait.ge [sflag:s3], $0x60  }
.Ltmp12:
0x3f9: {  	[sflag:s3] =	ssyncset.done $0x0;
	(pc) =	sbr.rel @p0 .LBB2_1-.Ltmp12, $4  }
0x3fa: {  	[sflag:s3] =	ssyncadd.s32 $0xFFFFFFA0  }
0x3fb: {  	_ =	swait.ge [sflag:s3], $0x20  }
0x3fc: {  	[sflag:s3] =	ssyncset.done $0x0  }
0x3fd: {  	[sflag:s3] =	ssyncadd.s32 $0xFFFFFFE0  }
0x3fe: {  	_ =	sfence.sel $0x180000  }
0x3ff: {  	[bflag:$0x0] =	sbarrier.arrive $0xFFFF  }
0x400: {  	_ =	strace $0x90000047  }
0x401: {  	s0 =	stileid.u32;
	[bflag:$0x2] =	sbarrier.arrive $0xFFFF  }
0x402: {  	p0 =	sne.s32 s0, $0x0;
	s0 =	rddreg [dreg:$0x6]  }
0x403: {  	s0 =	sadd.s32 @!p0 $0x100000, s0  }
0x404: {  	[sflag:s0] =	ssyncadd.tile.s32 @!p0 $0x1;
	_ =	shalt  }
.Lfunc_end2:
_tile_overlayer_lowered:
.L_overlay_start_2:
0x405: {  	(tag) =	ssettag $0x2  }
0x406: {  	s0 =	rddreg [dreg:$0x0];
	s2 =	stileid.u32  }
0x407: {  	s1 =	rddreg [dreg:$0x1];
	p0 =	sne.s32 s2, $0x0  }
0x408: {  	s3 =	rddreg [dreg:$0x2];
	[bflag:$0x3] =	sbarrier.arrive $0xFFFF;
	s2 =	simm.s32 @!p0 $0x1C04  }
0x409: {  	[timem:s3], [sflag:s2] =	dma.local @!p0 [hbm:s0], s1  }
0x40a: {  	s0 =	simm.s32 @!p0 $0x4  }
0x40b: {  	_ =	swait.ge @!p0 [sflag:s0], s1  }
0x40c: {  	s1 =	ssub.s32 @!p0 $0x0, s1;
	[sflag:s0] =	ssyncset.done @!p0 $0x0  }
0x40d: {  	[sflag:s0] =	ssyncadd.s32 @!p0 s1  }
0x40e: {  	[bflag:$0x3] =	sbarrier.arrive $0xFFFF  }
0x40f: {  	_ =	shalt  }

</sc_bundles>
